<compile_context>
chip_gen: v7x
topology: tpu7x:2x2x1
jax: 0.10.2.dev20260603
libtpu: 0.0.44.dev20260713+nightly
codegen_flags: <defaults>
</compile_context>

<pallas_src>
import functools

import jax
import jax.numpy as jnp
from jax import lax
from jax.experimental import pallas as pl
from jax.experimental.pallas import tpu as pltpu
from jax.experimental.pallas import tpu_sc as plsc

_NC = 2
_NS = 16
_NW = _NC * _NS
_L = 16


@functools.lru_cache(maxsize=None)
def _make_sc_scores(V, D, B, C, NTOT):
    ni = B // _NW
    no = (B * C) // _NW
    nn = (B * NTOT) // _NW
    NH = D // (2 * _L)
    assert nn == ni * NTOT and no == ni * C
    mesh = plsc.VectorSubcoreMesh(core_axis_name="c", subcore_axis_name="s")

    @functools.partial(
        pl.kernel, mesh=mesh,
        out_type=[
            jax.ShapeDtypeStruct((B * C,), jnp.float32),
            jax.ShapeDtypeStruct((B * NTOT,), jnp.float32),
        ],
        scratch_types=[
            pltpu.VMEM((no,), jnp.int32),
            pltpu.VMEM((nn,), jnp.int32),
            pltpu.VMEM((ni, D), jnp.float32),
            pltpu.VMEM((no, D), jnp.float32),
            pltpu.VMEM((NTOT, D), jnp.float32),
            pltpu.VMEM((NTOT, D), jnp.float32),
            pltpu.VMEM((no + _L,), jnp.float32),
            pltpu.VMEM((nn + _L,), jnp.float32),
            pltpu.SemaphoreType.DMA,
            pltpu.SemaphoreType.DMA,
            pltpu.SemaphoreType.DMA,
            pltpu.SemaphoreType.DMA,
            pltpu.SemaphoreType.DMA,
        ],
        compiler_params=pltpu.CompilerParams(
            use_tc_tiling_on_sc=False, needs_layout_passes=False),
    )
    def sgns_sc(iv_all, emb_o, ow, nw, osc_out, nsc_out,
                owi, nwi, iv_v, ow_v, nv0, nv1, sc_o, sc_n,
                semp, sem0, sem0b, sem1, sem1b):
        HK = NTOT // 2

        def start_nv(b, nv_buf, sems):
            base = b * NTOT
            pltpu.async_copy(
                emb_o.at[nwi.at[pl.ds(base, HK)]],
                nv_buf.at[pl.ds(0, HK)], sems[0])
            pltpu.async_copy(
                emb_o.at[nwi.at[pl.ds(base + HK, HK)]],
                nv_buf.at[pl.ds(HK, HK)], sems[1])

        def wait_nv(nv_buf, sems):
            pltpu.make_async_copy(
                emb_o.at[nwi.at[pl.ds(0, HK)]],
                nv_buf.at[pl.ds(0, HK)], sems[0]).wait()
            pltpu.make_async_copy(
                emb_o.at[nwi.at[pl.ds(0, HK)]],
                nv_buf.at[pl.ds(HK, HK)], sems[1]).wait()

        wid = lax.axis_index("s") * _NC + lax.axis_index("c")
        pltpu.sync_copy(nw.at[pl.ds(wid * nn, nn)], nwi)
        start_nv(0, nv0, (sem0, sem0b))
        pltpu.sync_copy(ow.at[pl.ds(wid * no, no)], owi)
        pltpu.sync_copy(iv_all.at[pl.ds(wid * ni, ni)], iv_v)
        pltpu.async_copy(emb_o.at[owi], ow_v, semp).wait()

        lane = lax.broadcasted_iota(jnp.int32, (_L,), 0)

        def row_quarters(rows_ref, r):
            return [rows_ref[r, pl.ds(q * _L, _L)] for q in range(2 * NH)]

        def dots_group(rows_ref, rbase, count, ivq, sc_ref, sbase):
            score = jnp.zeros((_L,), jnp.float32)
            for u in range(count):
                qs = row_quarters(rows_ref, rbase + u)
                p = qs[0] * ivq[0]
                for q in range(1, 2 * NH):
                    p += qs[q] * ivq[q]
                score = jnp.where(lane == u, jnp.sum(p), score)
            sc_ref[pl.ds(sbase, _L)] = score

        def half(b, nv_cur, sem_cur, nv_nxt, sem_nxt, nxt_b, has_next):
            @pl.when(has_next)
            def _():
                start_nv(nxt_b, nv_nxt, sem_nxt)
            ivq = row_quarters(iv_v, b)
            for g0 in range(0, C, _L):
                dots_group(ow_v, b * C + g0, min(_L, C - g0), ivq,
                           sc_o, b * C + g0)
            wait_nv(nv_cur, sem_cur)

            def gbody(jj, cc):
                dots_group(nv_cur, jj * _L, _L, ivq, sc_n,
                           b * NTOT + jj * _L)
                return cc
            lax.fori_loop(0, NTOT // _L, gbody, 0)

        def pair(bb, c):
            b0 = 2 * bb
            half(b0, nv0, (sem0, sem0b), nv1, (sem1, sem1b), b0 + 1, True)
            half(b0 + 1, nv1, (sem1, sem1b), nv0, (sem0, sem0b), b0 + 2,
                 bb < ni // 2 - 1)
            return c

        lax.fori_loop(0, ni // 2, pair, 0)
        pltpu.sync_copy(sc_o.at[pl.ds(0, no)],
                        osc_out.at[pl.ds(wid * no, no)])
        pltpu.sync_copy(sc_n.at[pl.ds(0, nn)],
                        nsc_out.at[pl.ds(wid * nn, nn)])

    return sgns_sc


def _log_sigmoid(x):
    return jnp.minimum(x, 0.0) - jnp.log1p(jnp.exp(-jnp.abs(x)))


@functools.lru_cache(maxsize=None)
def _make_loss(B, C, NTOT):
    scale = -1.0 / (B * C)
    ro = (B * C) // 128
    rn = (B * NTOT) // 128

    def body(osc_ref, nsc_ref, out_ref):
        part = (jnp.sum(_log_sigmoid(osc_ref[...]))
                + jnp.sum(_log_sigmoid(-nsc_ref[...])))
        out_ref[...] = scale * jnp.full((1, 1), part, jnp.float32)

    return pl.pallas_call(
        body,
        in_specs=[
            pl.BlockSpec((ro, 128), lambda: (0, 0)),
            pl.BlockSpec((rn, 128), lambda: (0, 0)),
        ],
        out_specs=pl.BlockSpec((1, 1), lambda: (0, 0)),
        out_shape=jax.ShapeDtypeStruct((1, 1), jnp.float32),
    )


def kernel(iword, owords, nwords, emb_i, emb_o):
    V, D = emb_i.shape
    B, C = owords.shape
    NTOT = nwords.shape[1]
    iwf = iword.astype(jnp.int32)
    owf = owords.reshape(-1).astype(jnp.int32)
    nwf = nwords.reshape(-1).astype(jnp.int32)
    iv_all = jnp.take(emb_i, iwf, axis=0)
    osc, nsc = _make_sc_scores(V, D, B, C, NTOT)(
        iv_all, emb_o, owf, nwf)
    out = _make_loss(B, C, NTOT)(
        osc.reshape((B * C) // 128, 128), nsc.reshape((B * NTOT) // 128, 128))
    return out.reshape(())

# --- scband reference (transcript-rebuilt; emitter-appended) ---
"""Pipeline reference for scband-sgns-1829656068586 (READ-ONLY COPY).

The authoritative reference and input builder live on the scoring server;
editing this copy changes nothing except your own understanding.
"""

import jax, jax.numpy as jnp
import numpy as np

VOCAB = 100000
DIM = 64
B = 1024
C = 20
NNEG = 20


def setup_inputs(seed: int = 0) -> dict:
    key = jax.random.key(seed)
    k1, k2, k3, k4, k5 = jax.random.split(key, 5)
    iword = jax.random.randint(k1, (B,), 0, VOCAB, dtype=jnp.int64 if jax.config.jax_enable_x64 else jnp.int32)
    owords = jax.random.randint(k2, (B, C), 0, VOCAB, dtype=jnp.int64 if jax.config.jax_enable_x64 else jnp.int32)
    # In the torch module nwords is sampled uniformly inside forward (weights=None);
    # we materialize it deterministically here for reproducibility.
    nwords = jax.random.randint(k3, (B, C * NNEG), 0, VOCAB, dtype=jnp.int64 if jax.config.jax_enable_x64 else jnp.int32)
    emb_i = jax.random.normal(k4, (VOCAB, DIM), dtype=jnp.float32) * 0.01
    emb_o = jax.random.normal(k5, (VOCAB, DIM), dtype=jnp.float32) * 0.01
    return {"iword": iword, "owords": owords, "nwords": nwords, "emb_i": emb_i, "emb_o": emb_o}


def reference(iword, owords, nwords, emb_i, emb_o):
    # ivectors = embedding.forward_i(iword).unsqueeze(2) -> [B, D, 1]
    ivectors = jnp.take(emb_i, iword, axis=0)[:, :, None]
    # ovectors = embedding.forward_o(owords) -> [B, C, D]
    ovectors = jnp.take(emb_o, owords, axis=0)
    # nvectors = embedding.forward_o(nwords).neg() -> [B, C*NNEG, D]
    nvectors = -jnp.take(emb_o, nwords, axis=0)
    # oloss = bmm(ovectors, ivectors).squeeze().sigmoid().log().mean(1) -> [B]
    oscores = jnp.squeeze(jnp.matmul(ovectors, ivectors), axis=-1)  # [B, C]
    oloss = jnp.mean(jnp.log(jax.nn.sigmoid(oscores)), axis=1)
    # nloss = bmm(nvectors, ivectors).squeeze().sigmoid().log().view(-1,C,NNEG).sum(2).mean(1)
    nscores = jnp.squeeze(jnp.matmul(nvectors, ivectors), axis=-1)  # [B, C*NNEG]
    nloss = jnp.mean(jnp.sum(jnp.log(jax.nn.sigmoid(nscores)).reshape(-1, C, NNEG), axis=2), axis=1)
    # previous_model is None -> rwords branch skipped
    return -jnp.mean(oloss + nloss)

if __name__ == "__main__":
    import jax
    _d = setup_inputs()
    print(jax.jit(kernel)(*tuple(_d.values())))

</pallas_src>

<mosaic_0001>
#map = affine_map<(d0, d1) -> (0, 0)>
#map1 = affine_map<(d0, d1) -> (0)>
module attributes {stable_mosaic.version = 14 : i64} {
  func.func @sgns_sc(%arg0: i32, %arg1: i32, %arg2: memref<1024x64xf32, #tpu.memory_space<hbm>>, %arg3: memref<100000x64xf32, #tpu.memory_space<hbm>>, %arg4: memref<20480xi32, #tpu.memory_space<hbm>>, %arg5: memref<409600xi32, #tpu.memory_space<hbm>>, %arg6: memref<20480xf32, #tpu.memory_space<hbm>>, %arg7: memref<409600xf32, #tpu.memory_space<hbm>>, %arg8: memref<640xi32, #tpu.memory_space<vmem>>, %arg9: memref<12800xi32, #tpu.memory_space<vmem>>, %arg10: memref<32x64xf32, #tpu.memory_space<vmem>>, %arg11: memref<640x64xf32, #tpu.memory_space<vmem>>, %arg12: memref<400x64xf32, #tpu.memory_space<vmem>>, %arg13: memref<400x64xf32, #tpu.memory_space<vmem>>, %arg14: memref<656xf32, #tpu.memory_space<vmem>>, %arg15: memref<12816xf32, #tpu.memory_space<vmem>>, %arg16: memref<!tpu.dma_semaphore, #tpu.memory_space<semaphore_mem>>, %arg17: memref<!tpu.dma_semaphore, #tpu.memory_space<semaphore_mem>>, %arg18: memref<!tpu.dma_semaphore, #tpu.memory_space<semaphore_mem>>, %arg19: memref<!tpu.dma_semaphore, #tpu.memory_space<semaphore_mem>>, %arg20: memref<!tpu.dma_semaphore, #tpu.memory_space<semaphore_mem>>) attributes {dimension_semantics = [#tpu.dimension_semantics<core_parallel>, #tpu.dimension_semantics<subcore_parallel>], iteration_bounds = array<i64: 2, 16>, scalar_prefetch = 0 : i64, scratch_operands = 13 : i64, tpu.core_type = #tpu.core_type<sc_vector_subcore>, window_params = [{transform_indices = #map}, {transform_indices = #map}, {transform_indices = #map1}, {transform_indices = #map1}, {transform_indices = #map1}, {transform_indices = #map1}]} {
    %mul3A = arith.constant 2 : i32
    %mul3A_0 = arith.muli %arg1, %mul3A : i32
    %add3A = arith.addi %mul3A_0, %arg0 : i32
    %mul3A_1 = arith.constant 12800 : i32
    %mul3A_2 = arith.muli %add3A, %mul3A_1 : i32
    "tpu.region"() ({
      %run_scoped3A = tpu.sem_alloc : memref<!tpu.dma_semaphore, #tpu.memory_space<semaphore_mem>>
      %dma_start3A_36 = tpu.memref_slice %arg5[%mul3A_2] : memref<409600xi32, #tpu.memory_space<hbm>> -> memref<12800xi32, #tpu.memory_space<hbm>>
      %dma_start3A_37 = tpu.memref_slice %arg5[%mul3A_2] : memref<409600xi32, #tpu.memory_space<hbm>> -> memref<12800xi32, #tpu.memory_space<hbm>>
      tpu.enqueue_dma source(%dma_start3A_37 : memref<12800xi32, #tpu.memory_space<hbm>>) target(%arg9 : memref<12800xi32, #tpu.memory_space<vmem>>) target_semaphore(%run_scoped3A : memref<!tpu.dma_semaphore, #tpu.memory_space<semaphore_mem>>)
      %dma_wait3A_38 = tpu.memref_slice %arg5[%mul3A_2] : memref<409600xi32, #tpu.memory_space<hbm>> -> memref<12800xi32, #tpu.memory_space<hbm>>
      %dma_wait3A_39 = tpu.memref_slice %arg5[%mul3A_2] : memref<409600xi32, #tpu.memory_space<hbm>> -> memref<12800xi32, #tpu.memory_space<hbm>>
      tpu.wait_dma2 semaphore(%run_scoped3A : memref<!tpu.dma_semaphore, #tpu.memory_space<semaphore_mem>>) src(%dma_wait3A_39 : memref<12800xi32, #tpu.memory_space<hbm>>) dst(%arg9 : memref<12800xi32, #tpu.memory_space<vmem>>)
      tpu.yield
    }) : () -> ()
    %dma_start3A = arith.constant 0 : i32
    %dma_start3A_3 = arith.constant 0 : i32
    %dma_start3A_4 = tpu.memref_slice %arg12[%dma_start3A, %dma_start3A_3] : memref<400x64xf32, #tpu.memory_space<vmem>> -> memref<200x64xf32, #tpu.memory_space<vmem>>
    %dma_start3A_5 = arith.constant 0 : i32
    %dma_start3A_6 = tpu.memref_slice %arg9[%dma_start3A_5] : memref<12800xi32, #tpu.memory_space<vmem>> -> memref<200xi32, #tpu.memory_space<vmem>>
    %dma_start3A_7 = arith.constant 0 : i32
    %dma_start3A_8 = arith.constant 0 : i32
    %dma_start3A_9 = tpu.memref_slice %arg3[%dma_start3A_7, %dma_start3A_8] : memref<100000x64xf32, #tpu.memory_space<hbm>> -> memref<100000x64xf32, #tpu.memory_space<hbm>>
    tpu.enqueue_indirect_dma source(%dma_start3A_9 : memref<100000x64xf32, #tpu.memory_space<hbm>>) target(%dma_start3A_4 : memref<200x64xf32, #tpu.memory_space<vmem>>) offsets(%dma_start3A_6 : memref<200xi32, #tpu.memory_space<vmem>>) semaphore(%arg17 : memref<!tpu.dma_semaphore, #tpu.memory_space<semaphore_mem>>)
    %dma_start3A_10 = arith.constant 200 : i32
    %dma_start3A_11 = arith.constant 0 : i32
    %dma_start3A_12 = tpu.memref_slice %arg12[%dma_start3A_10, %dma_start3A_11] : memref<400x64xf32, #tpu.memory_space<vmem>> -> memref<200x64xf32, #tpu.memory_space<vmem>>
    %dma_start3A_13 = arith.constant 200 : i32
    %dma_start3A_14 = tpu.memref_slice %arg9[%dma_start3A_13] : memref<12800xi32, #tpu.memory_space<vmem>> -> memref<200xi32, #tpu.memory_space<vmem>>
    %dma_start3A_15 = arith.constant 0 : i32
    %dma_start3A_16 = arith.constant 0 : i32
    %dma_start3A_17 = tpu.memref_slice %arg3[%dma_start3A_15, %dma_start3A_16] : memref<100000x64xf32, #tpu.memory_space<hbm>> -> memref<100000x64xf32, #tpu.memory_space<hbm>>
    tpu.enqueue_indirect_dma source(%dma_start3A_17 : memref<100000x64xf32, #tpu.memory_space<hbm>>) target(%dma_start3A_12 : memref<200x64xf32, #tpu.memory_space<vmem>>) offsets(%dma_start3A_14 : memref<200xi32, #tpu.memory_space<vmem>>) semaphore(%arg18 : memref<!tpu.dma_semaphore, #tpu.memory_space<semaphore_mem>>)
    %mul3A_18 = arith.constant 640 : i32
    %mul3A_19 = arith.muli %add3A, %mul3A_18 : i32
    "tpu.region"() ({
      %run_scoped3A = tpu.sem_alloc : memref<!tpu.dma_semaphore, #tpu.memory_space<semaphore_mem>>
      %dma_start3A_36 = tpu.memref_slice %arg4[%mul3A_19] : memref<20480xi32, #tpu.memory_space<hbm>> -> memref<640xi32, #tpu.memory_space<hbm>>
      %dma_start3A_37 = tpu.memref_slice %arg4[%mul3A_19] : memref<20480xi32, #tpu.memory_space<hbm>> -> memref<640xi32, #tpu.memory_space<hbm>>
      tpu.enqueue_dma source(%dma_start3A_37 : memref<640xi32, #tpu.memory_space<hbm>>) target(%arg8 : memref<640xi32, #tpu.memory_space<vmem>>) target_semaphore(%run_scoped3A : memref<!tpu.dma_semaphore, #tpu.memory_space<semaphore_mem>>)
      %dma_wait3A_38 = tpu.memref_slice %arg4[%mul3A_19] : memref<20480xi32, #tpu.memory_space<hbm>> -> memref<640xi32, #tpu.memory_space<hbm>>
      %dma_wait3A_39 = tpu.memref_slice %arg4[%mul3A_19] : memref<20480xi32, #tpu.memory_space<hbm>> -> memref<640xi32, #tpu.memory_space<hbm>>
      tpu.wait_dma2 semaphore(%run_scoped3A : memref<!tpu.dma_semaphore, #tpu.memory_space<semaphore_mem>>) src(%dma_wait3A_39 : memref<640xi32, #tpu.memory_space<hbm>>) dst(%arg8 : memref<640xi32, #tpu.memory_space<vmem>>)
      tpu.yield
    }) : () -> ()
    %mul3A_20 = arith.constant 32 : i32
    %mul3A_21 = arith.muli %add3A, %mul3A_20 : i32
    "tpu.region"() ({
      %run_scoped3A = tpu.sem_alloc : memref<!tpu.dma_semaphore, #tpu.memory_space<semaphore_mem>>
      %dma_start3A_36 = arith.constant 0 : i32
      %dma_start3A_37 = tpu.memref_slice %arg2[%mul3A_21, %dma_start3A_36] : memref<1024x64xf32, #tpu.memory_space<hbm>> -> memref<32x64xf32, #tpu.memory_space<hbm>>
      %dma_start3A_38 = arith.constant 0 : i32
      %dma_start3A_39 = tpu.memref_slice %arg2[%mul3A_21, %dma_start3A_38] : memref<1024x64xf32, #tpu.memory_space<hbm>> -> memref<32x64xf32, #tpu.memory_space<hbm>>
      tpu.enqueue_dma source(%dma_start3A_39 : memref<32x64xf32, #tpu.memory_space<hbm>>) target(%arg10 : memref<32x64xf32, #tpu.memory_space<vmem>>) target_semaphore(%run_scoped3A : memref<!tpu.dma_semaphore, #tpu.memory_space<semaphore_mem>>)
      %dma_wait3A_40 = arith.constant 0 : i32
      %dma_wait3A_41 = tpu.memref_slice %arg2[%mul3A_21, %dma_wait3A_40] : memref<1024x64xf32, #tpu.memory_space<hbm>> -> memref<32x64xf32, #tpu.memory_space<hbm>>
      %dma_wait3A_42 = arith.constant 0 : i32
      %dma_wait3A_43 = tpu.memref_slice %arg2[%mul3A_21, %dma_wait3A_42] : memref<1024x64xf32, #tpu.memory_space<hbm>> -> memref<32x64xf32, #tpu.memory_space<hbm>>
      tpu.wait_dma2 semaphore(%run_scoped3A : memref<!tpu.dma_semaphore, #tpu.memory_space<semaphore_mem>>) src(%dma_wait3A_43 : memref<32x64xf32, #tpu.memory_space<hbm>>) dst(%arg10 : memref<32x64xf32, #tpu.memory_space<vmem>>)
      tpu.yield
    }) : () -> ()
    %dma_start3A_22 = arith.constant 0 : i32
    %dma_start3A_23 = arith.constant 0 : i32
    %dma_start3A_24 = tpu.memref_slice %arg3[%dma_start3A_22, %dma_start3A_23] : memref<100000x64xf32, #tpu.memory_space<hbm>> -> memref<100000x64xf32, #tpu.memory_space<hbm>>
    tpu.enqueue_indirect_dma source(%dma_start3A_24 : memref<100000x64xf32, #tpu.memory_space<hbm>>) target(%arg11 : memref<640x64xf32, #tpu.memory_space<vmem>>) offsets(%arg8 : memref<640xi32, #tpu.memory_space<vmem>>) semaphore(%arg16 : memref<!tpu.dma_semaphore, #tpu.memory_space<semaphore_mem>>)
    %dma_wait3A = arith.constant 0 : i32
    %dma_wait3A_25 = arith.constant 0 : i32
    %dma_wait3A_26 = tpu.memref_slice %arg3[%dma_wait3A, %dma_wait3A_25] : memref<100000x64xf32, #tpu.memory_space<hbm>> -> memref<100000x64xf32, #tpu.memory_space<hbm>>
    tpu.wait_indirect_dma semaphore(%arg16 : memref<!tpu.dma_semaphore, #tpu.memory_space<semaphore_mem>>) src(%dma_wait3A_26 : memref<100000x64xf32, #tpu.memory_space<hbm>>) dst(%arg11 : memref<640x64xf32, #tpu.memory_space<vmem>>)
    %iota3A = tpu.iota {dimensions = array<i32: 0>} : vector<16xi32>
    %scan3A = arith.constant 0 : i32
    %scan3A_27 = arith.constant 0 : i32
    %scan3A_28 = arith.constant 16 : i32
    %scan3A_29 = arith.addi %scan3A_27, %scan3A_28 : i32
    %scan3A_30 = arith.constant 1 : i32
    scf.for %scan3A_36 = %scan3A_27 to %scan3A_29 step %scan3A_30  : i32 {
      %mul3A_37 = arith.constant 2 : i32
      %mul3A_38 = arith.muli %mul3A_37, %scan3A_36 : i32
      %add3A_39 = arith.constant 1 : i32
      %add3A_40 = arith.addi %mul3A_38, %add3A_39 : i32
      %mul3A_41 = arith.constant 400 : i32
      %mul3A_42 = arith.muli %add3A_40, %mul3A_41 : i32
      %dma_start3A_43 = arith.constant 0 : i32
      %dma_start3A_44 = arith.constant 0 : i32
      %dma_start3A_45 = tpu.memref_slice %arg13[%dma_start3A_43, %dma_start3A_44] : memref<400x64xf32, #tpu.memory_space<vmem>> -> memref<200x64xf32, #tpu.memory_space<vmem>>
      %dma_start3A_46 = tpu.memref_slice %arg9[%mul3A_42] : memref<12800xi32, #tpu.memory_space<vmem>> -> memref<200xi32, #tpu.memory_space<vmem>>
      %dma_start3A_47 = arith.constant 0 : i32
      %dma_start3A_48 = arith.constant 0 : i32
      %dma_start3A_49 = tpu.memref_slice %arg3[%dma_start3A_47, %dma_start3A_48] : memref<100000x64xf32, #tpu.memory_space<hbm>> -> memref<100000x64xf32, #tpu.memory_space<hbm>>
      tpu.enqueue_indirect_dma source(%dma_start3A_49 : memref<100000x64xf32, #tpu.memory_space<hbm>>) target(%dma_start3A_45 : memref<200x64xf32, #tpu.memory_space<vmem>>) offsets(%dma_start3A_46 : memref<200xi32, #tpu.memory_space<vmem>>) semaphore(%arg19 : memref<!tpu.dma_semaphore, #tpu.memory_space<semaphore_mem>>)
      %add3A_50 = arith.constant 200 : i32
      %add3A_51 = arith.addi %mul3A_42, %add3A_50 : i32
      %dma_start3A_52 = arith.constant 200 : i32
      %dma_start3A_53 = arith.constant 0 : i32
      %dma_start3A_54 = tpu.memref_slice %arg13[%dma_start3A_52, %dma_start3A_53] : memref<400x64xf32, #tpu.memory_space<vmem>> -> memref<200x64xf32, #tpu.memory_space<vmem>>
      %dma_start3A_55 = tpu.memref_slice %arg9[%add3A_51] : memref<12800xi32, #tpu.memory_space<vmem>> -> memref<200xi32, #tpu.memory_space<vmem>>
      %dma_start3A_56 = arith.constant 0 : i32
      %dma_start3A_57 = arith.constant 0 : i32
      %dma_start3A_58 = tpu.memref_slice %arg3[%dma_start3A_56, %dma_start3A_57] : memref<100000x64xf32, #tpu.memory_space<hbm>> -> memref<100000x64xf32, #tpu.memory_space<hbm>>
      tpu.enqueue_indirect_dma source(%dma_start3A_58 : memref<100000x64xf32, #tpu.memory_space<hbm>>) target(%dma_start3A_54 : memref<200x64xf32, #tpu.memory_space<vmem>>) offsets(%dma_start3A_55 : memref<200xi32, #tpu.memory_space<vmem>>) semaphore(%arg20 : memref<!tpu.dma_semaphore, #tpu.memory_space<semaphore_mem>>)
      %get3A = arith.index_cast %mul3A_38 : i32 to index
      %get3A_59 = arith.constant 0 : index
      %get3A_60 = tpu.vector_load %arg10[%get3A, %get3A_59] {strides = array<i32>} : memref<32x64xf32, #tpu.memory_space<vmem>>, vector<16xf32>,
      %get3A_61 = arith.index_cast %mul3A_38 : i32 to index
      %get3A_62 = arith.constant 16 : index
      %get3A_63 = tpu.vector_load %arg10[%get3A_61, %get3A_62] {strides = array<i32>} : memref<32x64xf32, #tpu.memory_space<vmem>>, vector<16xf32>,
      %get3A_64 = arith.index_cast %mul3A_38 : i32 to index
      %get3A_65 = arith.constant 32 : index
      %get3A_66 = tpu.vector_load %arg10[%get3A_64, %get3A_65] {strides = array<i32>} : memref<32x64xf32, #tpu.memory_space<vmem>>, vector<16xf32>,
      %get3A_67 = arith.index_cast %mul3A_38 : i32 to index
      %get3A_68 = arith.constant 48 : index
      %get3A_69 = tpu.vector_load %arg10[%get3A_67, %get3A_68] {strides = array<i32>} : memref<32x64xf32, #tpu.memory_space<vmem>>, vector<16xf32>,
      %mul3A_70 = arith.constant 20 : i32
      %mul3A_71 = arith.muli %mul3A_38, %mul3A_70 : i32
      %add3A_72 = arith.constant 0 : i32
      %add3A_73 = arith.addi %mul3A_71, %add3A_72 : i32
      %mul3A_74 = arith.constant 20 : i32
      %mul3A_75 = arith.muli %mul3A_38, %mul3A_74 : i32
      %add3A_76 = arith.constant 0 : i32
      %add3A_77 = arith.addi %mul3A_75, %add3A_76 : i32
      %broadcast_in_dim3A = arith.constant 0.000000e+00 : f32
      %broadcast_in_dim3A_78 = vector.broadcast %broadcast_in_dim3A : f32 to vector<16xf32>
      %add3A_79 = arith.constant 0 : i32
      %add3A_80 = arith.addi %add3A_73, %add3A_79 : i32
      %get3A_81 = arith.index_cast %add3A_80 : i32 to index
      %get3A_82 = arith.constant 0 : index
      %get3A_83 = tpu.vector_load %arg11[%get3A_81, %get3A_82] {strides = array<i32>} : memref<640x64xf32, #tpu.memory_space<vmem>>, vector<16xf32>,
      %get3A_84 = arith.index_cast %add3A_80 : i32 to index
      %get3A_85 = arith.constant 16 : index
      %get3A_86 = tpu.vector_load %arg11[%get3A_84, %get3A_85] {strides = array<i32>} : memref<640x64xf32, #tpu.memory_space<vmem>>, vector<16xf32>,
      %get3A_87 = arith.index_cast %add3A_80 : i32 to index
      %get3A_88 = arith.constant 32 : index
      %get3A_89 = tpu.vector_load %arg11[%get3A_87, %get3A_88] {strides = array<i32>} : memref<640x64xf32, #tpu.memory_space<vmem>>, vector<16xf32>,
      %get3A_90 = arith.index_cast %add3A_80 : i32 to index
      %get3A_91 = arith.constant 48 : index
      %get3A_92 = tpu.vector_load %arg11[%get3A_90, %get3A_91] {strides = array<i32>} : memref<640x64xf32, #tpu.memory_space<vmem>>, vector<16xf32>,
      %mul3A_93 = arith.mulf %get3A_83, %get3A_60 : vector<16xf32>
      %mul3A_94 = arith.mulf %get3A_86, %get3A_63 : vector<16xf32>
      %add3A_95 = arith.addf %mul3A_93, %mul3A_94 : vector<16xf32>
      %mul3A_96 = arith.mulf %get3A_89, %get3A_66 : vector<16xf32>
      %add3A_97 = arith.addf %add3A_95, %mul3A_96 : vector<16xf32>
      %mul3A_98 = arith.mulf %get3A_92, %get3A_69 : vector<16xf32>
      %add3A_99 = arith.addf %add3A_97, %mul3A_98 : vector<16xf32>
      %eq3A = arith.constant 0 : i32
      %eq3A_100 = vector.broadcast %eq3A : i32 to vector<16xi32>
      %eq3A_101 = arith.cmpi eq, %iota3A, %eq3A_100 : vector<16xi32>
      %reduce_sum3A = arith.constant true
      %reduce_sum3A_102 = vector.broadcast %reduce_sum3A : i1 to vector<16xi1>
      %reduce_sum3A_103 = tpu.scan <sum>, %add3A_99 masked %reduce_sum3A_102 : vector<16xf32>, vector<16xi1> -> vector<16xf32>
      %reduce_sum3A_104 = vector.extract %reduce_sum3A_103[15] : f32 from vector<16xf32>
      %broadcast_in_dim3A_105 = vector.broadcast %reduce_sum3A_104 : f32 to vector<16xf32>
      %select_n3A = arith.select %eq3A_101, %broadcast_in_dim3A_105, %broadcast_in_dim3A_78 : vector<16xi1>, vector<16xf32>
      %add3A_106 = arith.constant 1 : i32
      %add3A_107 = arith.addi %add3A_73, %add3A_106 : i32
      %get3A_108 = arith.index_cast %add3A_107 : i32 to index
      %get3A_109 = arith.constant 0 : index
      %get3A_110 = tpu.vector_load %arg11[%get3A_108, %get3A_109] {strides = array<i32>} : memref<640x64xf32, #tpu.memory_space<vmem>>, vector<16xf32>,
      %get3A_111 = arith.index_cast %add3A_107 : i32 to index
      %get3A_112 = arith.constant 16 : index
      %get3A_113 = tpu.vector_load %arg11[%get3A_111, %get3A_112] {strides = array<i32>} : memref<640x64xf32, #tpu.memory_space<vmem>>, vector<16xf32>,
      %get3A_114 = arith.index_cast %add3A_107 : i32 to index
      %get3A_115 = arith.constant 32 : index
      %get3A_116 = tpu.vector_load %arg11[%get3A_114, %get3A_115] {strides = array<i32>} : memref<640x64xf32, #tpu.memory_space<vmem>>, vector<16xf32>,
      %get3A_117 = arith.index_cast %add3A_107 : i32 to index
      %get3A_118 = arith.constant 48 : index
      %get3A_119 = tpu.vector_load %arg11[%get3A_117, %get3A_118] {strides = array<i32>} : memref<640x64xf32, #tpu.memory_space<vmem>>, vector<16xf32>,
      %mul3A_120 = arith.mulf %get3A_110, %get3A_60 : vector<16xf32>
      %mul3A_121 = arith.mulf %get3A_113, %get3A_63 : vector<16xf32>
      %add3A_122 = arith.addf %mul3A_120, %mul3A_121 : vector<16xf32>
      %mul3A_123 = arith.mulf %get3A_116, %get3A_66 : vector<16xf32>
      %add3A_124 = arith.addf %add3A_122, %mul3A_123 : vector<16xf32>
      %mul3A_125 = arith.mulf %get3A_119, %get3A_69 : vector<16xf32>
      %add3A_126 = arith.addf %add3A_124, %mul3A_125 : vector<16xf32>
      %eq3A_127 = arith.constant 1 : i32
      %eq3A_128 = vector.broadcast %eq3A_127 : i32 to vector<16xi32>
      %eq3A_129 = arith.cmpi eq, %iota3A, %eq3A_128 : vector<16xi32>
      %reduce_sum3A_130 = arith.constant true
      %reduce_sum3A_131 = vector.broadcast %reduce_sum3A_130 : i1 to vector<16xi1>
      %reduce_sum3A_132 = tpu.scan <sum>, %add3A_126 masked %reduce_sum3A_131 : vector<16xf32>, vector<16xi1> -> vector<16xf32>
      %reduce_sum3A_133 = vector.extract %reduce_sum3A_132[15] : f32 from vector<16xf32>
      %broadcast_in_dim3A_134 = vector.broadcast %reduce_sum3A_133 : f32 to vector<16xf32>
      %select_n3A_135 = arith.select %eq3A_129, %broadcast_in_dim3A_134, %select_n3A : vector<16xi1>, vector<16xf32>
      %add3A_136 = arith.constant 2 : i32
      %add3A_137 = arith.addi %add3A_73, %add3A_136 : i32
      %get3A_138 = arith.index_cast %add3A_137 : i32 to index
      %get3A_139 = arith.constant 0 : index
      %get3A_140 = tpu.vector_load %arg11[%get3A_138, %get3A_139] {strides = array<i32>} : memref<640x64xf32, #tpu.memory_space<vmem>>, vector<16xf32>,
      %get3A_141 = arith.index_cast %add3A_137 : i32 to index
      %get3A_142 = arith.constant 16 : index
      %get3A_143 = tpu.vector_load %arg11[%get3A_141, %get3A_142] {strides = array<i32>} : memref<640x64xf32, #tpu.memory_space<vmem>>, vector<16xf32>,
      %get3A_144 = arith.index_cast %add3A_137 : i32 to index
      %get3A_145 = arith.constant 32 : index
      %get3A_146 = tpu.vector_load %arg11[%get3A_144, %get3A_145] {strides = array<i32>} : memref<640x64xf32, #tpu.memory_space<vmem>>, vector<16xf32>,
      %get3A_147 = arith.index_cast %add3A_137 : i32 to index
      %get3A_148 = arith.constant 48 : index
      %get3A_149 = tpu.vector_load %arg11[%get3A_147, %get3A_148] {strides = array<i32>} : memref<640x64xf32, #tpu.memory_space<vmem>>, vector<16xf32>,
      %mul3A_150 = arith.mulf %get3A_140, %get3A_60 : vector<16xf32>
      %mul3A_151 = arith.mulf %get3A_143, %get3A_63 : vector<16xf32>
      %add3A_152 = arith.addf %mul3A_150, %mul3A_151 : vector<16xf32>
      %mul3A_153 = arith.mulf %get3A_146, %get3A_66 : vector<16xf32>
      %add3A_154 = arith.addf %add3A_152, %mul3A_153 : vector<16xf32>
      %mul3A_155 = arith.mulf %get3A_149, %get3A_69 : vector<16xf32>
      %add3A_156 = arith.addf %add3A_154, %mul3A_155 : vector<16xf32>
      %eq3A_157 = arith.constant 2 : i32
      %eq3A_158 = vector.broadcast %eq3A_157 : i32 to vector<16xi32>
      %eq3A_159 = arith.cmpi eq, %iota3A, %eq3A_158 : vector<16xi32>
      %reduce_sum3A_160 = arith.constant true
      %reduce_sum3A_161 = vector.broadcast %reduce_sum3A_160 : i1 to vector<16xi1>
      %reduce_sum3A_162 = tpu.scan <sum>, %add3A_156 masked %reduce_sum3A_161 : vector<16xf32>, vector<16xi1> -> vector<16xf32>
      %reduce_sum3A_163 = vector.extract %reduce_sum3A_162[15] : f32 from vector<16xf32>
      %broadcast_in_dim3A_164 = vector.broadcast %reduce_sum3A_163 : f32 to vector<16xf32>
      %select_n3A_165 = arith.select %eq3A_159, %broadcast_in_dim3A_164, %select_n3A_135 : vector<16xi1>, vector<16xf32>
      %add3A_166 = arith.constant 3 : i32
      %add3A_167 = arith.addi %add3A_73, %add3A_166 : i32
      %get3A_168 = arith.index_cast %add3A_167 : i32 to index
      %get3A_169 = arith.constant 0 : index
      %get3A_170 = tpu.vector_load %arg11[%get3A_168, %get3A_169] {strides = array<i32>} : memref<640x64xf32, #tpu.memory_space<vmem>>, vector<16xf32>,
      %get3A_171 = arith.index_cast %add3A_167 : i32 to index
      %get3A_172 = arith.constant 16 : index
      %get3A_173 = tpu.vector_load %arg11[%get3A_171, %get3A_172] {strides = array<i32>} : memref<640x64xf32, #tpu.memory_space<vmem>>, vector<16xf32>,
      %get3A_174 = arith.index_cast %add3A_167 : i32 to index
      %get3A_175 = arith.constant 32 : index
      %get3A_176 = tpu.vector_load %arg11[%get3A_174, %get3A_175] {strides = array<i32>} : memref<640x64xf32, #tpu.memory_space<vmem>>, vector<16xf32>,
      %get3A_177 = arith.index_cast %add3A_167 : i32 to index
      %get3A_178 = arith.constant 48 : index
      %get3A_179 = tpu.vector_load %arg11[%get3A_177, %get3A_178] {strides = array<i32>} : memref<640x64xf32, #tpu.memory_space<vmem>>, vector<16xf32>,
      %mul3A_180 = arith.mulf %get3A_170, %get3A_60 : vector<16xf32>
      %mul3A_181 = arith.mulf %get3A_173, %get3A_63 : vector<16xf32>
      %add3A_182 = arith.addf %mul3A_180, %mul3A_181 : vector<16xf32>
      %mul3A_183 = arith.mulf %get3A_176, %get3A_66 : vector<16xf32>
      %add3A_184 = arith.addf %add3A_182, %mul3A_183 : vector<16xf32>
      %mul3A_185 = arith.mulf %get3A_179, %get3A_69 : vector<16xf32>
      %add3A_186 = arith.addf %add3A_184, %mul3A_185 : vector<16xf32>
      %eq3A_187 = arith.constant 3 : i32
      %eq3A_188 = vector.broadcast %eq3A_187 : i32 to vector<16xi32>
      %eq3A_189 = arith.cmpi eq, %iota3A, %eq3A_188 : vector<16xi32>
      %reduce_sum3A_190 = arith.constant true
      %reduce_sum3A_191 = vector.broadcast %reduce_sum3A_190 : i1 to vector<16xi1>
      %reduce_sum3A_192 = tpu.scan <sum>, %add3A_186 masked %reduce_sum3A_191 : vector<16xf32>, vector<16xi1> -> vector<16xf32>
      %reduce_sum3A_193 = vector.extract %reduce_sum3A_192[15] : f32 from vector<16xf32>
      %broadcast_in_dim3A_194 = vector.broadcast %reduce_sum3A_193 : f32 to vector<16xf32>
      %select_n3A_195 = arith.select %eq3A_189, %broadcast_in_dim3A_194, %select_n3A_165 : vector<16xi1>, vector<16xf32>
      %add3A_196 = arith.constant 4 : i32
      %add3A_197 = arith.addi %add3A_73, %add3A_196 : i32
      %get3A_198 = arith.index_cast %add3A_197 : i32 to index
      %get3A_199 = arith.constant 0 : index
      %get3A_200 = tpu.vector_load %arg11[%get3A_198, %get3A_199] {strides = array<i32>} : memref<640x64xf32, #tpu.memory_space<vmem>>, vector<16xf32>,
      %get3A_201 = arith.index_cast %add3A_197 : i32 to index
      %get3A_202 = arith.constant 16 : index
      %get3A_203 = tpu.vector_load %arg11[%get3A_201, %get3A_202] {strides = array<i32>} : memref<640x64xf32, #tpu.memory_space<vmem>>, vector<16xf32>,
      %get3A_204 = arith.index_cast %add3A_197 : i32 to index
      %get3A_205 = arith.constant 32 : index
      %get3A_206 = tpu.vector_load %arg11[%get3A_204, %get3A_205] {strides = array<i32>} : memref<640x64xf32, #tpu.memory_space<vmem>>, vector<16xf32>,
      %get3A_207 = arith.index_cast %add3A_197 : i32 to index
      %get3A_208 = arith.constant 48 : index
      %get3A_209 = tpu.vector_load %arg11[%get3A_207, %get3A_208] {strides = array<i32>} : memref<640x64xf32, #tpu.memory_space<vmem>>, vector<16xf32>,
      %mul3A_210 = arith.mulf %get3A_200, %get3A_60 : vector<16xf32>
      %mul3A_211 = arith.mulf %get3A_203, %get3A_63 : vector<16xf32>
      %add3A_212 = arith.addf %mul3A_210, %mul3A_211 : vector<16xf32>
      %mul3A_213 = arith.mulf %get3A_206, %get3A_66 : vector<16xf32>
      %add3A_214 = arith.addf %add3A_212, %mul3A_213 : vector<16xf32>
      %mul3A_215 = arith.mulf %get3A_209, %get3A_69 : vector<16xf32>
      %add3A_216 = arith.addf %add3A_214, %mul3A_215 : vector<16xf32>
      %eq3A_217 = arith.constant 4 : i32
      %eq3A_218 = vector.broadcast %eq3A_217 : i32 to vector<16xi32>
      %eq3A_219 = arith.cmpi eq, %iota3A, %eq3A_218 : vector<16xi32>
      %reduce_sum3A_220 = arith.constant true
      %reduce_sum3A_221 = vector.broadcast %reduce_sum3A_220 : i1 to vector<16xi1>
      %reduce_sum3A_222 = tpu.scan <sum>, %add3A_216 masked %reduce_sum3A_221 : vector<16xf32>, vector<16xi1> -> vector<16xf32>
      %reduce_sum3A_223 = vector.extract %reduce_sum3A_222[15] : f32 from vector<16xf32>
      %broadcast_in_dim3A_224 = vector.broadcast %reduce_sum3A_223 : f32 to vector<16xf32>
      %select_n3A_225 = arith.select %eq3A_219, %broadcast_in_dim3A_224, %select_n3A_195 : vector<16xi1>, vector<16xf32>
      %add3A_226 = arith.constant 5 : i32
      %add3A_227 = arith.addi %add3A_73, %add3A_226 : i32
      %get3A_228 = arith.index_cast %add3A_227 : i32 to index
      %get3A_229 = arith.constant 0 : index
      %get3A_230 = tpu.vector_load %arg11[%get3A_228, %get3A_229] {strides = array<i32>} : memref<640x64xf32, #tpu.memory_space<vmem>>, vector<16xf32>,
      %get3A_231 = arith.index_cast %add3A_227 : i32 to index
      %get3A_232 = arith.constant 16 : index
      %get3A_233 = tpu.vector_load %arg11[%get3A_231, %get3A_232] {strides = array<i32>} : memref<640x64xf32, #tpu.memory_space<vmem>>, vector<16xf32>,
      %get3A_234 = arith.index_cast %add3A_227 : i32 to index
      %get3A_235 = arith.constant 32 : index
      %get3A_236 = tpu.vector_load %arg11[%get3A_234, %get3A_235] {strides = array<i32>} : memref<640x64xf32, #tpu.memory_space<vmem>>, vector<16xf32>,
      %get3A_237 = arith.index_cast %add3A_227 : i32 to index
      %get3A_238 = arith.constant 48 : index
      %get3A_239 = tpu.vector_load %arg11[%get3A_237, %get3A_238] {strides = array<i32>} : memref<640x64xf32, #tpu.memory_space<vmem>>, vector<16xf32>,
      %mul3A_240 = arith.mulf %get3A_230, %get3A_60 : vector<16xf32>
      %mul3A_241 = arith.mulf %get3A_233, %get3A_63 : vector<16xf32>
      %add3A_242 = arith.addf %mul3A_240, %mul3A_241 : vector<16xf32>
      %mul3A_243 = arith.mulf %get3A_236, %get3A_66 : vector<16xf32>
      %add3A_244 = arith.addf %add3A_242, %mul3A_243 : vector<16xf32>
      %mul3A_245 = arith.mulf %get3A_239, %get3A_69 : vector<16xf32>
      %add3A_246 = arith.addf %add3A_244, %mul3A_245 : vector<16xf32>
      %eq3A_247 = arith.constant 5 : i32
      %eq3A_248 = vector.broadcast %eq3A_247 : i32 to vector<16xi32>
      %eq3A_249 = arith.cmpi eq, %iota3A, %eq3A_248 : vector<16xi32>
      %reduce_sum3A_250 = arith.constant true
      %reduce_sum3A_251 = vector.broadcast %reduce_sum3A_250 : i1 to vector<16xi1>
      %reduce_sum3A_252 = tpu.scan <sum>, %add3A_246 masked %reduce_sum3A_251 : vector<16xf32>, vector<16xi1> -> vector<16xf32>
      %reduce_sum3A_253 = vector.extract %reduce_sum3A_252[15] : f32 from vector<16xf32>
      %broadcast_in_dim3A_254 = vector.broadcast %reduce_sum3A_253 : f32 to vector<16xf32>
      %select_n3A_255 = arith.select %eq3A_249, %broadcast_in_dim3A_254, %select_n3A_225 : vector<16xi1>, vector<16xf32>
      %add3A_256 = arith.constant 6 : i32
      %add3A_257 = arith.addi %add3A_73, %add3A_256 : i32
      %get3A_258 = arith.index_cast %add3A_257 : i32 to index
      %get3A_259 = arith.constant 0 : index
      %get3A_260 = tpu.vector_load %arg11[%get3A_258, %get3A_259] {strides = array<i32>} : memref<640x64xf32, #tpu.memory_space<vmem>>, vector<16xf32>,
      %get3A_261 = arith.index_cast %add3A_257 : i32 to index
      %get3A_262 = arith.constant 16 : index
      %get3A_263 = tpu.vector_load %arg11[%get3A_261, %get3A_262] {strides = array<i32>} : memref<640x64xf32, #tpu.memory_space<vmem>>, vector<16xf32>,
      %get3A_264 = arith.index_cast %add3A_257 : i32 to index
      %get3A_265 = arith.constant 32 : index
      %get3A_266 = tpu.vector_load %arg11[%get3A_264, %get3A_265] {strides = array<i32>} : memref<640x64xf32, #tpu.memory_space<vmem>>, vector<16xf32>,
      %get3A_267 = arith.index_cast %add3A_257 : i32 to index
      %get3A_268 = arith.constant 48 : index
      %get3A_269 = tpu.vector_load %arg11[%get3A_267, %get3A_268] {strides = array<i32>} : memref<640x64xf32, #tpu.memory_space<vmem>>, vector<16xf32>,
      %mul3A_270 = arith.mulf %get3A_260, %get3A_60 : vector<16xf32>
      %mul3A_271 = arith.mulf %get3A_263, %get3A_63 : vector<16xf32>
      %add3A_272 = arith.addf %mul3A_270, %mul3A_271 : vector<16xf32>
      %mul3A_273 = arith.mulf %get3A_266, %get3A_66 : vector<16xf32>
      %add3A_274 = arith.addf %add3A_272, %mul3A_273 : vector<16xf32>
      %mul3A_275 = arith.mulf %get3A_269, %get3A_69 : vector<16xf32>
      %add3A_276 = arith.addf %add3A_274, %mul3A_275 : vector<16xf32>
      %eq3A_277 = arith.constant 6 : i32
      %eq3A_278 = vector.broadcast %eq3A_277 : i32 to vector<16xi32>
      %eq3A_279 = arith.cmpi eq, %iota3A, %eq3A_278 : vector<16xi32>
      %reduce_sum3A_280 = arith.constant true
      %reduce_sum3A_281 = vector.broadcast %reduce_sum3A_280 : i1 to vector<16xi1>
      %reduce_sum3A_282 = tpu.scan <sum>, %add3A_276 masked %reduce_sum3A_281 : vector<16xf32>, vector<16xi1> -> vector<16xf32>
      %reduce_sum3A_283 = vector.extract %reduce_sum3A_282[15] : f32 from vector<16xf32>
      %broadcast_in_dim3A_284 = vector.broadcast %reduce_sum3A_283 : f32 to vector<16xf32>
      %select_n3A_285 = arith.select %eq3A_279, %broadcast_in_dim3A_284, %select_n3A_255 : vector<16xi1>, vector<16xf32>
      %add3A_286 = arith.constant 7 : i32
      %add3A_287 = arith.addi %add3A_73, %add3A_286 : i32
      %get3A_288 = arith.index_cast %add3A_287 : i32 to index
      %get3A_289 = arith.constant 0 : index
      %get3A_290 = tpu.vector_load %arg11[%get3A_288, %get3A_289] {strides = array<i32>} : memref<640x64xf32, #tpu.memory_space<vmem>>, vector<16xf32>,
      %get3A_291 = arith.index_cast %add3A_287 : i32 to index
      %get3A_292 = arith.constant 16 : index
      %get3A_293 = tpu.vector_load %arg11[%get3A_291, %get3A_292] {strides = array<i32>} : memref<640x64xf32, #tpu.memory_space<vmem>>, vector<16xf32>,
      %get3A_294 = arith.index_cast %add3A_287 : i32 to index
      %get3A_295 = arith.constant 32 : index
      %get3A_296 = tpu.vector_load %arg11[%get3A_294, %get3A_295] {strides = array<i32>} : memref<640x64xf32, #tpu.memory_space<vmem>>, vector<16xf32>,
      %get3A_297 = arith.index_cast %add3A_287 : i32 to index
      %get3A_298 = arith.constant 48 : index
      %get3A_299 = tpu.vector_load %arg11[%get3A_297, %get3A_298] {strides = array<i32>} : memref<640x64xf32, #tpu.memory_space<vmem>>, vector<16xf32>,
      %mul3A_300 = arith.mulf %get3A_290, %get3A_60 : vector<16xf32>
      %mul3A_301 = arith.mulf %get3A_293, %get3A_63 : vector<16xf32>
      %add3A_302 = arith.addf %mul3A_300, %mul3A_301 : vector<16xf32>
      %mul3A_303 = arith.mulf %get3A_296, %get3A_66 : vector<16xf32>
      %add3A_304 = arith.addf %add3A_302, %mul3A_303 : vector<16xf32>
      %mul3A_305 = arith.mulf %get3A_299, %get3A_69 : vector<16xf32>
      %add3A_306 = arith.addf %add3A_304, %mul3A_305 : vector<16xf32>
      %eq3A_307 = arith.constant 7 : i32
      %eq3A_308 = vector.broadcast %eq3A_307 : i32 to vector<16xi32>
      %eq3A_309 = arith.cmpi eq, %iota3A, %eq3A_308 : vector<16xi32>
      %reduce_sum3A_310 = arith.constant true
      %reduce_sum3A_311 = vector.broadcast %reduce_sum3A_310 : i1 to vector<16xi1>
      %reduce_sum3A_312 = tpu.scan <sum>, %add3A_306 masked %reduce_sum3A_311 : vector<16xf32>, vector<16xi1> -> vector<16xf32>
      %reduce_sum3A_313 = vector.extract %reduce_sum3A_312[15] : f32 from vector<16xf32>
      %broadcast_in_dim3A_314 = vector.broadcast %reduce_sum3A_313 : f32 to vector<16xf32>
      %select_n3A_315 = arith.select %eq3A_309, %broadcast_in_dim3A_314, %select_n3A_285 : vector<16xi1>, vector<16xf32>
      %add3A_316 = arith.constant 8 : i32
      %add3A_317 = arith.addi %add3A_73, %add3A_316 : i32
      %get3A_318 = arith.index_cast %add3A_317 : i32 to index
      %get3A_319 = arith.constant 0 : index
      %get3A_320 = tpu.vector_load %arg11[%get3A_318, %get3A_319] {strides = array<i32>} : memref<640x64xf32, #tpu.memory_space<vmem>>, vector<16xf32>,
      %get3A_321 = arith.index_cast %add3A_317 : i32 to index
      %get3A_322 = arith.constant 16 : index
      %get3A_323 = tpu.vector_load %arg11[%get3A_321, %get3A_322] {strides = array<i32>} : memref<640x64xf32, #tpu.memory_space<vmem>>, vector<16xf32>,
      %get3A_324 = arith.index_cast %add3A_317 : i32 to index
      %get3A_325 = arith.constant 32 : index
      %get3A_326 = tpu.vector_load %arg11[%get3A_324, %get3A_325] {strides = array<i32>} : memref<640x64xf32, #tpu.memory_space<vmem>>, vector<16xf32>,
      %get3A_327 = arith.index_cast %add3A_317 : i32 to index
      %get3A_328 = arith.constant 48 : index
      %get3A_329 = tpu.vector_load %arg11[%get3A_327, %get3A_328] {strides = array<i32>} : memref<640x64xf32, #tpu.memory_space<vmem>>, vector<16xf32>,
      %mul3A_330 = arith.mulf %get3A_320, %get3A_60 : vector<16xf32>
      %mul3A_331 = arith.mulf %get3A_323, %get3A_63 : vector<16xf32>
      %add3A_332 = arith.addf %mul3A_330, %mul3A_331 : vector<16xf32>
      %mul3A_333 = arith.mulf %get3A_326, %get3A_66 : vector<16xf32>
      %add3A_334 = arith.addf %add3A_332, %mul3A_333 : vector<16xf32>
      %mul3A_335 = arith.mulf %get3A_329, %get3A_69 : vector<16xf32>
      %add3A_336 = arith.addf %add3A_334, %mul3A_335 : vector<16xf32>
      %eq3A_337 = arith.constant 8 : i32
      %eq3A_338 = vector.broadcast %eq3A_337 : i32 to vector<16xi32>
      %eq3A_339 = arith.cmpi eq, %iota3A, %eq3A_338 : vector<16xi32>
      %reduce_sum3A_340 = arith.constant true
      %reduce_sum3A_341 = vector.broadcast %reduce_sum3A_340 : i1 to vector<16xi1>
      %reduce_sum3A_342 = tpu.scan <sum>, %add3A_336 masked %reduce_sum3A_341 : vector<16xf32>, vector<16xi1> -> vector<16xf32>
      %reduce_sum3A_343 = vector.extract %reduce_sum3A_342[15] : f32 from vector<16xf32>
      %broadcast_in_dim3A_344 = vector.broadcast %reduce_sum3A_343 : f32 to vector<16xf32>
      %select_n3A_345 = arith.select %eq3A_339, %broadcast_in_dim3A_344, %select_n3A_315 : vector<16xi1>, vector<16xf32>
      %add3A_346 = arith.constant 9 : i32
      %add3A_347 = arith.addi %add3A_73, %add3A_346 : i32
      %get3A_348 = arith.index_cast %add3A_347 : i32 to index
      %get3A_349 = arith.constant 0 : index
      %get3A_350 = tpu.vector_load %arg11[%get3A_348, %get3A_349] {strides = array<i32>} : memref<640x64xf32, #tpu.memory_space<vmem>>, vector<16xf32>,
      %get3A_351 = arith.index_cast %add3A_347 : i32 to index
      %get3A_352 = arith.constant 16 : index
      %get3A_353 = tpu.vector_load %arg11[%get3A_351, %get3A_352] {strides = array<i32>} : memref<640x64xf32, #tpu.memory_space<vmem>>, vector<16xf32>,
      %get3A_354 = arith.index_cast %add3A_347 : i32 to index
      %get3A_355 = arith.constant 32 : index
      %get3A_356 = tpu.vector_load %arg11[%get3A_354, %get3A_355] {strides = array<i32>} : memref<640x64xf32, #tpu.memory_space<vmem>>, vector<16xf32>,
      %get3A_357 = arith.index_cast %add3A_347 : i32 to index
      %get3A_358 = arith.constant 48 : index
      %get3A_359 = tpu.vector_load %arg11[%get3A_357, %get3A_358] {strides = array<i32>} : memref<640x64xf32, #tpu.memory_space<vmem>>, vector<16xf32>,
      %mul3A_360 = arith.mulf %get3A_350, %get3A_60 : vector<16xf32>
      %mul3A_361 = arith.mulf %get3A_353, %get3A_63 : vector<16xf32>
      %add3A_362 = arith.addf %mul3A_360, %mul3A_361 : vector<16xf32>
      %mul3A_363 = arith.mulf %get3A_356, %get3A_66 : vector<16xf32>
      %add3A_364 = arith.addf %add3A_362, %mul3A_363 : vector<16xf32>
      %mul3A_365 = arith.mulf %get3A_359, %get3A_69 : vector<16xf32>
      %add3A_366 = arith.addf %add3A_364, %mul3A_365 : vector<16xf32>
      %eq3A_367 = arith.constant 9 : i32
      %eq3A_368 = vector.broadcast %eq3A_367 : i32 to vector<16xi32>
      %eq3A_369 = arith.cmpi eq, %iota3A, %eq3A_368 : vector<16xi32>
      %reduce_sum3A_370 = arith.constant true
      %reduce_sum3A_371 = vector.broadcast %reduce_sum3A_370 : i1 to vector<16xi1>
      %reduce_sum3A_372 = tpu.scan <sum>, %add3A_366 masked %reduce_sum3A_371 : vector<16xf32>, vector<16xi1> -> vector<16xf32>
      %reduce_sum3A_373 = vector.extract %reduce_sum3A_372[15] : f32 from vector<16xf32>
      %broadcast_in_dim3A_374 = vector.broadcast %reduce_sum3A_373 : f32 to vector<16xf32>
      %select_n3A_375 = arith.select %eq3A_369, %broadcast_in_dim3A_374, %select_n3A_345 : vector<16xi1>, vector<16xf32>
      %add3A_376 = arith.constant 10 : i32
      %add3A_377 = arith.addi %add3A_73, %add3A_376 : i32
      %get3A_378 = arith.index_cast %add3A_377 : i32 to index
      %get3A_379 = arith.constant 0 : index
      %get3A_380 = tpu.vector_load %arg11[%get3A_378, %get3A_379] {strides = array<i32>} : memref<640x64xf32, #tpu.memory_space<vmem>>, vector<16xf32>,
      %get3A_381 = arith.index_cast %add3A_377 : i32 to index
      %get3A_382 = arith.constant 16 : index
      %get3A_383 = tpu.vector_load %arg11[%get3A_381, %get3A_382] {strides = array<i32>} : memref<640x64xf32, #tpu.memory_space<vmem>>, vector<16xf32>,
      %get3A_384 = arith.index_cast %add3A_377 : i32 to index
      %get3A_385 = arith.constant 32 : index
      %get3A_386 = tpu.vector_load %arg11[%get3A_384, %get3A_385] {strides = array<i32>} : memref<640x64xf32, #tpu.memory_space<vmem>>, vector<16xf32>,
      %get3A_387 = arith.index_cast %add3A_377 : i32 to index
      %get3A_388 = arith.constant 48 : index
      %get3A_389 = tpu.vector_load %arg11[%get3A_387, %get3A_388] {strides = array<i32>} : memref<640x64xf32, #tpu.memory_space<vmem>>, vector<16xf32>,
      %mul3A_390 = arith.mulf %get3A_380, %get3A_60 : vector<16xf32>
      %mul3A_391 = arith.mulf %get3A_383, %get3A_63 : vector<16xf32>
      %add3A_392 = arith.addf %mul3A_390, %mul3A_391 : vector<16xf32>
      %mul3A_393 = arith.mulf %get3A_386, %get3A_66 : vector<16xf32>
      %add3A_394 = arith.addf %add3A_392, %mul3A_393 : vector<16xf32>
      %mul3A_395 = arith.mulf %get3A_389, %get3A_69 : vector<16xf32>
      %add3A_396 = arith.addf %add3A_394, %mul3A_395 : vector<16xf32>
      %eq3A_397 = arith.constant 10 : i32
      %eq3A_398 = vector.broadcast %eq3A_397 : i32 to vector<16xi32>
      %eq3A_399 = arith.cmpi eq, %iota3A, %eq3A_398 : vector<16xi32>
      %reduce_sum3A_400 = arith.constant true
      %reduce_sum3A_401 = vector.broadcast %reduce_sum3A_400 : i1 to vector<16xi1>
      %reduce_sum3A_402 = tpu.scan <sum>, %add3A_396 masked %reduce_sum3A_401 : vector<16xf32>, vector<16xi1> -> vector<16xf32>
      %reduce_sum3A_403 = vector.extract %reduce_sum3A_402[15] : f32 from vector<16xf32>
      %broadcast_in_dim3A_404 = vector.broadcast %reduce_sum3A_403 : f32 to vector<16xf32>
      %select_n3A_405 = arith.select %eq3A_399, %broadcast_in_dim3A_404, %select_n3A_375 : vector<16xi1>, vector<16xf32>
      %add3A_406 = arith.constant 11 : i32
      %add3A_407 = arith.addi %add3A_73, %add3A_406 : i32
      %get3A_408 = arith.index_cast %add3A_407 : i32 to index
      %get3A_409 = arith.constant 0 : index
      %get3A_410 = tpu.vector_load %arg11[%get3A_408, %get3A_409] {strides = array<i32>} : memref<640x64xf32, #tpu.memory_space<vmem>>, vector<16xf32>,
      %get3A_411 = arith.index_cast %add3A_407 : i32 to index
      %get3A_412 = arith.constant 16 : index
      %get3A_413 = tpu.vector_load %arg11[%get3A_411, %get3A_412] {strides = array<i32>} : memref<640x64xf32, #tpu.memory_space<vmem>>, vector<16xf32>,
      %get3A_414 = arith.index_cast %add3A_407 : i32 to index
      %get3A_415 = arith.constant 32 : index
      %get3A_416 = tpu.vector_load %arg11[%get3A_414, %get3A_415] {strides = array<i32>} : memref<640x64xf32, #tpu.memory_space<vmem>>, vector<16xf32>,
      %get3A_417 = arith.index_cast %add3A_407 : i32 to index
      %get3A_418 = arith.constant 48 : index
      %get3A_419 = tpu.vector_load %arg11[%get3A_417, %get3A_418] {strides = array<i32>} : memref<640x64xf32, #tpu.memory_space<vmem>>, vector<16xf32>,
      %mul3A_420 = arith.mulf %get3A_410, %get3A_60 : vector<16xf32>
      %mul3A_421 = arith.mulf %get3A_413, %get3A_63 : vector<16xf32>
      %add3A_422 = arith.addf %mul3A_420, %mul3A_421 : vector<16xf32>
      %mul3A_423 = arith.mulf %get3A_416, %get3A_66 : vector<16xf32>
      %add3A_424 = arith.addf %add3A_422, %mul3A_423 : vector<16xf32>
      %mul3A_425 = arith.mulf %get3A_419, %get3A_69 : vector<16xf32>
      %add3A_426 = arith.addf %add3A_424, %mul3A_425 : vector<16xf32>
      %eq3A_427 = arith.constant 11 : i32
      %eq3A_428 = vector.broadcast %eq3A_427 : i32 to vector<16xi32>
      %eq3A_429 = arith.cmpi eq, %iota3A, %eq3A_428 : vector<16xi32>
      %reduce_sum3A_430 = arith.constant true
      %reduce_sum3A_431 = vector.broadcast %reduce_sum3A_430 : i1 to vector<16xi1>
      %reduce_sum3A_432 = tpu.scan <sum>, %add3A_426 masked %reduce_sum3A_431 : vector<16xf32>, vector<16xi1> -> vector<16xf32>
      %reduce_sum3A_433 = vector.extract %reduce_sum3A_432[15] : f32 from vector<16xf32>
      %broadcast_in_dim3A_434 = vector.broadcast %reduce_sum3A_433 : f32 to vector<16xf32>
      %select_n3A_435 = arith.select %eq3A_429, %broadcast_in_dim3A_434, %select_n3A_405 : vector<16xi1>, vector<16xf32>
      %add3A_436 = arith.constant 12 : i32
      %add3A_437 = arith.addi %add3A_73, %add3A_436 : i32
      %get3A_438 = arith.index_cast %add3A_437 : i32 to index
      %get3A_439 = arith.constant 0 : index
      %get3A_440 = tpu.vector_load %arg11[%get3A_438, %get3A_439] {strides = array<i32>} : memref<640x64xf32, #tpu.memory_space<vmem>>, vector<16xf32>,
      %get3A_441 = arith.index_cast %add3A_437 : i32 to index
      %get3A_442 = arith.constant 16 : index
      %get3A_443 = tpu.vector_load %arg11[%get3A_441, %get3A_442] {strides = array<i32>} : memref<640x64xf32, #tpu.memory_space<vmem>>, vector<16xf32>,
      %get3A_444 = arith.index_cast %add3A_437 : i32 to index
      %get3A_445 = arith.constant 32 : index
      %get3A_446 = tpu.vector_load %arg11[%get3A_444, %get3A_445] {strides = array<i32>} : memref<640x64xf32, #tpu.memory_space<vmem>>, vector<16xf32>,
      %get3A_447 = arith.index_cast %add3A_437 : i32 to index
      %get3A_448 = arith.constant 48 : index
      %get3A_449 = tpu.vector_load %arg11[%get3A_447, %get3A_448] {strides = array<i32>} : memref<640x64xf32, #tpu.memory_space<vmem>>, vector<16xf32>,
      %mul3A_450 = arith.mulf %get3A_440, %get3A_60 : vector<16xf32>
      %mul3A_451 = arith.mulf %get3A_443, %get3A_63 : vector<16xf32>
      %add3A_452 = arith.addf %mul3A_450, %mul3A_451 : vector<16xf32>
      %mul3A_453 = arith.mulf %get3A_446, %get3A_66 : vector<16xf32>
      %add3A_454 = arith.addf %add3A_452, %mul3A_453 : vector<16xf32>
      %mul3A_455 = arith.mulf %get3A_449, %get3A_69 : vector<16xf32>
      %add3A_456 = arith.addf %add3A_454, %mul3A_455 : vector<16xf32>
      %eq3A_457 = arith.constant 12 : i32
      %eq3A_458 = vector.broadcast %eq3A_457 : i32 to vector<16xi32>
      %eq3A_459 = arith.cmpi eq, %iota3A, %eq3A_458 : vector<16xi32>
      %reduce_sum3A_460 = arith.constant true
      %reduce_sum3A_461 = vector.broadcast %reduce_sum3A_460 : i1 to vector<16xi1>
      %reduce_sum3A_462 = tpu.scan <sum>, %add3A_456 masked %reduce_sum3A_461 : vector<16xf32>, vector<16xi1> -> vector<16xf32>
      %reduce_sum3A_463 = vector.extract %reduce_sum3A_462[15] : f32 from vector<16xf32>
      %broadcast_in_dim3A_464 = vector.broadcast %reduce_sum3A_463 : f32 to vector<16xf32>
      %select_n3A_465 = arith.select %eq3A_459, %broadcast_in_dim3A_464, %select_n3A_435 : vector<16xi1>, vector<16xf32>
      %add3A_466 = arith.constant 13 : i32
      %add3A_467 = arith.addi %add3A_73, %add3A_466 : i32
      %get3A_468 = arith.index_cast %add3A_467 : i32 to index
      %get3A_469 = arith.constant 0 : index
      %get3A_470 = tpu.vector_load %arg11[%get3A_468, %get3A_469] {strides = array<i32>} : memref<640x64xf32, #tpu.memory_space<vmem>>, vector<16xf32>,
      %get3A_471 = arith.index_cast %add3A_467 : i32 to index
      %get3A_472 = arith.constant 16 : index
      %get3A_473 = tpu.vector_load %arg11[%get3A_471, %get3A_472] {strides = array<i32>} : memref<640x64xf32, #tpu.memory_space<vmem>>, vector<16xf32>,
      %get3A_474 = arith.index_cast %add3A_467 : i32 to index
      %get3A_475 = arith.constant 32 : index
      %get3A_476 = tpu.vector_load %arg11[%get3A_474, %get3A_475] {strides = array<i32>} : memref<640x64xf32, #tpu.memory_space<vmem>>, vector<16xf32>,
      %get3A_477 = arith.index_cast %add3A_467 : i32 to index
      %get3A_478 = arith.constant 48 : index
      %get3A_479 = tpu.vector_load %arg11[%get3A_477, %get3A_478] {strides = array<i32>} : memref<640x64xf32, #tpu.memory_space<vmem>>, vector<16xf32>,
      %mul3A_480 = arith.mulf %get3A_470, %get3A_60 : vector<16xf32>
      %mul3A_481 = arith.mulf %get3A_473, %get3A_63 : vector<16xf32>
      %add3A_482 = arith.addf %mul3A_480, %mul3A_481 : vector<16xf32>
      %mul3A_483 = arith.mulf %get3A_476, %get3A_66 : vector<16xf32>
      %add3A_484 = arith.addf %add3A_482, %mul3A_483 : vector<16xf32>
      %mul3A_485 = arith.mulf %get3A_479, %get3A_69 : vector<16xf32>
      %add3A_486 = arith.addf %add3A_484, %mul3A_485 : vector<16xf32>
      %eq3A_487 = arith.constant 13 : i32
      %eq3A_488 = vector.broadcast %eq3A_487 : i32 to vector<16xi32>
      %eq3A_489 = arith.cmpi eq, %iota3A, %eq3A_488 : vector<16xi32>
      %reduce_sum3A_490 = arith.constant true
      %reduce_sum3A_491 = vector.broadcast %reduce_sum3A_490 : i1 to vector<16xi1>
      %reduce_sum3A_492 = tpu.scan <sum>, %add3A_486 masked %reduce_sum3A_491 : vector<16xf32>, vector<16xi1> -> vector<16xf32>
      %reduce_sum3A_493 = vector.extract %reduce_sum3A_492[15] : f32 from vector<16xf32>
      %broadcast_in_dim3A_494 = vector.broadcast %reduce_sum3A_493 : f32 to vector<16xf32>
      %select_n3A_495 = arith.select %eq3A_489, %broadcast_in_dim3A_494, %select_n3A_465 : vector<16xi1>, vector<16xf32>
      %add3A_496 = arith.constant 14 : i32
      %add3A_497 = arith.addi %add3A_73, %add3A_496 : i32
      %get3A_498 = arith.index_cast %add3A_497 : i32 to index
      %get3A_499 = arith.constant 0 : index
      %get3A_500 = tpu.vector_load %arg11[%get3A_498, %get3A_499] {strides = array<i32>} : memref<640x64xf32, #tpu.memory_space<vmem>>, vector<16xf32>,
      %get3A_501 = arith.index_cast %add3A_497 : i32 to index
      %get3A_502 = arith.constant 16 : index
      %get3A_503 = tpu.vector_load %arg11[%get3A_501, %get3A_502] {strides = array<i32>} : memref<640x64xf32, #tpu.memory_space<vmem>>, vector<16xf32>,
      %get3A_504 = arith.index_cast %add3A_497 : i32 to index
      %get3A_505 = arith.constant 32 : index
      %get3A_506 = tpu.vector_load %arg11[%get3A_504, %get3A_505] {strides = array<i32>} : memref<640x64xf32, #tpu.memory_space<vmem>>, vector<16xf32>,
      %get3A_507 = arith.index_cast %add3A_497 : i32 to index
      %get3A_508 = arith.constant 48 : index
      %get3A_509 = tpu.vector_load %arg11[%get3A_507, %get3A_508] {strides = array<i32>} : memref<640x64xf32, #tpu.memory_space<vmem>>, vector<16xf32>,
      %mul3A_510 = arith.mulf %get3A_500, %get3A_60 : vector<16xf32>
      %mul3A_511 = arith.mulf %get3A_503, %get3A_63 : vector<16xf32>
      %add3A_512 = arith.addf %mul3A_510, %mul3A_511 : vector<16xf32>
      %mul3A_513 = arith.mulf %get3A_506, %get3A_66 : vector<16xf32>
      %add3A_514 = arith.addf %add3A_512, %mul3A_513 : vector<16xf32>
      %mul3A_515 = arith.mulf %get3A_509, %get3A_69 : vector<16xf32>
      %add3A_516 = arith.addf %add3A_514, %mul3A_515 : vector<16xf32>
      %eq3A_517 = arith.constant 14 : i32
      %eq3A_518 = vector.broadcast %eq3A_517 : i32 to vector<16xi32>
      %eq3A_519 = arith.cmpi eq, %iota3A, %eq3A_518 : vector<16xi32>
      %reduce_sum3A_520 = arith.constant true
      %reduce_sum3A_521 = vector.broadcast %reduce_sum3A_520 : i1 to vector<16xi1>
      %reduce_sum3A_522 = tpu.scan <sum>, %add3A_516 masked %reduce_sum3A_521 : vector<16xf32>, vector<16xi1> -> vector<16xf32>
      %reduce_sum3A_523 = vector.extract %reduce_sum3A_522[15] : f32 from vector<16xf32>
      %broadcast_in_dim3A_524 = vector.broadcast %reduce_sum3A_523 : f32 to vector<16xf32>
      %select_n3A_525 = arith.select %eq3A_519, %broadcast_in_dim3A_524, %select_n3A_495 : vector<16xi1>, vector<16xf32>
      %add3A_526 = arith.constant 15 : i32
      %add3A_527 = arith.addi %add3A_73, %add3A_526 : i32
      %get3A_528 = arith.index_cast %add3A_527 : i32 to index
      %get3A_529 = arith.constant 0 : index
      %get3A_530 = tpu.vector_load %arg11[%get3A_528, %get3A_529] {strides = array<i32>} : memref<640x64xf32, #tpu.memory_space<vmem>>, vector<16xf32>,
      %get3A_531 = arith.index_cast %add3A_527 : i32 to index
      %get3A_532 = arith.constant 16 : index
      %get3A_533 = tpu.vector_load %arg11[%get3A_531, %get3A_532] {strides = array<i32>} : memref<640x64xf32, #tpu.memory_space<vmem>>, vector<16xf32>,
      %get3A_534 = arith.index_cast %add3A_527 : i32 to index
      %get3A_535 = arith.constant 32 : index
      %get3A_536 = tpu.vector_load %arg11[%get3A_534, %get3A_535] {strides = array<i32>} : memref<640x64xf32, #tpu.memory_space<vmem>>, vector<16xf32>,
      %get3A_537 = arith.index_cast %add3A_527 : i32 to index
      %get3A_538 = arith.constant 48 : index
      %get3A_539 = tpu.vector_load %arg11[%get3A_537, %get3A_538] {strides = array<i32>} : memref<640x64xf32, #tpu.memory_space<vmem>>, vector<16xf32>,
      %mul3A_540 = arith.mulf %get3A_530, %get3A_60 : vector<16xf32>
      %mul3A_541 = arith.mulf %get3A_533, %get3A_63 : vector<16xf32>
      %add3A_542 = arith.addf %mul3A_540, %mul3A_541 : vector<16xf32>
      %mul3A_543 = arith.mulf %get3A_536, %get3A_66 : vector<16xf32>
      %add3A_544 = arith.addf %add3A_542, %mul3A_543 : vector<16xf32>
      %mul3A_545 = arith.mulf %get3A_539, %get3A_69 : vector<16xf32>
      %add3A_546 = arith.addf %add3A_544, %mul3A_545 : vector<16xf32>
      %eq3A_547 = arith.constant 15 : i32
      %eq3A_548 = vector.broadcast %eq3A_547 : i32 to vector<16xi32>
      %eq3A_549 = arith.cmpi eq, %iota3A, %eq3A_548 : vector<16xi32>
      %reduce_sum3A_550 = arith.constant true
      %reduce_sum3A_551 = vector.broadcast %reduce_sum3A_550 : i1 to vector<16xi1>
      %reduce_sum3A_552 = tpu.scan <sum>, %add3A_546 masked %reduce_sum3A_551 : vector<16xf32>, vector<16xi1> -> vector<16xf32>
      %reduce_sum3A_553 = vector.extract %reduce_sum3A_552[15] : f32 from vector<16xf32>
      %broadcast_in_dim3A_554 = vector.broadcast %reduce_sum3A_553 : f32 to vector<16xf32>
      %select_n3A_555 = arith.select %eq3A_549, %broadcast_in_dim3A_554, %select_n3A_525 : vector<16xi1>, vector<16xf32>
      %swap3A = arith.index_cast %add3A_77 : i32 to index
      %swap3A_556 = tpu.vector_load %arg14[%swap3A] {strides = array<i32>} : memref<656xf32, #tpu.memory_space<vmem>>, vector<16xf32>,
      tpu.vector_store %arg14[%swap3A], %select_n3A_555 {strides = array<i32>} : memref<656xf32, #tpu.memory_space<vmem>>, vector<16xf32>,
      %mul3A_557 = arith.constant 20 : i32
      %mul3A_558 = arith.muli %mul3A_38, %mul3A_557 : i32
      %add3A_559 = arith.constant 16 : i32
      %add3A_560 = arith.addi %mul3A_558, %add3A_559 : i32
      %mul3A_561 = arith.constant 20 : i32
      %mul3A_562 = arith.muli %mul3A_38, %mul3A_561 : i32
      %add3A_563 = arith.constant 16 : i32
      %add3A_564 = arith.addi %mul3A_562, %add3A_563 : i32
      %broadcast_in_dim3A_565 = arith.constant 0.000000e+00 : f32
      %broadcast_in_dim3A_566 = vector.broadcast %broadcast_in_dim3A_565 : f32 to vector<16xf32>
      %add3A_567 = arith.constant 0 : i32
      %add3A_568 = arith.addi %add3A_560, %add3A_567 : i32
      %get3A_569 = arith.index_cast %add3A_568 : i32 to index
      %get3A_570 = arith.constant 0 : index
      %get3A_571 = tpu.vector_load %arg11[%get3A_569, %get3A_570] {strides = array<i32>} : memref<640x64xf32, #tpu.memory_space<vmem>>, vector<16xf32>,
      %get3A_572 = arith.index_cast %add3A_568 : i32 to index
      %get3A_573 = arith.constant 16 : index
      %get3A_574 = tpu.vector_load %arg11[%get3A_572, %get3A_573] {strides = array<i32>} : memref<640x64xf32, #tpu.memory_space<vmem>>, vector<16xf32>,
      %get3A_575 = arith.index_cast %add3A_568 : i32 to index
      %get3A_576 = arith.constant 32 : index
      %get3A_577 = tpu.vector_load %arg11[%get3A_575, %get3A_576] {strides = array<i32>} : memref<640x64xf32, #tpu.memory_space<vmem>>, vector<16xf32>,
      %get3A_578 = arith.index_cast %add3A_568 : i32 to index
      %get3A_579 = arith.constant 48 : index
      %get3A_580 = tpu.vector_load %arg11[%get3A_578, %get3A_579] {strides = array<i32>} : memref<640x64xf32, #tpu.memory_space<vmem>>, vector<16xf32>,
      %mul3A_581 = arith.mulf %get3A_571, %get3A_60 : vector<16xf32>
      %mul3A_582 = arith.mulf %get3A_574, %get3A_63 : vector<16xf32>
      %add3A_583 = arith.addf %mul3A_581, %mul3A_582 : vector<16xf32>
      %mul3A_584 = arith.mulf %get3A_577, %get3A_66 : vector<16xf32>
      %add3A_585 = arith.addf %add3A_583, %mul3A_584 : vector<16xf32>
      %mul3A_586 = arith.mulf %get3A_580, %get3A_69 : vector<16xf32>
      %add3A_587 = arith.addf %add3A_585, %mul3A_586 : vector<16xf32>
      %eq3A_588 = arith.constant 0 : i32
      %eq3A_589 = vector.broadcast %eq3A_588 : i32 to vector<16xi32>
      %eq3A_590 = arith.cmpi eq, %iota3A, %eq3A_589 : vector<16xi32>
      %reduce_sum3A_591 = arith.constant true
      %reduce_sum3A_592 = vector.broadcast %reduce_sum3A_591 : i1 to vector<16xi1>
      %reduce_sum3A_593 = tpu.scan <sum>, %add3A_587 masked %reduce_sum3A_592 : vector<16xf32>, vector<16xi1> -> vector<16xf32>
      %reduce_sum3A_594 = vector.extract %reduce_sum3A_593[15] : f32 from vector<16xf32>
      %broadcast_in_dim3A_595 = vector.broadcast %reduce_sum3A_594 : f32 to vector<16xf32>
      %select_n3A_596 = arith.select %eq3A_590, %broadcast_in_dim3A_595, %broadcast_in_dim3A_566 : vector<16xi1>, vector<16xf32>
      %add3A_597 = arith.constant 1 : i32
      %add3A_598 = arith.addi %add3A_560, %add3A_597 : i32
      %get3A_599 = arith.index_cast %add3A_598 : i32 to index
      %get3A_600 = arith.constant 0 : index
      %get3A_601 = tpu.vector_load %arg11[%get3A_599, %get3A_600] {strides = array<i32>} : memref<640x64xf32, #tpu.memory_space<vmem>>, vector<16xf32>,
      %get3A_602 = arith.index_cast %add3A_598 : i32 to index
      %get3A_603 = arith.constant 16 : index
      %get3A_604 = tpu.vector_load %arg11[%get3A_602, %get3A_603] {strides = array<i32>} : memref<640x64xf32, #tpu.memory_space<vmem>>, vector<16xf32>,
      %get3A_605 = arith.index_cast %add3A_598 : i32 to index
      %get3A_606 = arith.constant 32 : index
      %get3A_607 = tpu.vector_load %arg11[%get3A_605, %get3A_606] {strides = array<i32>} : memref<640x64xf32, #tpu.memory_space<vmem>>, vector<16xf32>,
      %get3A_608 = arith.index_cast %add3A_598 : i32 to index
      %get3A_609 = arith.constant 48 : index
      %get3A_610 = tpu.vector_load %arg11[%get3A_608, %get3A_609] {strides = array<i32>} : memref<640x64xf32, #tpu.memory_space<vmem>>, vector<16xf32>,
      %mul3A_611 = arith.mulf %get3A_601, %get3A_60 : vector<16xf32>
      %mul3A_612 = arith.mulf %get3A_604, %get3A_63 : vector<16xf32>
      %add3A_613 = arith.addf %mul3A_611, %mul3A_612 : vector<16xf32>
      %mul3A_614 = arith.mulf %get3A_607, %get3A_66 : vector<16xf32>
      %add3A_615 = arith.addf %add3A_613, %mul3A_614 : vector<16xf32>
      %mul3A_616 = arith.mulf %get3A_610, %get3A_69 : vector<16xf32>
      %add3A_617 = arith.addf %add3A_615, %mul3A_616 : vector<16xf32>
      %eq3A_618 = arith.constant 1 : i32
      %eq3A_619 = vector.broadcast %eq3A_618 : i32 to vector<16xi32>
      %eq3A_620 = arith.cmpi eq, %iota3A, %eq3A_619 : vector<16xi32>
      %reduce_sum3A_621 = arith.constant true
      %reduce_sum3A_622 = vector.broadcast %reduce_sum3A_621 : i1 to vector<16xi1>
      %reduce_sum3A_623 = tpu.scan <sum>, %add3A_617 masked %reduce_sum3A_622 : vector<16xf32>, vector<16xi1> -> vector<16xf32>
      %reduce_sum3A_624 = vector.extract %reduce_sum3A_623[15] : f32 from vector<16xf32>
      %broadcast_in_dim3A_625 = vector.broadcast %reduce_sum3A_624 : f32 to vector<16xf32>
      %select_n3A_626 = arith.select %eq3A_620, %broadcast_in_dim3A_625, %select_n3A_596 : vector<16xi1>, vector<16xf32>
      %add3A_627 = arith.constant 2 : i32
      %add3A_628 = arith.addi %add3A_560, %add3A_627 : i32
      %get3A_629 = arith.index_cast %add3A_628 : i32 to index
      %get3A_630 = arith.constant 0 : index
      %get3A_631 = tpu.vector_load %arg11[%get3A_629, %get3A_630] {strides = array<i32>} : memref<640x64xf32, #tpu.memory_space<vmem>>, vector<16xf32>,
      %get3A_632 = arith.index_cast %add3A_628 : i32 to index
      %get3A_633 = arith.constant 16 : index
      %get3A_634 = tpu.vector_load %arg11[%get3A_632, %get3A_633] {strides = array<i32>} : memref<640x64xf32, #tpu.memory_space<vmem>>, vector<16xf32>,
      %get3A_635 = arith.index_cast %add3A_628 : i32 to index
      %get3A_636 = arith.constant 32 : index
      %get3A_637 = tpu.vector_load %arg11[%get3A_635, %get3A_636] {strides = array<i32>} : memref<640x64xf32, #tpu.memory_space<vmem>>, vector<16xf32>,
      %get3A_638 = arith.index_cast %add3A_628 : i32 to index
      %get3A_639 = arith.constant 48 : index
      %get3A_640 = tpu.vector_load %arg11[%get3A_638, %get3A_639] {strides = array<i32>} : memref<640x64xf32, #tpu.memory_space<vmem>>, vector<16xf32>,
      %mul3A_641 = arith.mulf %get3A_631, %get3A_60 : vector<16xf32>
      %mul3A_642 = arith.mulf %get3A_634, %get3A_63 : vector<16xf32>
      %add3A_643 = arith.addf %mul3A_641, %mul3A_642 : vector<16xf32>
      %mul3A_644 = arith.mulf %get3A_637, %get3A_66 : vector<16xf32>
      %add3A_645 = arith.addf %add3A_643, %mul3A_644 : vector<16xf32>
      %mul3A_646 = arith.mulf %get3A_640, %get3A_69 : vector<16xf32>
      %add3A_647 = arith.addf %add3A_645, %mul3A_646 : vector<16xf32>
      %eq3A_648 = arith.constant 2 : i32
      %eq3A_649 = vector.broadcast %eq3A_648 : i32 to vector<16xi32>
      %eq3A_650 = arith.cmpi eq, %iota3A, %eq3A_649 : vector<16xi32>
      %reduce_sum3A_651 = arith.constant true
      %reduce_sum3A_652 = vector.broadcast %reduce_sum3A_651 : i1 to vector<16xi1>
      %reduce_sum3A_653 = tpu.scan <sum>, %add3A_647 masked %reduce_sum3A_652 : vector<16xf32>, vector<16xi1> -> vector<16xf32>
      %reduce_sum3A_654 = vector.extract %reduce_sum3A_653[15] : f32 from vector<16xf32>
      %broadcast_in_dim3A_655 = vector.broadcast %reduce_sum3A_654 : f32 to vector<16xf32>
      %select_n3A_656 = arith.select %eq3A_650, %broadcast_in_dim3A_655, %select_n3A_626 : vector<16xi1>, vector<16xf32>
      %add3A_657 = arith.constant 3 : i32
      %add3A_658 = arith.addi %add3A_560, %add3A_657 : i32
      %get3A_659 = arith.index_cast %add3A_658 : i32 to index
      %get3A_660 = arith.constant 0 : index
      %get3A_661 = tpu.vector_load %arg11[%get3A_659, %get3A_660] {strides = array<i32>} : memref<640x64xf32, #tpu.memory_space<vmem>>, vector<16xf32>,
      %get3A_662 = arith.index_cast %add3A_658 : i32 to index
      %get3A_663 = arith.constant 16 : index
      %get3A_664 = tpu.vector_load %arg11[%get3A_662, %get3A_663] {strides = array<i32>} : memref<640x64xf32, #tpu.memory_space<vmem>>, vector<16xf32>,
      %get3A_665 = arith.index_cast %add3A_658 : i32 to index
      %get3A_666 = arith.constant 32 : index
      %get3A_667 = tpu.vector_load %arg11[%get3A_665, %get3A_666] {strides = array<i32>} : memref<640x64xf32, #tpu.memory_space<vmem>>, vector<16xf32>,
      %get3A_668 = arith.index_cast %add3A_658 : i32 to index
      %get3A_669 = arith.constant 48 : index
      %get3A_670 = tpu.vector_load %arg11[%get3A_668, %get3A_669] {strides = array<i32>} : memref<640x64xf32, #tpu.memory_space<vmem>>, vector<16xf32>,
      %mul3A_671 = arith.mulf %get3A_661, %get3A_60 : vector<16xf32>
      %mul3A_672 = arith.mulf %get3A_664, %get3A_63 : vector<16xf32>
      %add3A_673 = arith.addf %mul3A_671, %mul3A_672 : vector<16xf32>
      %mul3A_674 = arith.mulf %get3A_667, %get3A_66 : vector<16xf32>
      %add3A_675 = arith.addf %add3A_673, %mul3A_674 : vector<16xf32>
      %mul3A_676 = arith.mulf %get3A_670, %get3A_69 : vector<16xf32>
      %add3A_677 = arith.addf %add3A_675, %mul3A_676 : vector<16xf32>
      %eq3A_678 = arith.constant 3 : i32
      %eq3A_679 = vector.broadcast %eq3A_678 : i32 to vector<16xi32>
      %eq3A_680 = arith.cmpi eq, %iota3A, %eq3A_679 : vector<16xi32>
      %reduce_sum3A_681 = arith.constant true
      %reduce_sum3A_682 = vector.broadcast %reduce_sum3A_681 : i1 to vector<16xi1>
      %reduce_sum3A_683 = tpu.scan <sum>, %add3A_677 masked %reduce_sum3A_682 : vector<16xf32>, vector<16xi1> -> vector<16xf32>
      %reduce_sum3A_684 = vector.extract %reduce_sum3A_683[15] : f32 from vector<16xf32>
      %broadcast_in_dim3A_685 = vector.broadcast %reduce_sum3A_684 : f32 to vector<16xf32>
      %select_n3A_686 = arith.select %eq3A_680, %broadcast_in_dim3A_685, %select_n3A_656 : vector<16xi1>, vector<16xf32>
      %swap3A_687 = arith.index_cast %add3A_564 : i32 to index
      %swap3A_688 = tpu.vector_load %arg14[%swap3A_687] {strides = array<i32>} : memref<656xf32, #tpu.memory_space<vmem>>, vector<16xf32>,
      tpu.vector_store %arg14[%swap3A_687], %select_n3A_686 {strides = array<i32>} : memref<656xf32, #tpu.memory_space<vmem>>, vector<16xf32>,
      %dma_wait3A_689 = arith.constant 0 : i32
      %dma_wait3A_690 = arith.constant 0 : i32
      %dma_wait3A_691 = tpu.memref_slice %arg12[%dma_wait3A_689, %dma_wait3A_690] : memref<400x64xf32, #tpu.memory_space<vmem>> -> memref<200x64xf32, #tpu.memory_space<vmem>>
      %dma_wait3A_692 = arith.constant 0 : i32
      %dma_wait3A_693 = tpu.memref_slice %arg9[%dma_wait3A_692] : memref<12800xi32, #tpu.memory_space<vmem>> -> memref<200xi32, #tpu.memory_space<vmem>>
      %dma_wait3A_694 = arith.constant 0 : i32
      %dma_wait3A_695 = arith.constant 0 : i32
      %dma_wait3A_696 = tpu.memref_slice %arg3[%dma_wait3A_694, %dma_wait3A_695] : memref<100000x64xf32, #tpu.memory_space<hbm>> -> memref<100000x64xf32, #tpu.memory_space<hbm>>
      tpu.wait_indirect_dma semaphore(%arg17 : memref<!tpu.dma_semaphore, #tpu.memory_space<semaphore_mem>>) src(%dma_wait3A_696 : memref<100000x64xf32, #tpu.memory_space<hbm>>) dst(%dma_wait3A_691 : memref<200x64xf32, #tpu.memory_space<vmem>>)
      %dma_wait3A_697 = arith.constant 200 : i32
      %dma_wait3A_698 = arith.constant 0 : i32
      %dma_wait3A_699 = tpu.memref_slice %arg12[%dma_wait3A_697, %dma_wait3A_698] : memref<400x64xf32, #tpu.memory_space<vmem>> -> memref<200x64xf32, #tpu.memory_space<vmem>>
      %dma_wait3A_700 = arith.constant 0 : i32
      %dma_wait3A_701 = tpu.memref_slice %arg9[%dma_wait3A_700] : memref<12800xi32, #tpu.memory_space<vmem>> -> memref<200xi32, #tpu.memory_space<vmem>>
      %dma_wait3A_702 = arith.constant 0 : i32
      %dma_wait3A_703 = arith.constant 0 : i32
      %dma_wait3A_704 = tpu.memref_slice %arg3[%dma_wait3A_702, %dma_wait3A_703] : memref<100000x64xf32, #tpu.memory_space<hbm>> -> memref<100000x64xf32, #tpu.memory_space<hbm>>
      tpu.wait_indirect_dma semaphore(%arg18 : memref<!tpu.dma_semaphore, #tpu.memory_space<semaphore_mem>>) src(%dma_wait3A_704 : memref<100000x64xf32, #tpu.memory_space<hbm>>) dst(%dma_wait3A_699 : memref<200x64xf32, #tpu.memory_space<vmem>>)
      %scan3A_705 = arith.constant 0 : i32
      %scan3A_706 = arith.constant 0 : i32
      %scan3A_707 = arith.constant 25 : i32
      %scan3A_708 = arith.addi %scan3A_706, %scan3A_707 : i32
      %scan3A_709 = arith.constant 1 : i32
      scf.for %scan3A_1375 = %scan3A_706 to %scan3A_708 step %scan3A_709  : i32 {
        %mul3A_1376 = arith.constant 16 : i32
        %mul3A_1377 = arith.muli %scan3A_1375, %mul3A_1376 : i32
        %mul3A_1378 = arith.constant 400 : i32
        %mul3A_1379 = arith.muli %mul3A_38, %mul3A_1378 : i32
        %mul3A_1380 = arith.constant 16 : i32
        %mul3A_1381 = arith.muli %scan3A_1375, %mul3A_1380 : i32
        %add3A_1382 = arith.addi %mul3A_1379, %mul3A_1381 : i32
        %broadcast_in_dim3A_1383 = arith.constant 0.000000e+00 : f32
        %broadcast_in_dim3A_1384 = vector.broadcast %broadcast_in_dim3A_1383 : f32 to vector<16xf32>
        %add3A_1385 = arith.constant 0 : i32
        %add3A_1386 = arith.addi %mul3A_1377, %add3A_1385 : i32
        %get3A_1387 = arith.index_cast %add3A_1386 : i32 to index
        %get3A_1388 = arith.constant 0 : index
        %get3A_1389 = tpu.vector_load %arg12[%get3A_1387, %get3A_1388] {strides = array<i32>} : memref<400x64xf32, #tpu.memory_space<vmem>>, vector<16xf32>,
        %get3A_1390 = arith.index_cast %add3A_1386 : i32 to index
        %get3A_1391 = arith.constant 16 : index
        %get3A_1392 = tpu.vector_load %arg12[%get3A_1390, %get3A_1391] {strides = array<i32>} : memref<400x64xf32, #tpu.memory_space<vmem>>, vector<16xf32>,
        %get3A_1393 = arith.index_cast %add3A_1386 : i32 to index
        %get3A_1394 = arith.constant 32 : index
        %get3A_1395 = tpu.vector_load %arg12[%get3A_1393, %get3A_1394] {strides = array<i32>} : memref<400x64xf32, #tpu.memory_space<vmem>>, vector<16xf32>,
        %get3A_1396 = arith.index_cast %add3A_1386 : i32 to index
        %get3A_1397 = arith.constant 48 : index
        %get3A_1398 = tpu.vector_load %arg12[%get3A_1396, %get3A_1397] {strides = array<i32>} : memref<400x64xf32, #tpu.memory_space<vmem>>, vector<16xf32>,
        %mul3A_1399 = arith.mulf %get3A_1389, %get3A_60 : vector<16xf32>
        %mul3A_1400 = arith.mulf %get3A_1392, %get3A_63 : vector<16xf32>
        %add3A_1401 = arith.addf %mul3A_1399, %mul3A_1400 : vector<16xf32>
        %mul3A_1402 = arith.mulf %get3A_1395, %get3A_66 : vector<16xf32>
        %add3A_1403 = arith.addf %add3A_1401, %mul3A_1402 : vector<16xf32>
        %mul3A_1404 = arith.mulf %get3A_1398, %get3A_69 : vector<16xf32>
        %add3A_1405 = arith.addf %add3A_1403, %mul3A_1404 : vector<16xf32>
        %eq3A_1406 = arith.constant 0 : i32
        %eq3A_1407 = vector.broadcast %eq3A_1406 : i32 to vector<16xi32>
        %eq3A_1408 = arith.cmpi eq, %iota3A, %eq3A_1407 : vector<16xi32>
        %reduce_sum3A_1409 = arith.constant true
        %reduce_sum3A_1410 = vector.broadcast %reduce_sum3A_1409 : i1 to vector<16xi1>
        %reduce_sum3A_1411 = tpu.scan <sum>, %add3A_1405 masked %reduce_sum3A_1410 : vector<16xf32>, vector<16xi1> -> vector<16xf32>
        %reduce_sum3A_1412 = vector.extract %reduce_sum3A_1411[15] : f32 from vector<16xf32>
        %broadcast_in_dim3A_1413 = vector.broadcast %reduce_sum3A_1412 : f32 to vector<16xf32>
        %select_n3A_1414 = arith.select %eq3A_1408, %broadcast_in_dim3A_1413, %broadcast_in_dim3A_1384 : vector<16xi1>, vector<16xf32>
        %add3A_1415 = arith.constant 1 : i32
        %add3A_1416 = arith.addi %mul3A_1377, %add3A_1415 : i32
        %get3A_1417 = arith.index_cast %add3A_1416 : i32 to index
        %get3A_1418 = arith.constant 0 : index
        %get3A_1419 = tpu.vector_load %arg12[%get3A_1417, %get3A_1418] {strides = array<i32>} : memref<400x64xf32, #tpu.memory_space<vmem>>, vector<16xf32>,
        %get3A_1420 = arith.index_cast %add3A_1416 : i32 to index
        %get3A_1421 = arith.constant 16 : index
        %get3A_1422 = tpu.vector_load %arg12[%get3A_1420, %get3A_1421] {strides = array<i32>} : memref<400x64xf32, #tpu.memory_space<vmem>>, vector<16xf32>,
        %get3A_1423 = arith.index_cast %add3A_1416 : i32 to index
        %get3A_1424 = arith.constant 32 : index
        %get3A_1425 = tpu.vector_load %arg12[%get3A_1423, %get3A_1424] {strides = array<i32>} : memref<400x64xf32, #tpu.memory_space<vmem>>, vector<16xf32>,
        %get3A_1426 = arith.index_cast %add3A_1416 : i32 to index
        %get3A_1427 = arith.constant 48 : index
        %get3A_1428 = tpu.vector_load %arg12[%get3A_1426, %get3A_1427] {strides = array<i32>} : memref<400x64xf32, #tpu.memory_space<vmem>>, vector<16xf32>,
        %mul3A_1429 = arith.mulf %get3A_1419, %get3A_60 : vector<16xf32>
        %mul3A_1430 = arith.mulf %get3A_1422, %get3A_63 : vector<16xf32>
        %add3A_1431 = arith.addf %mul3A_1429, %mul3A_1430 : vector<16xf32>
        %mul3A_1432 = arith.mulf %get3A_1425, %get3A_66 : vector<16xf32>
        %add3A_1433 = arith.addf %add3A_1431, %mul3A_1432 : vector<16xf32>
        %mul3A_1434 = arith.mulf %get3A_1428, %get3A_69 : vector<16xf32>
        %add3A_1435 = arith.addf %add3A_1433, %mul3A_1434 : vector<16xf32>
        %eq3A_1436 = arith.constant 1 : i32
        %eq3A_1437 = vector.broadcast %eq3A_1436 : i32 to vector<16xi32>
        %eq3A_1438 = arith.cmpi eq, %iota3A, %eq3A_1437 : vector<16xi32>
        %reduce_sum3A_1439 = arith.constant true
        %reduce_sum3A_1440 = vector.broadcast %reduce_sum3A_1439 : i1 to vector<16xi1>
        %reduce_sum3A_1441 = tpu.scan <sum>, %add3A_1435 masked %reduce_sum3A_1440 : vector<16xf32>, vector<16xi1> -> vector<16xf32>
        %reduce_sum3A_1442 = vector.extract %reduce_sum3A_1441[15] : f32 from vector<16xf32>
        %broadcast_in_dim3A_1443 = vector.broadcast %reduce_sum3A_1442 : f32 to vector<16xf32>
        %select_n3A_1444 = arith.select %eq3A_1438, %broadcast_in_dim3A_1443, %select_n3A_1414 : vector<16xi1>, vector<16xf32>
        %add3A_1445 = arith.constant 2 : i32
        %add3A_1446 = arith.addi %mul3A_1377, %add3A_1445 : i32
        %get3A_1447 = arith.index_cast %add3A_1446 : i32 to index
        %get3A_1448 = arith.constant 0 : index
        %get3A_1449 = tpu.vector_load %arg12[%get3A_1447, %get3A_1448] {strides = array<i32>} : memref<400x64xf32, #tpu.memory_space<vmem>>, vector<16xf32>,
        %get3A_1450 = arith.index_cast %add3A_1446 : i32 to index
        %get3A_1451 = arith.constant 16 : index
        %get3A_1452 = tpu.vector_load %arg12[%get3A_1450, %get3A_1451] {strides = array<i32>} : memref<400x64xf32, #tpu.memory_space<vmem>>, vector<16xf32>,
        %get3A_1453 = arith.index_cast %add3A_1446 : i32 to index
        %get3A_1454 = arith.constant 32 : index
        %get3A_1455 = tpu.vector_load %arg12[%get3A_1453, %get3A_1454] {strides = array<i32>} : memref<400x64xf32, #tpu.memory_space<vmem>>, vector<16xf32>,
        %get3A_1456 = arith.index_cast %add3A_1446 : i32 to index
        %get3A_1457 = arith.constant 48 : index
        %get3A_1458 = tpu.vector_load %arg12[%get3A_1456, %get3A_1457] {strides = array<i32>} : memref<400x64xf32, #tpu.memory_space<vmem>>, vector<16xf32>,
        %mul3A_1459 = arith.mulf %get3A_1449, %get3A_60 : vector<16xf32>
        %mul3A_1460 = arith.mulf %get3A_1452, %get3A_63 : vector<16xf32>
        %add3A_1461 = arith.addf %mul3A_1459, %mul3A_1460 : vector<16xf32>
        %mul3A_1462 = arith.mulf %get3A_1455, %get3A_66 : vector<16xf32>
        %add3A_1463 = arith.addf %add3A_1461, %mul3A_1462 : vector<16xf32>
        %mul3A_1464 = arith.mulf %get3A_1458, %get3A_69 : vector<16xf32>
        %add3A_1465 = arith.addf %add3A_1463, %mul3A_1464 : vector<16xf32>
        %eq3A_1466 = arith.constant 2 : i32
        %eq3A_1467 = vector.broadcast %eq3A_1466 : i32 to vector<16xi32>
        %eq3A_1468 = arith.cmpi eq, %iota3A, %eq3A_1467 : vector<16xi32>
        %reduce_sum3A_1469 = arith.constant true
        %reduce_sum3A_1470 = vector.broadcast %reduce_sum3A_1469 : i1 to vector<16xi1>
        %reduce_sum3A_1471 = tpu.scan <sum>, %add3A_1465 masked %reduce_sum3A_1470 : vector<16xf32>, vector<16xi1> -> vector<16xf32>
        %reduce_sum3A_1472 = vector.extract %reduce_sum3A_1471[15] : f32 from vector<16xf32>
        %broadcast_in_dim3A_1473 = vector.broadcast %reduce_sum3A_1472 : f32 to vector<16xf32>
        %select_n3A_1474 = arith.select %eq3A_1468, %broadcast_in_dim3A_1473, %select_n3A_1444 : vector<16xi1>, vector<16xf32>
        %add3A_1475 = arith.constant 3 : i32
        %add3A_1476 = arith.addi %mul3A_1377, %add3A_1475 : i32
        %get3A_1477 = arith.index_cast %add3A_1476 : i32 to index
        %get3A_1478 = arith.constant 0 : index
        %get3A_1479 = tpu.vector_load %arg12[%get3A_1477, %get3A_1478] {strides = array<i32>} : memref<400x64xf32, #tpu.memory_space<vmem>>, vector<16xf32>,
        %get3A_1480 = arith.index_cast %add3A_1476 : i32 to index
        %get3A_1481 = arith.constant 16 : index
        %get3A_1482 = tpu.vector_load %arg12[%get3A_1480, %get3A_1481] {strides = array<i32>} : memref<400x64xf32, #tpu.memory_space<vmem>>, vector<16xf32>,
        %get3A_1483 = arith.index_cast %add3A_1476 : i32 to index
        %get3A_1484 = arith.constant 32 : index
        %get3A_1485 = tpu.vector_load %arg12[%get3A_1483, %get3A_1484] {strides = array<i32>} : memref<400x64xf32, #tpu.memory_space<vmem>>, vector<16xf32>,
        %get3A_1486 = arith.index_cast %add3A_1476 : i32 to index
        %get3A_1487 = arith.constant 48 : index
        %get3A_1488 = tpu.vector_load %arg12[%get3A_1486, %get3A_1487] {strides = array<i32>} : memref<400x64xf32, #tpu.memory_space<vmem>>, vector<16xf32>,
        %mul3A_1489 = arith.mulf %get3A_1479, %get3A_60 : vector<16xf32>
        %mul3A_1490 = arith.mulf %get3A_1482, %get3A_63 : vector<16xf32>
        %add3A_1491 = arith.addf %mul3A_1489, %mul3A_1490 : vector<16xf32>
        %mul3A_1492 = arith.mulf %get3A_1485, %get3A_66 : vector<16xf32>
        %add3A_1493 = arith.addf %add3A_1491, %mul3A_1492 : vector<16xf32>
        %mul3A_1494 = arith.mulf %get3A_1488, %get3A_69 : vector<16xf32>
        %add3A_1495 = arith.addf %add3A_1493, %mul3A_1494 : vector<16xf32>
        %eq3A_1496 = arith.constant 3 : i32
        %eq3A_1497 = vector.broadcast %eq3A_1496 : i32 to vector<16xi32>
        %eq3A_1498 = arith.cmpi eq, %iota3A, %eq3A_1497 : vector<16xi32>
        %reduce_sum3A_1499 = arith.constant true
        %reduce_sum3A_1500 = vector.broadcast %reduce_sum3A_1499 : i1 to vector<16xi1>
        %reduce_sum3A_1501 = tpu.scan <sum>, %add3A_1495 masked %reduce_sum3A_1500 : vector<16xf32>, vector<16xi1> -> vector<16xf32>
        %reduce_sum3A_1502 = vector.extract %reduce_sum3A_1501[15] : f32 from vector<16xf32>
        %broadcast_in_dim3A_1503 = vector.broadcast %reduce_sum3A_1502 : f32 to vector<16xf32>
        %select_n3A_1504 = arith.select %eq3A_1498, %broadcast_in_dim3A_1503, %select_n3A_1474 : vector<16xi1>, vector<16xf32>
        %add3A_1505 = arith.constant 4 : i32
        %add3A_1506 = arith.addi %mul3A_1377, %add3A_1505 : i32
        %get3A_1507 = arith.index_cast %add3A_1506 : i32 to index
        %get3A_1508 = arith.constant 0 : index
        %get3A_1509 = tpu.vector_load %arg12[%get3A_1507, %get3A_1508] {strides = array<i32>} : memref<400x64xf32, #tpu.memory_space<vmem>>, vector<16xf32>,
        %get3A_1510 = arith.index_cast %add3A_1506 : i32 to index
        %get3A_1511 = arith.constant 16 : index
        %get3A_1512 = tpu.vector_load %arg12[%get3A_1510, %get3A_1511] {strides = array<i32>} : memref<400x64xf32, #tpu.memory_space<vmem>>, vector<16xf32>,
        %get3A_1513 = arith.index_cast %add3A_1506 : i32 to index
        %get3A_1514 = arith.constant 32 : index
        %get3A_1515 = tpu.vector_load %arg12[%get3A_1513, %get3A_1514] {strides = array<i32>} : memref<400x64xf32, #tpu.memory_space<vmem>>, vector<16xf32>,
        %get3A_1516 = arith.index_cast %add3A_1506 : i32 to index
        %get3A_1517 = arith.constant 48 : index
        %get3A_1518 = tpu.vector_load %arg12[%get3A_1516, %get3A_1517] {strides = array<i32>} : memref<400x64xf32, #tpu.memory_space<vmem>>, vector<16xf32>,
        %mul3A_1519 = arith.mulf %get3A_1509, %get3A_60 : vector<16xf32>
        %mul3A_1520 = arith.mulf %get3A_1512, %get3A_63 : vector<16xf32>
        %add3A_1521 = arith.addf %mul3A_1519, %mul3A_1520 : vector<16xf32>
        %mul3A_1522 = arith.mulf %get3A_1515, %get3A_66 : vector<16xf32>
        %add3A_1523 = arith.addf %add3A_1521, %mul3A_1522 : vector<16xf32>
        %mul3A_1524 = arith.mulf %get3A_1518, %get3A_69 : vector<16xf32>
        %add3A_1525 = arith.addf %add3A_1523, %mul3A_1524 : vector<16xf32>
        %eq3A_1526 = arith.constant 4 : i32
        %eq3A_1527 = vector.broadcast %eq3A_1526 : i32 to vector<16xi32>
        %eq3A_1528 = arith.cmpi eq, %iota3A, %eq3A_1527 : vector<16xi32>
        %reduce_sum3A_1529 = arith.constant true
        %reduce_sum3A_1530 = vector.broadcast %reduce_sum3A_1529 : i1 to vector<16xi1>
        %reduce_sum3A_1531 = tpu.scan <sum>, %add3A_1525 masked %reduce_sum3A_1530 : vector<16xf32>, vector<16xi1> -> vector<16xf32>
        %reduce_sum3A_1532 = vector.extract %reduce_sum3A_1531[15] : f32 from vector<16xf32>
        %broadcast_in_dim3A_1533 = vector.broadcast %reduce_sum3A_1532 : f32 to vector<16xf32>
        %select_n3A_1534 = arith.select %eq3A_1528, %broadcast_in_dim3A_1533, %select_n3A_1504 : vector<16xi1>, vector<16xf32>
        %add3A_1535 = arith.constant 5 : i32
        %add3A_1536 = arith.addi %mul3A_1377, %add3A_1535 : i32
        %get3A_1537 = arith.index_cast %add3A_1536 : i32 to index
        %get3A_1538 = arith.constant 0 : index
        %get3A_1539 = tpu.vector_load %arg12[%get3A_1537, %get3A_1538] {strides = array<i32>} : memref<400x64xf32, #tpu.memory_space<vmem>>, vector<16xf32>,
        %get3A_1540 = arith.index_cast %add3A_1536 : i32 to index
        %get3A_1541 = arith.constant 16 : index
        %get3A_1542 = tpu.vector_load %arg12[%get3A_1540, %get3A_1541] {strides = array<i32>} : memref<400x64xf32, #tpu.memory_space<vmem>>, vector<16xf32>,
        %get3A_1543 = arith.index_cast %add3A_1536 : i32 to index
        %get3A_1544 = arith.constant 32 : index
        %get3A_1545 = tpu.vector_load %arg12[%get3A_1543, %get3A_1544] {strides = array<i32>} : memref<400x64xf32, #tpu.memory_space<vmem>>, vector<16xf32>,
        %get3A_1546 = arith.index_cast %add3A_1536 : i32 to index
        %get3A_1547 = arith.constant 48 : index
        %get3A_1548 = tpu.vector_load %arg12[%get3A_1546, %get3A_1547] {strides = array<i32>} : memref<400x64xf32, #tpu.memory_space<vmem>>, vector<16xf32>,
        %mul3A_1549 = arith.mulf %get3A_1539, %get3A_60 : vector<16xf32>
        %mul3A_1550 = arith.mulf %get3A_1542, %get3A_63 : vector<16xf32>
        %add3A_1551 = arith.addf %mul3A_1549, %mul3A_1550 : vector<16xf32>
        %mul3A_1552 = arith.mulf %get3A_1545, %get3A_66 : vector<16xf32>
        %add3A_1553 = arith.addf %add3A_1551, %mul3A_1552 : vector<16xf32>
        %mul3A_1554 = arith.mulf %get3A_1548, %get3A_69 : vector<16xf32>
        %add3A_1555 = arith.addf %add3A_1553, %mul3A_1554 : vector<16xf32>
        %eq3A_1556 = arith.constant 5 : i32
        %eq3A_1557 = vector.broadcast %eq3A_1556 : i32 to vector<16xi32>
        %eq3A_1558 = arith.cmpi eq, %iota3A, %eq3A_1557 : vector<16xi32>
        %reduce_sum3A_1559 = arith.constant true
        %reduce_sum3A_1560 = vector.broadcast %reduce_sum3A_1559 : i1 to vector<16xi1>
        %reduce_sum3A_1561 = tpu.scan <sum>, %add3A_1555 masked %reduce_sum3A_1560 : vector<16xf32>, vector<16xi1> -> vector<16xf32>
        %reduce_sum3A_1562 = vector.extract %reduce_sum3A_1561[15] : f32 from vector<16xf32>
        %broadcast_in_dim3A_1563 = vector.broadcast %reduce_sum3A_1562 : f32 to vector<16xf32>
        %select_n3A_1564 = arith.select %eq3A_1558, %broadcast_in_dim3A_1563, %select_n3A_1534 : vector<16xi1>, vector<16xf32>
        %add3A_1565 = arith.constant 6 : i32
        %add3A_1566 = arith.addi %mul3A_1377, %add3A_1565 : i32
        %get3A_1567 = arith.index_cast %add3A_1566 : i32 to index
        %get3A_1568 = arith.constant 0 : index
        %get3A_1569 = tpu.vector_load %arg12[%get3A_1567, %get3A_1568] {strides = array<i32>} : memref<400x64xf32, #tpu.memory_space<vmem>>, vector<16xf32>,
        %get3A_1570 = arith.index_cast %add3A_1566 : i32 to index
        %get3A_1571 = arith.constant 16 : index
        %get3A_1572 = tpu.vector_load %arg12[%get3A_1570, %get3A_1571] {strides = array<i32>} : memref<400x64xf32, #tpu.memory_space<vmem>>, vector<16xf32>,
        %get3A_1573 = arith.index_cast %add3A_1566 : i32 to index
        %get3A_1574 = arith.constant 32 : index
        %get3A_1575 = tpu.vector_load %arg12[%get3A_1573, %get3A_1574] {strides = array<i32>} : memref<400x64xf32, #tpu.memory_space<vmem>>, vector<16xf32>,
        %get3A_1576 = arith.index_cast %add3A_1566 : i32 to index
        %get3A_1577 = arith.constant 48 : index
        %get3A_1578 = tpu.vector_load %arg12[%get3A_1576, %get3A_1577] {strides = array<i32>} : memref<400x64xf32, #tpu.memory_space<vmem>>, vector<16xf32>,
        %mul3A_1579 = arith.mulf %get3A_1569, %get3A_60 : vector<16xf32>
        %mul3A_1580 = arith.mulf %get3A_1572, %get3A_63 : vector<16xf32>
        %add3A_1581 = arith.addf %mul3A_1579, %mul3A_1580 : vector<16xf32>
        %mul3A_1582 = arith.mulf %get3A_1575, %get3A_66 : vector<16xf32>
        %add3A_1583 = arith.addf %add3A_1581, %mul3A_1582 : vector<16xf32>
        %mul3A_1584 = arith.mulf %get3A_1578, %get3A_69 : vector<16xf32>
        %add3A_1585 = arith.addf %add3A_1583, %mul3A_1584 : vector<16xf32>
        %eq3A_1586 = arith.constant 6 : i32
        %eq3A_1587 = vector.broadcast %eq3A_1586 : i32 to vector<16xi32>
        %eq3A_1588 = arith.cmpi eq, %iota3A, %eq3A_1587 : vector<16xi32>
        %reduce_sum3A_1589 = arith.constant true
        %reduce_sum3A_1590 = vector.broadcast %reduce_sum3A_1589 : i1 to vector<16xi1>
        %reduce_sum3A_1591 = tpu.scan <sum>, %add3A_1585 masked %reduce_sum3A_1590 : vector<16xf32>, vector<16xi1> -> vector<16xf32>
        %reduce_sum3A_1592 = vector.extract %reduce_sum3A_1591[15] : f32 from vector<16xf32>
        %broadcast_in_dim3A_1593 = vector.broadcast %reduce_sum3A_1592 : f32 to vector<16xf32>
        %select_n3A_1594 = arith.select %eq3A_1588, %broadcast_in_dim3A_1593, %select_n3A_1564 : vector<16xi1>, vector<16xf32>
        %add3A_1595 = arith.constant 7 : i32
        %add3A_1596 = arith.addi %mul3A_1377, %add3A_1595 : i32
        %get3A_1597 = arith.index_cast %add3A_1596 : i32 to index
        %get3A_1598 = arith.constant 0 : index
        %get3A_1599 = tpu.vector_load %arg12[%get3A_1597, %get3A_1598] {strides = array<i32>} : memref<400x64xf32, #tpu.memory_space<vmem>>, vector<16xf32>,
        %get3A_1600 = arith.index_cast %add3A_1596 : i32 to index
        %get3A_1601 = arith.constant 16 : index
        %get3A_1602 = tpu.vector_load %arg12[%get3A_1600, %get3A_1601] {strides = array<i32>} : memref<400x64xf32, #tpu.memory_space<vmem>>, vector<16xf32>,
        %get3A_1603 = arith.index_cast %add3A_1596 : i32 to index
        %get3A_1604 = arith.constant 32 : index
        %get3A_1605 = tpu.vector_load %arg12[%get3A_1603, %get3A_1604] {strides = array<i32>} : memref<400x64xf32, #tpu.memory_space<vmem>>, vector<16xf32>,
        %get3A_1606 = arith.index_cast %add3A_1596 : i32 to index
        %get3A_1607 = arith.constant 48 : index
        %get3A_1608 = tpu.vector_load %arg12[%get3A_1606, %get3A_1607] {strides = array<i32>} : memref<400x64xf32, #tpu.memory_space<vmem>>, vector<16xf32>,
        %mul3A_1609 = arith.mulf %get3A_1599, %get3A_60 : vector<16xf32>
        %mul3A_1610 = arith.mulf %get3A_1602, %get3A_63 : vector<16xf32>
        %add3A_1611 = arith.addf %mul3A_1609, %mul3A_1610 : vector<16xf32>
        %mul3A_1612 = arith.mulf %get3A_1605, %get3A_66 : vector<16xf32>
        %add3A_1613 = arith.addf %add3A_1611, %mul3A_1612 : vector<16xf32>
        %mul3A_1614 = arith.mulf %get3A_1608, %get3A_69 : vector<16xf32>
        %add3A_1615 = arith.addf %add3A_1613, %mul3A_1614 : vector<16xf32>
        %eq3A_1616 = arith.constant 7 : i32
        %eq3A_1617 = vector.broadcast %eq3A_1616 : i32 to vector<16xi32>
        %eq3A_1618 = arith.cmpi eq, %iota3A, %eq3A_1617 : vector<16xi32>
        %reduce_sum3A_1619 = arith.constant true
        %reduce_sum3A_1620 = vector.broadcast %reduce_sum3A_1619 : i1 to vector<16xi1>
        %reduce_sum3A_1621 = tpu.scan <sum>, %add3A_1615 masked %reduce_sum3A_1620 : vector<16xf32>, vector<16xi1> -> vector<16xf32>
        %reduce_sum3A_1622 = vector.extract %reduce_sum3A_1621[15] : f32 from vector<16xf32>
        %broadcast_in_dim3A_1623 = vector.broadcast %reduce_sum3A_1622 : f32 to vector<16xf32>
        %select_n3A_1624 = arith.select %eq3A_1618, %broadcast_in_dim3A_1623, %select_n3A_1594 : vector<16xi1>, vector<16xf32>
        %add3A_1625 = arith.constant 8 : i32
        %add3A_1626 = arith.addi %mul3A_1377, %add3A_1625 : i32
        %get3A_1627 = arith.index_cast %add3A_1626 : i32 to index
        %get3A_1628 = arith.constant 0 : index
        %get3A_1629 = tpu.vector_load %arg12[%get3A_1627, %get3A_1628] {strides = array<i32>} : memref<400x64xf32, #tpu.memory_space<vmem>>, vector<16xf32>,
        %get3A_1630 = arith.index_cast %add3A_1626 : i32 to index
        %get3A_1631 = arith.constant 16 : index
        %get3A_1632 = tpu.vector_load %arg12[%get3A_1630, %get3A_1631] {strides = array<i32>} : memref<400x64xf32, #tpu.memory_space<vmem>>, vector<16xf32>,
        %get3A_1633 = arith.index_cast %add3A_1626 : i32 to index
        %get3A_1634 = arith.constant 32 : index
        %get3A_1635 = tpu.vector_load %arg12[%get3A_1633, %get3A_1634] {strides = array<i32>} : memref<400x64xf32, #tpu.memory_space<vmem>>, vector<16xf32>,
        %get3A_1636 = arith.index_cast %add3A_1626 : i32 to index
        %get3A_1637 = arith.constant 48 : index
        %get3A_1638 = tpu.vector_load %arg12[%get3A_1636, %get3A_1637] {strides = array<i32>} : memref<400x64xf32, #tpu.memory_space<vmem>>, vector<16xf32>,
        %mul3A_1639 = arith.mulf %get3A_1629, %get3A_60 : vector<16xf32>
        %mul3A_1640 = arith.mulf %get3A_1632, %get3A_63 : vector<16xf32>
        %add3A_1641 = arith.addf %mul3A_1639, %mul3A_1640 : vector<16xf32>
        %mul3A_1642 = arith.mulf %get3A_1635, %get3A_66 : vector<16xf32>
        %add3A_1643 = arith.addf %add3A_1641, %mul3A_1642 : vector<16xf32>
        %mul3A_1644 = arith.mulf %get3A_1638, %get3A_69 : vector<16xf32>
        %add3A_1645 = arith.addf %add3A_1643, %mul3A_1644 : vector<16xf32>
        %eq3A_1646 = arith.constant 8 : i32
        %eq3A_1647 = vector.broadcast %eq3A_1646 : i32 to vector<16xi32>
        %eq3A_1648 = arith.cmpi eq, %iota3A, %eq3A_1647 : vector<16xi32>
        %reduce_sum3A_1649 = arith.constant true
        %reduce_sum3A_1650 = vector.broadcast %reduce_sum3A_1649 : i1 to vector<16xi1>
        %reduce_sum3A_1651 = tpu.scan <sum>, %add3A_1645 masked %reduce_sum3A_1650 : vector<16xf32>, vector<16xi1> -> vector<16xf32>
        %reduce_sum3A_1652 = vector.extract %reduce_sum3A_1651[15] : f32 from vector<16xf32>
        %broadcast_in_dim3A_1653 = vector.broadcast %reduce_sum3A_1652 : f32 to vector<16xf32>
        %select_n3A_1654 = arith.select %eq3A_1648, %broadcast_in_dim3A_1653, %select_n3A_1624 : vector<16xi1>, vector<16xf32>
        %add3A_1655 = arith.constant 9 : i32
        %add3A_1656 = arith.addi %mul3A_1377, %add3A_1655 : i32
        %get3A_1657 = arith.index_cast %add3A_1656 : i32 to index
        %get3A_1658 = arith.constant 0 : index
        %get3A_1659 = tpu.vector_load %arg12[%get3A_1657, %get3A_1658] {strides = array<i32>} : memref<400x64xf32, #tpu.memory_space<vmem>>, vector<16xf32>,
        %get3A_1660 = arith.index_cast %add3A_1656 : i32 to index
        %get3A_1661 = arith.constant 16 : index
        %get3A_1662 = tpu.vector_load %arg12[%get3A_1660, %get3A_1661] {strides = array<i32>} : memref<400x64xf32, #tpu.memory_space<vmem>>, vector<16xf32>,
        %get3A_1663 = arith.index_cast %add3A_1656 : i32 to index
        %get3A_1664 = arith.constant 32 : index
        %get3A_1665 = tpu.vector_load %arg12[%get3A_1663, %get3A_1664] {strides = array<i32>} : memref<400x64xf32, #tpu.memory_space<vmem>>, vector<16xf32>,
        %get3A_1666 = arith.index_cast %add3A_1656 : i32 to index
        %get3A_1667 = arith.constant 48 : index
        %get3A_1668 = tpu.vector_load %arg12[%get3A_1666, %get3A_1667] {strides = array<i32>} : memref<400x64xf32, #tpu.memory_space<vmem>>, vector<16xf32>,
        %mul3A_1669 = arith.mulf %get3A_1659, %get3A_60 : vector<16xf32>
        %mul3A_1670 = arith.mulf %get3A_1662, %get3A_63 : vector<16xf32>
        %add3A_1671 = arith.addf %mul3A_1669, %mul3A_1670 : vector<16xf32>
        %mul3A_1672 = arith.mulf %get3A_1665, %get3A_66 : vector<16xf32>
        %add3A_1673 = arith.addf %add3A_1671, %mul3A_1672 : vector<16xf32>
        %mul3A_1674 = arith.mulf %get3A_1668, %get3A_69 : vector<16xf32>
        %add3A_1675 = arith.addf %add3A_1673, %mul3A_1674 : vector<16xf32>
        %eq3A_1676 = arith.constant 9 : i32
        %eq3A_1677 = vector.broadcast %eq3A_1676 : i32 to vector<16xi32>
        %eq3A_1678 = arith.cmpi eq, %iota3A, %eq3A_1677 : vector<16xi32>
        %reduce_sum3A_1679 = arith.constant true
        %reduce_sum3A_1680 = vector.broadcast %reduce_sum3A_1679 : i1 to vector<16xi1>
        %reduce_sum3A_1681 = tpu.scan <sum>, %add3A_1675 masked %reduce_sum3A_1680 : vector<16xf32>, vector<16xi1> -> vector<16xf32>
        %reduce_sum3A_1682 = vector.extract %reduce_sum3A_1681[15] : f32 from vector<16xf32>
        %broadcast_in_dim3A_1683 = vector.broadcast %reduce_sum3A_1682 : f32 to vector<16xf32>
        %select_n3A_1684 = arith.select %eq3A_1678, %broadcast_in_dim3A_1683, %select_n3A_1654 : vector<16xi1>, vector<16xf32>
        %add3A_1685 = arith.constant 10 : i32
        %add3A_1686 = arith.addi %mul3A_1377, %add3A_1685 : i32
        %get3A_1687 = arith.index_cast %add3A_1686 : i32 to index
        %get3A_1688 = arith.constant 0 : index
        %get3A_1689 = tpu.vector_load %arg12[%get3A_1687, %get3A_1688] {strides = array<i32>} : memref<400x64xf32, #tpu.memory_space<vmem>>, vector<16xf32>,
        %get3A_1690 = arith.index_cast %add3A_1686 : i32 to index
        %get3A_1691 = arith.constant 16 : index
        %get3A_1692 = tpu.vector_load %arg12[%get3A_1690, %get3A_1691] {strides = array<i32>} : memref<400x64xf32, #tpu.memory_space<vmem>>, vector<16xf32>,
        %get3A_1693 = arith.index_cast %add3A_1686 : i32 to index
        %get3A_1694 = arith.constant 32 : index
        %get3A_1695 = tpu.vector_load %arg12[%get3A_1693, %get3A_1694] {strides = array<i32>} : memref<400x64xf32, #tpu.memory_space<vmem>>, vector<16xf32>,
        %get3A_1696 = arith.index_cast %add3A_1686 : i32 to index
        %get3A_1697 = arith.constant 48 : index
        %get3A_1698 = tpu.vector_load %arg12[%get3A_1696, %get3A_1697] {strides = array<i32>} : memref<400x64xf32, #tpu.memory_space<vmem>>, vector<16xf32>,
        %mul3A_1699 = arith.mulf %get3A_1689, %get3A_60 : vector<16xf32>
        %mul3A_1700 = arith.mulf %get3A_1692, %get3A_63 : vector<16xf32>
        %add3A_1701 = arith.addf %mul3A_1699, %mul3A_1700 : vector<16xf32>
        %mul3A_1702 = arith.mulf %get3A_1695, %get3A_66 : vector<16xf32>
        %add3A_1703 = arith.addf %add3A_1701, %mul3A_1702 : vector<16xf32>
        %mul3A_1704 = arith.mulf %get3A_1698, %get3A_69 : vector<16xf32>
        %add3A_1705 = arith.addf %add3A_1703, %mul3A_1704 : vector<16xf32>
        %eq3A_1706 = arith.constant 10 : i32
        %eq3A_1707 = vector.broadcast %eq3A_1706 : i32 to vector<16xi32>
        %eq3A_1708 = arith.cmpi eq, %iota3A, %eq3A_1707 : vector<16xi32>
        %reduce_sum3A_1709 = arith.constant true
        %reduce_sum3A_1710 = vector.broadcast %reduce_sum3A_1709 : i1 to vector<16xi1>
        %reduce_sum3A_1711 = tpu.scan <sum>, %add3A_1705 masked %reduce_sum3A_1710 : vector<16xf32>, vector<16xi1> -> vector<16xf32>
        %reduce_sum3A_1712 = vector.extract %reduce_sum3A_1711[15] : f32 from vector<16xf32>
        %broadcast_in_dim3A_1713 = vector.broadcast %reduce_sum3A_1712 : f32 to vector<16xf32>
        %select_n3A_1714 = arith.select %eq3A_1708, %broadcast_in_dim3A_1713, %select_n3A_1684 : vector<16xi1>, vector<16xf32>
        %add3A_1715 = arith.constant 11 : i32
        %add3A_1716 = arith.addi %mul3A_1377, %add3A_1715 : i32
        %get3A_1717 = arith.index_cast %add3A_1716 : i32 to index
        %get3A_1718 = arith.constant 0 : index
        %get3A_1719 = tpu.vector_load %arg12[%get3A_1717, %get3A_1718] {strides = array<i32>} : memref<400x64xf32, #tpu.memory_space<vmem>>, vector<16xf32>,
        %get3A_1720 = arith.index_cast %add3A_1716 : i32 to index
        %get3A_1721 = arith.constant 16 : index
        %get3A_1722 = tpu.vector_load %arg12[%get3A_1720, %get3A_1721] {strides = array<i32>} : memref<400x64xf32, #tpu.memory_space<vmem>>, vector<16xf32>,
        %get3A_1723 = arith.index_cast %add3A_1716 : i32 to index
        %get3A_1724 = arith.constant 32 : index
        %get3A_1725 = tpu.vector_load %arg12[%get3A_1723, %get3A_1724] {strides = array<i32>} : memref<400x64xf32, #tpu.memory_space<vmem>>, vector<16xf32>,
        %get3A_1726 = arith.index_cast %add3A_1716 : i32 to index
        %get3A_1727 = arith.constant 48 : index
        %get3A_1728 = tpu.vector_load %arg12[%get3A_1726, %get3A_1727] {strides = array<i32>} : memref<400x64xf32, #tpu.memory_space<vmem>>, vector<16xf32>,
        %mul3A_1729 = arith.mulf %get3A_1719, %get3A_60 : vector<16xf32>
        %mul3A_1730 = arith.mulf %get3A_1722, %get3A_63 : vector<16xf32>
        %add3A_1731 = arith.addf %mul3A_1729, %mul3A_1730 : vector<16xf32>
        %mul3A_1732 = arith.mulf %get3A_1725, %get3A_66 : vector<16xf32>
        %add3A_1733 = arith.addf %add3A_1731, %mul3A_1732 : vector<16xf32>
        %mul3A_1734 = arith.mulf %get3A_1728, %get3A_69 : vector<16xf32>
        %add3A_1735 = arith.addf %add3A_1733, %mul3A_1734 : vector<16xf32>
        %eq3A_1736 = arith.constant 11 : i32
        %eq3A_1737 = vector.broadcast %eq3A_1736 : i32 to vector<16xi32>
        %eq3A_1738 = arith.cmpi eq, %iota3A, %eq3A_1737 : vector<16xi32>
        %reduce_sum3A_1739 = arith.constant true
        %reduce_sum3A_1740 = vector.broadcast %reduce_sum3A_1739 : i1 to vector<16xi1>
        %reduce_sum3A_1741 = tpu.scan <sum>, %add3A_1735 masked %reduce_sum3A_1740 : vector<16xf32>, vector<16xi1> -> vector<16xf32>
        %reduce_sum3A_1742 = vector.extract %reduce_sum3A_1741[15] : f32 from vector<16xf32>
        %broadcast_in_dim3A_1743 = vector.broadcast %reduce_sum3A_1742 : f32 to vector<16xf32>
        %select_n3A_1744 = arith.select %eq3A_1738, %broadcast_in_dim3A_1743, %select_n3A_1714 : vector<16xi1>, vector<16xf32>
        %add3A_1745 = arith.constant 12 : i32
        %add3A_1746 = arith.addi %mul3A_1377, %add3A_1745 : i32
        %get3A_1747 = arith.index_cast %add3A_1746 : i32 to index
        %get3A_1748 = arith.constant 0 : index
        %get3A_1749 = tpu.vector_load %arg12[%get3A_1747, %get3A_1748] {strides = array<i32>} : memref<400x64xf32, #tpu.memory_space<vmem>>, vector<16xf32>,
        %get3A_1750 = arith.index_cast %add3A_1746 : i32 to index
        %get3A_1751 = arith.constant 16 : index
        %get3A_1752 = tpu.vector_load %arg12[%get3A_1750, %get3A_1751] {strides = array<i32>} : memref<400x64xf32, #tpu.memory_space<vmem>>, vector<16xf32>,
        %get3A_1753 = arith.index_cast %add3A_1746 : i32 to index
        %get3A_1754 = arith.constant 32 : index
        %get3A_1755 = tpu.vector_load %arg12[%get3A_1753, %get3A_1754] {strides = array<i32>} : memref<400x64xf32, #tpu.memory_space<vmem>>, vector<16xf32>,
        %get3A_1756 = arith.index_cast %add3A_1746 : i32 to index
        %get3A_1757 = arith.constant 48 : index
        %get3A_1758 = tpu.vector_load %arg12[%get3A_1756, %get3A_1757] {strides = array<i32>} : memref<400x64xf32, #tpu.memory_space<vmem>>, vector<16xf32>,
        %mul3A_1759 = arith.mulf %get3A_1749, %get3A_60 : vector<16xf32>
        %mul3A_1760 = arith.mulf %get3A_1752, %get3A_63 : vector<16xf32>
        %add3A_1761 = arith.addf %mul3A_1759, %mul3A_1760 : vector<16xf32>
        %mul3A_1762 = arith.mulf %get3A_1755, %get3A_66 : vector<16xf32>
        %add3A_1763 = arith.addf %add3A_1761, %mul3A_1762 : vector<16xf32>
        %mul3A_1764 = arith.mulf %get3A_1758, %get3A_69 : vector<16xf32>
        %add3A_1765 = arith.addf %add3A_1763, %mul3A_1764 : vector<16xf32>
        %eq3A_1766 = arith.constant 12 : i32
        %eq3A_1767 = vector.broadcast %eq3A_1766 : i32 to vector<16xi32>
        %eq3A_1768 = arith.cmpi eq, %iota3A, %eq3A_1767 : vector<16xi32>
        %reduce_sum3A_1769 = arith.constant true
        %reduce_sum3A_1770 = vector.broadcast %reduce_sum3A_1769 : i1 to vector<16xi1>
        %reduce_sum3A_1771 = tpu.scan <sum>, %add3A_1765 masked %reduce_sum3A_1770 : vector<16xf32>, vector<16xi1> -> vector<16xf32>
        %reduce_sum3A_1772 = vector.extract %reduce_sum3A_1771[15] : f32 from vector<16xf32>
        %broadcast_in_dim3A_1773 = vector.broadcast %reduce_sum3A_1772 : f32 to vector<16xf32>
        %select_n3A_1774 = arith.select %eq3A_1768, %broadcast_in_dim3A_1773, %select_n3A_1744 : vector<16xi1>, vector<16xf32>
        %add3A_1775 = arith.constant 13 : i32
        %add3A_1776 = arith.addi %mul3A_1377, %add3A_1775 : i32
        %get3A_1777 = arith.index_cast %add3A_1776 : i32 to index
        %get3A_1778 = arith.constant 0 : index
        %get3A_1779 = tpu.vector_load %arg12[%get3A_1777, %get3A_1778] {strides = array<i32>} : memref<400x64xf32, #tpu.memory_space<vmem>>, vector<16xf32>,
        %get3A_1780 = arith.index_cast %add3A_1776 : i32 to index
        %get3A_1781 = arith.constant 16 : index
        %get3A_1782 = tpu.vector_load %arg12[%get3A_1780, %get3A_1781] {strides = array<i32>} : memref<400x64xf32, #tpu.memory_space<vmem>>, vector<16xf32>,
        %get3A_1783 = arith.index_cast %add3A_1776 : i32 to index
        %get3A_1784 = arith.constant 32 : index
        %get3A_1785 = tpu.vector_load %arg12[%get3A_1783, %get3A_1784] {strides = array<i32>} : memref<400x64xf32, #tpu.memory_space<vmem>>, vector<16xf32>,
        %get3A_1786 = arith.index_cast %add3A_1776 : i32 to index
        %get3A_1787 = arith.constant 48 : index
        %get3A_1788 = tpu.vector_load %arg12[%get3A_1786, %get3A_1787] {strides = array<i32>} : memref<400x64xf32, #tpu.memory_space<vmem>>, vector<16xf32>,
        %mul3A_1789 = arith.mulf %get3A_1779, %get3A_60 : vector<16xf32>
        %mul3A_1790 = arith.mulf %get3A_1782, %get3A_63 : vector<16xf32>
        %add3A_1791 = arith.addf %mul3A_1789, %mul3A_1790 : vector<16xf32>
        %mul3A_1792 = arith.mulf %get3A_1785, %get3A_66 : vector<16xf32>
        %add3A_1793 = arith.addf %add3A_1791, %mul3A_1792 : vector<16xf32>
        %mul3A_1794 = arith.mulf %get3A_1788, %get3A_69 : vector<16xf32>
        %add3A_1795 = arith.addf %add3A_1793, %mul3A_1794 : vector<16xf32>
        %eq3A_1796 = arith.constant 13 : i32
        %eq3A_1797 = vector.broadcast %eq3A_1796 : i32 to vector<16xi32>
        %eq3A_1798 = arith.cmpi eq, %iota3A, %eq3A_1797 : vector<16xi32>
        %reduce_sum3A_1799 = arith.constant true
        %reduce_sum3A_1800 = vector.broadcast %reduce_sum3A_1799 : i1 to vector<16xi1>
        %reduce_sum3A_1801 = tpu.scan <sum>, %add3A_1795 masked %reduce_sum3A_1800 : vector<16xf32>, vector<16xi1> -> vector<16xf32>
        %reduce_sum3A_1802 = vector.extract %reduce_sum3A_1801[15] : f32 from vector<16xf32>
        %broadcast_in_dim3A_1803 = vector.broadcast %reduce_sum3A_1802 : f32 to vector<16xf32>
        %select_n3A_1804 = arith.select %eq3A_1798, %broadcast_in_dim3A_1803, %select_n3A_1774 : vector<16xi1>, vector<16xf32>
        %add3A_1805 = arith.constant 14 : i32
        %add3A_1806 = arith.addi %mul3A_1377, %add3A_1805 : i32
        %get3A_1807 = arith.index_cast %add3A_1806 : i32 to index
        %get3A_1808 = arith.constant 0 : index
        %get3A_1809 = tpu.vector_load %arg12[%get3A_1807, %get3A_1808] {strides = array<i32>} : memref<400x64xf32, #tpu.memory_space<vmem>>, vector<16xf32>,
        %get3A_1810 = arith.index_cast %add3A_1806 : i32 to index
        %get3A_1811 = arith.constant 16 : index
        %get3A_1812 = tpu.vector_load %arg12[%get3A_1810, %get3A_1811] {strides = array<i32>} : memref<400x64xf32, #tpu.memory_space<vmem>>, vector<16xf32>,
        %get3A_1813 = arith.index_cast %add3A_1806 : i32 to index
        %get3A_1814 = arith.constant 32 : index
        %get3A_1815 = tpu.vector_load %arg12[%get3A_1813, %get3A_1814] {strides = array<i32>} : memref<400x64xf32, #tpu.memory_space<vmem>>, vector<16xf32>,
        %get3A_1816 = arith.index_cast %add3A_1806 : i32 to index
        %get3A_1817 = arith.constant 48 : index
        %get3A_1818 = tpu.vector_load %arg12[%get3A_1816, %get3A_1817] {strides = array<i32>} : memref<400x64xf32, #tpu.memory_space<vmem>>, vector<16xf32>,
        %mul3A_1819 = arith.mulf %get3A_1809, %get3A_60 : vector<16xf32>
        %mul3A_1820 = arith.mulf %get3A_1812, %get3A_63 : vector<16xf32>
        %add3A_1821 = arith.addf %mul3A_1819, %mul3A_1820 : vector<16xf32>
        %mul3A_1822 = arith.mulf %get3A_1815, %get3A_66 : vector<16xf32>
        %add3A_1823 = arith.addf %add3A_1821, %mul3A_1822 : vector<16xf32>
        %mul3A_1824 = arith.mulf %get3A_1818, %get3A_69 : vector<16xf32>
        %add3A_1825 = arith.addf %add3A_1823, %mul3A_1824 : vector<16xf32>
        %eq3A_1826 = arith.constant 14 : i32
        %eq3A_1827 = vector.broadcast %eq3A_1826 : i32 to vector<16xi32>
        %eq3A_1828 = arith.cmpi eq, %iota3A, %eq3A_1827 : vector<16xi32>
        %reduce_sum3A_1829 = arith.constant true
        %reduce_sum3A_1830 = vector.broadcast %reduce_sum3A_1829 : i1 to vector<16xi1>
        %reduce_sum3A_1831 = tpu.scan <sum>, %add3A_1825 masked %reduce_sum3A_1830 : vector<16xf32>, vector<16xi1> -> vector<16xf32>
        %reduce_sum3A_1832 = vector.extract %reduce_sum3A_1831[15] : f32 from vector<16xf32>
        %broadcast_in_dim3A_1833 = vector.broadcast %reduce_sum3A_1832 : f32 to vector<16xf32>
        %select_n3A_1834 = arith.select %eq3A_1828, %broadcast_in_dim3A_1833, %select_n3A_1804 : vector<16xi1>, vector<16xf32>
        %add3A_1835 = arith.constant 15 : i32
        %add3A_1836 = arith.addi %mul3A_1377, %add3A_1835 : i32
        %get3A_1837 = arith.index_cast %add3A_1836 : i32 to index
        %get3A_1838 = arith.constant 0 : index
        %get3A_1839 = tpu.vector_load %arg12[%get3A_1837, %get3A_1838] {strides = array<i32>} : memref<400x64xf32, #tpu.memory_space<vmem>>, vector<16xf32>,
        %get3A_1840 = arith.index_cast %add3A_1836 : i32 to index
        %get3A_1841 = arith.constant 16 : index
        %get3A_1842 = tpu.vector_load %arg12[%get3A_1840, %get3A_1841] {strides = array<i32>} : memref<400x64xf32, #tpu.memory_space<vmem>>, vector<16xf32>,
        %get3A_1843 = arith.index_cast %add3A_1836 : i32 to index
        %get3A_1844 = arith.constant 32 : index
        %get3A_1845 = tpu.vector_load %arg12[%get3A_1843, %get3A_1844] {strides = array<i32>} : memref<400x64xf32, #tpu.memory_space<vmem>>, vector<16xf32>,
        %get3A_1846 = arith.index_cast %add3A_1836 : i32 to index
        %get3A_1847 = arith.constant 48 : index
        %get3A_1848 = tpu.vector_load %arg12[%get3A_1846, %get3A_1847] {strides = array<i32>} : memref<400x64xf32, #tpu.memory_space<vmem>>, vector<16xf32>,
        %mul3A_1849 = arith.mulf %get3A_1839, %get3A_60 : vector<16xf32>
        %mul3A_1850 = arith.mulf %get3A_1842, %get3A_63 : vector<16xf32>
        %add3A_1851 = arith.addf %mul3A_1849, %mul3A_1850 : vector<16xf32>
        %mul3A_1852 = arith.mulf %get3A_1845, %get3A_66 : vector<16xf32>
        %add3A_1853 = arith.addf %add3A_1851, %mul3A_1852 : vector<16xf32>
        %mul3A_1854 = arith.mulf %get3A_1848, %get3A_69 : vector<16xf32>
        %add3A_1855 = arith.addf %add3A_1853, %mul3A_1854 : vector<16xf32>
        %eq3A_1856 = arith.constant 15 : i32
        %eq3A_1857 = vector.broadcast %eq3A_1856 : i32 to vector<16xi32>
        %eq3A_1858 = arith.cmpi eq, %iota3A, %eq3A_1857 : vector<16xi32>
        %reduce_sum3A_1859 = arith.constant true
        %reduce_sum3A_1860 = vector.broadcast %reduce_sum3A_1859 : i1 to vector<16xi1>
        %reduce_sum3A_1861 = tpu.scan <sum>, %add3A_1855 masked %reduce_sum3A_1860 : vector<16xf32>, vector<16xi1> -> vector<16xf32>
        %reduce_sum3A_1862 = vector.extract %reduce_sum3A_1861[15] : f32 from vector<16xf32>
        %broadcast_in_dim3A_1863 = vector.broadcast %reduce_sum3A_1862 : f32 to vector<16xf32>
        %select_n3A_1864 = arith.select %eq3A_1858, %broadcast_in_dim3A_1863, %select_n3A_1834 : vector<16xi1>, vector<16xf32>
        %swap3A_1865 = arith.index_cast %add3A_1382 : i32 to index
        %swap3A_1866 = tpu.vector_load %arg15[%swap3A_1865] {strides = array<i32>} : memref<12816xf32, #tpu.memory_space<vmem>>, vector<16xf32>,
        tpu.vector_store %arg15[%swap3A_1865], %select_n3A_1864 {strides = array<i32>} : memref<12816xf32, #tpu.memory_space<vmem>>, vector<16xf32>,
      }
      %scan3A_710 = arith.constant 25 : i32
      %add3A_711 = arith.constant 1 : i32
      %add3A_712 = arith.addi %mul3A_38, %add3A_711 : i32
      %add3A_713 = arith.constant 2 : i32
      %add3A_714 = arith.addi %mul3A_38, %add3A_713 : i32
      %lt3A = arith.constant 15 : i32
      %lt3A_715 = arith.cmpi slt, %scan3A_36, %lt3A : i32
      %convert_element_type3A = arith.extui %lt3A_715 : i1 to i32
      %cond3A = arith.constant 0 : i32
      %cond3A_716 = arith.cmpi ne, %convert_element_type3A, %cond3A : i32
      scf.if %cond3A_716 {
        %mul3A_1375 = arith.constant 400 : i32
        %mul3A_1376 = arith.muli %add3A_714, %mul3A_1375 : i32
        %dma_start3A_1377 = arith.constant 0 : i32
        %dma_start3A_1378 = arith.constant 0 : i32
        %dma_start3A_1379 = tpu.memref_slice %arg12[%dma_start3A_1377, %dma_start3A_1378] : memref<400x64xf32, #tpu.memory_space<vmem>> -> memref<200x64xf32, #tpu.memory_space<vmem>>
        %dma_start3A_1380 = tpu.memref_slice %arg9[%mul3A_1376] : memref<12800xi32, #tpu.memory_space<vmem>> -> memref<200xi32, #tpu.memory_space<vmem>>
        %dma_start3A_1381 = arith.constant 0 : i32
        %dma_start3A_1382 = arith.constant 0 : i32
        %dma_start3A_1383 = tpu.memref_slice %arg3[%dma_start3A_1381, %dma_start3A_1382] : memref<100000x64xf32, #tpu.memory_space<hbm>> -> memref<100000x64xf32, #tpu.memory_space<hbm>>
        tpu.enqueue_indirect_dma source(%dma_start3A_1383 : memref<100000x64xf32, #tpu.memory_space<hbm>>) target(%dma_start3A_1379 : memref<200x64xf32, #tpu.memory_space<vmem>>) offsets(%dma_start3A_1380 : memref<200xi32, #tpu.memory_space<vmem>>) semaphore(%arg17 : memref<!tpu.dma_semaphore, #tpu.memory_space<semaphore_mem>>)
        %add3A_1384 = arith.constant 200 : i32
        %add3A_1385 = arith.addi %mul3A_1376, %add3A_1384 : i32
        %dma_start3A_1386 = arith.constant 200 : i32
        %dma_start3A_1387 = arith.constant 0 : i32
        %dma_start3A_1388 = tpu.memref_slice %arg12[%dma_start3A_1386, %dma_start3A_1387] : memref<400x64xf32, #tpu.memory_space<vmem>> -> memref<200x64xf32, #tpu.memory_space<vmem>>
        %dma_start3A_1389 = tpu.memref_slice %arg9[%add3A_1385] : memref<12800xi32, #tpu.memory_space<vmem>> -> memref<200xi32, #tpu.memory_space<vmem>>
        %dma_start3A_1390 = arith.constant 0 : i32
        %dma_start3A_1391 = arith.constant 0 : i32
        %dma_start3A_1392 = tpu.memref_slice %arg3[%dma_start3A_1390, %dma_start3A_1391] : memref<100000x64xf32, #tpu.memory_space<hbm>> -> memref<100000x64xf32, #tpu.memory_space<hbm>>
        tpu.enqueue_indirect_dma source(%dma_start3A_1392 : memref<100000x64xf32, #tpu.memory_space<hbm>>) target(%dma_start3A_1388 : memref<200x64xf32, #tpu.memory_space<vmem>>) offsets(%dma_start3A_1389 : memref<200xi32, #tpu.memory_space<vmem>>) semaphore(%arg18 : memref<!tpu.dma_semaphore, #tpu.memory_space<semaphore_mem>>)
      } else {
      }
      %get3A_717 = arith.index_cast %add3A_712 : i32 to index
      %get3A_718 = arith.constant 0 : index
      %get3A_719 = tpu.vector_load %arg10[%get3A_717, %get3A_718] {strides = array<i32>} : memref<32x64xf32, #tpu.memory_space<vmem>>, vector<16xf32>,
      %get3A_720 = arith.index_cast %add3A_712 : i32 to index
      %get3A_721 = arith.constant 16 : index
      %get3A_722 = tpu.vector_load %arg10[%get3A_720, %get3A_721] {strides = array<i32>} : memref<32x64xf32, #tpu.memory_space<vmem>>, vector<16xf32>,
      %get3A_723 = arith.index_cast %add3A_712 : i32 to index
      %get3A_724 = arith.constant 32 : index
      %get3A_725 = tpu.vector_load %arg10[%get3A_723, %get3A_724] {strides = array<i32>} : memref<32x64xf32, #tpu.memory_space<vmem>>, vector<16xf32>,
      %get3A_726 = arith.index_cast %add3A_712 : i32 to index
      %get3A_727 = arith.constant 48 : index
      %get3A_728 = tpu.vector_load %arg10[%get3A_726, %get3A_727] {strides = array<i32>} : memref<32x64xf32, #tpu.memory_space<vmem>>, vector<16xf32>,
      %mul3A_729 = arith.constant 20 : i32
      %mul3A_730 = arith.muli %add3A_712, %mul3A_729 : i32
      %add3A_731 = arith.constant 0 : i32
      %add3A_732 = arith.addi %mul3A_730, %add3A_731 : i32
      %mul3A_733 = arith.constant 20 : i32
      %mul3A_734 = arith.muli %add3A_712, %mul3A_733 : i32
      %add3A_735 = arith.constant 0 : i32
      %add3A_736 = arith.addi %mul3A_734, %add3A_735 : i32
      %broadcast_in_dim3A_737 = arith.constant 0.000000e+00 : f32
      %broadcast_in_dim3A_738 = vector.broadcast %broadcast_in_dim3A_737 : f32 to vector<16xf32>
      %add3A_739 = arith.constant 0 : i32
      %add3A_740 = arith.addi %add3A_732, %add3A_739 : i32
      %get3A_741 = arith.index_cast %add3A_740 : i32 to index
      %get3A_742 = arith.constant 0 : index
      %get3A_743 = tpu.vector_load %arg11[%get3A_741, %get3A_742] {strides = array<i32>} : memref<640x64xf32, #tpu.memory_space<vmem>>, vector<16xf32>,
      %get3A_744 = arith.index_cast %add3A_740 : i32 to index
      %get3A_745 = arith.constant 16 : index
      %get3A_746 = tpu.vector_load %arg11[%get3A_744, %get3A_745] {strides = array<i32>} : memref<640x64xf32, #tpu.memory_space<vmem>>, vector<16xf32>,
      %get3A_747 = arith.index_cast %add3A_740 : i32 to index
      %get3A_748 = arith.constant 32 : index
      %get3A_749 = tpu.vector_load %arg11[%get3A_747, %get3A_748] {strides = array<i32>} : memref<640x64xf32, #tpu.memory_space<vmem>>, vector<16xf32>,
      %get3A_750 = arith.index_cast %add3A_740 : i32 to index
      %get3A_751 = arith.constant 48 : index
      %get3A_752 = tpu.vector_load %arg11[%get3A_750, %get3A_751] {strides = array<i32>} : memref<640x64xf32, #tpu.memory_space<vmem>>, vector<16xf32>,
      %mul3A_753 = arith.mulf %get3A_743, %get3A_719 : vector<16xf32>
      %mul3A_754 = arith.mulf %get3A_746, %get3A_722 : vector<16xf32>
      %add3A_755 = arith.addf %mul3A_753, %mul3A_754 : vector<16xf32>
      %mul3A_756 = arith.mulf %get3A_749, %get3A_725 : vector<16xf32>
      %add3A_757 = arith.addf %add3A_755, %mul3A_756 : vector<16xf32>
      %mul3A_758 = arith.mulf %get3A_752, %get3A_728 : vector<16xf32>
      %add3A_759 = arith.addf %add3A_757, %mul3A_758 : vector<16xf32>
      %eq3A_760 = arith.constant 0 : i32
      %eq3A_761 = vector.broadcast %eq3A_760 : i32 to vector<16xi32>
      %eq3A_762 = arith.cmpi eq, %iota3A, %eq3A_761 : vector<16xi32>
      %reduce_sum3A_763 = arith.constant true
      %reduce_sum3A_764 = vector.broadcast %reduce_sum3A_763 : i1 to vector<16xi1>
      %reduce_sum3A_765 = tpu.scan <sum>, %add3A_759 masked %reduce_sum3A_764 : vector<16xf32>, vector<16xi1> -> vector<16xf32>
      %reduce_sum3A_766 = vector.extract %reduce_sum3A_765[15] : f32 from vector<16xf32>
      %broadcast_in_dim3A_767 = vector.broadcast %reduce_sum3A_766 : f32 to vector<16xf32>
      %select_n3A_768 = arith.select %eq3A_762, %broadcast_in_dim3A_767, %broadcast_in_dim3A_738 : vector<16xi1>, vector<16xf32>
      %add3A_769 = arith.constant 1 : i32
      %add3A_770 = arith.addi %add3A_732, %add3A_769 : i32
      %get3A_771 = arith.index_cast %add3A_770 : i32 to index
      %get3A_772 = arith.constant 0 : index
      %get3A_773 = tpu.vector_load %arg11[%get3A_771, %get3A_772] {strides = array<i32>} : memref<640x64xf32, #tpu.memory_space<vmem>>, vector<16xf32>,
      %get3A_774 = arith.index_cast %add3A_770 : i32 to index
      %get3A_775 = arith.constant 16 : index
      %get3A_776 = tpu.vector_load %arg11[%get3A_774, %get3A_775] {strides = array<i32>} : memref<640x64xf32, #tpu.memory_space<vmem>>, vector<16xf32>,
      %get3A_777 = arith.index_cast %add3A_770 : i32 to index
      %get3A_778 = arith.constant 32 : index
      %get3A_779 = tpu.vector_load %arg11[%get3A_777, %get3A_778] {strides = array<i32>} : memref<640x64xf32, #tpu.memory_space<vmem>>, vector<16xf32>,
      %get3A_780 = arith.index_cast %add3A_770 : i32 to index
      %get3A_781 = arith.constant 48 : index
      %get3A_782 = tpu.vector_load %arg11[%get3A_780, %get3A_781] {strides = array<i32>} : memref<640x64xf32, #tpu.memory_space<vmem>>, vector<16xf32>,
      %mul3A_783 = arith.mulf %get3A_773, %get3A_719 : vector<16xf32>
      %mul3A_784 = arith.mulf %get3A_776, %get3A_722 : vector<16xf32>
      %add3A_785 = arith.addf %mul3A_783, %mul3A_784 : vector<16xf32>
      %mul3A_786 = arith.mulf %get3A_779, %get3A_725 : vector<16xf32>
      %add3A_787 = arith.addf %add3A_785, %mul3A_786 : vector<16xf32>
      %mul3A_788 = arith.mulf %get3A_782, %get3A_728 : vector<16xf32>
      %add3A_789 = arith.addf %add3A_787, %mul3A_788 : vector<16xf32>
      %eq3A_790 = arith.constant 1 : i32
      %eq3A_791 = vector.broadcast %eq3A_790 : i32 to vector<16xi32>
      %eq3A_792 = arith.cmpi eq, %iota3A, %eq3A_791 : vector<16xi32>
      %reduce_sum3A_793 = arith.constant true
      %reduce_sum3A_794 = vector.broadcast %reduce_sum3A_793 : i1 to vector<16xi1>
      %reduce_sum3A_795 = tpu.scan <sum>, %add3A_789 masked %reduce_sum3A_794 : vector<16xf32>, vector<16xi1> -> vector<16xf32>
      %reduce_sum3A_796 = vector.extract %reduce_sum3A_795[15] : f32 from vector<16xf32>
      %broadcast_in_dim3A_797 = vector.broadcast %reduce_sum3A_796 : f32 to vector<16xf32>
      %select_n3A_798 = arith.select %eq3A_792, %broadcast_in_dim3A_797, %select_n3A_768 : vector<16xi1>, vector<16xf32>
      %add3A_799 = arith.constant 2 : i32
      %add3A_800 = arith.addi %add3A_732, %add3A_799 : i32
      %get3A_801 = arith.index_cast %add3A_800 : i32 to index
      %get3A_802 = arith.constant 0 : index
      %get3A_803 = tpu.vector_load %arg11[%get3A_801, %get3A_802] {strides = array<i32>} : memref<640x64xf32, #tpu.memory_space<vmem>>, vector<16xf32>,
      %get3A_804 = arith.index_cast %add3A_800 : i32 to index
      %get3A_805 = arith.constant 16 : index
      %get3A_806 = tpu.vector_load %arg11[%get3A_804, %get3A_805] {strides = array<i32>} : memref<640x64xf32, #tpu.memory_space<vmem>>, vector<16xf32>,
      %get3A_807 = arith.index_cast %add3A_800 : i32 to index
      %get3A_808 = arith.constant 32 : index
      %get3A_809 = tpu.vector_load %arg11[%get3A_807, %get3A_808] {strides = array<i32>} : memref<640x64xf32, #tpu.memory_space<vmem>>, vector<16xf32>,
      %get3A_810 = arith.index_cast %add3A_800 : i32 to index
      %get3A_811 = arith.constant 48 : index
      %get3A_812 = tpu.vector_load %arg11[%get3A_810, %get3A_811] {strides = array<i32>} : memref<640x64xf32, #tpu.memory_space<vmem>>, vector<16xf32>,
      %mul3A_813 = arith.mulf %get3A_803, %get3A_719 : vector<16xf32>
      %mul3A_814 = arith.mulf %get3A_806, %get3A_722 : vector<16xf32>
      %add3A_815 = arith.addf %mul3A_813, %mul3A_814 : vector<16xf32>
      %mul3A_816 = arith.mulf %get3A_809, %get3A_725 : vector<16xf32>
      %add3A_817 = arith.addf %add3A_815, %mul3A_816 : vector<16xf32>
      %mul3A_818 = arith.mulf %get3A_812, %get3A_728 : vector<16xf32>
      %add3A_819 = arith.addf %add3A_817, %mul3A_818 : vector<16xf32>
      %eq3A_820 = arith.constant 2 : i32
      %eq3A_821 = vector.broadcast %eq3A_820 : i32 to vector<16xi32>
      %eq3A_822 = arith.cmpi eq, %iota3A, %eq3A_821 : vector<16xi32>
      %reduce_sum3A_823 = arith.constant true
      %reduce_sum3A_824 = vector.broadcast %reduce_sum3A_823 : i1 to vector<16xi1>
      %reduce_sum3A_825 = tpu.scan <sum>, %add3A_819 masked %reduce_sum3A_824 : vector<16xf32>, vector<16xi1> -> vector<16xf32>
      %reduce_sum3A_826 = vector.extract %reduce_sum3A_825[15] : f32 from vector<16xf32>
      %broadcast_in_dim3A_827 = vector.broadcast %reduce_sum3A_826 : f32 to vector<16xf32>
      %select_n3A_828 = arith.select %eq3A_822, %broadcast_in_dim3A_827, %select_n3A_798 : vector<16xi1>, vector<16xf32>
      %add3A_829 = arith.constant 3 : i32
      %add3A_830 = arith.addi %add3A_732, %add3A_829 : i32
      %get3A_831 = arith.index_cast %add3A_830 : i32 to index
      %get3A_832 = arith.constant 0 : index
      %get3A_833 = tpu.vector_load %arg11[%get3A_831, %get3A_832] {strides = array<i32>} : memref<640x64xf32, #tpu.memory_space<vmem>>, vector<16xf32>,
      %get3A_834 = arith.index_cast %add3A_830 : i32 to index
      %get3A_835 = arith.constant 16 : index
      %get3A_836 = tpu.vector_load %arg11[%get3A_834, %get3A_835] {strides = array<i32>} : memref<640x64xf32, #tpu.memory_space<vmem>>, vector<16xf32>,
      %get3A_837 = arith.index_cast %add3A_830 : i32 to index
      %get3A_838 = arith.constant 32 : index
      %get3A_839 = tpu.vector_load %arg11[%get3A_837, %get3A_838] {strides = array<i32>} : memref<640x64xf32, #tpu.memory_space<vmem>>, vector<16xf32>,
      %get3A_840 = arith.index_cast %add3A_830 : i32 to index
      %get3A_841 = arith.constant 48 : index
      %get3A_842 = tpu.vector_load %arg11[%get3A_840, %get3A_841] {strides = array<i32>} : memref<640x64xf32, #tpu.memory_space<vmem>>, vector<16xf32>,
      %mul3A_843 = arith.mulf %get3A_833, %get3A_719 : vector<16xf32>
      %mul3A_844 = arith.mulf %get3A_836, %get3A_722 : vector<16xf32>
      %add3A_845 = arith.addf %mul3A_843, %mul3A_844 : vector<16xf32>
      %mul3A_846 = arith.mulf %get3A_839, %get3A_725 : vector<16xf32>
      %add3A_847 = arith.addf %add3A_845, %mul3A_846 : vector<16xf32>
      %mul3A_848 = arith.mulf %get3A_842, %get3A_728 : vector<16xf32>
      %add3A_849 = arith.addf %add3A_847, %mul3A_848 : vector<16xf32>
      %eq3A_850 = arith.constant 3 : i32
      %eq3A_851 = vector.broadcast %eq3A_850 : i32 to vector<16xi32>
      %eq3A_852 = arith.cmpi eq, %iota3A, %eq3A_851 : vector<16xi32>
      %reduce_sum3A_853 = arith.constant true
      %reduce_sum3A_854 = vector.broadcast %reduce_sum3A_853 : i1 to vector<16xi1>
      %reduce_sum3A_855 = tpu.scan <sum>, %add3A_849 masked %reduce_sum3A_854 : vector<16xf32>, vector<16xi1> -> vector<16xf32>
      %reduce_sum3A_856 = vector.extract %reduce_sum3A_855[15] : f32 from vector<16xf32>
      %broadcast_in_dim3A_857 = vector.broadcast %reduce_sum3A_856 : f32 to vector<16xf32>
      %select_n3A_858 = arith.select %eq3A_852, %broadcast_in_dim3A_857, %select_n3A_828 : vector<16xi1>, vector<16xf32>
      %add3A_859 = arith.constant 4 : i32
      %add3A_860 = arith.addi %add3A_732, %add3A_859 : i32
      %get3A_861 = arith.index_cast %add3A_860 : i32 to index
      %get3A_862 = arith.constant 0 : index
      %get3A_863 = tpu.vector_load %arg11[%get3A_861, %get3A_862] {strides = array<i32>} : memref<640x64xf32, #tpu.memory_space<vmem>>, vector<16xf32>,
      %get3A_864 = arith.index_cast %add3A_860 : i32 to index
      %get3A_865 = arith.constant 16 : index
      %get3A_866 = tpu.vector_load %arg11[%get3A_864, %get3A_865] {strides = array<i32>} : memref<640x64xf32, #tpu.memory_space<vmem>>, vector<16xf32>,
      %get3A_867 = arith.index_cast %add3A_860 : i32 to index
      %get3A_868 = arith.constant 32 : index
      %get3A_869 = tpu.vector_load %arg11[%get3A_867, %get3A_868] {strides = array<i32>} : memref<640x64xf32, #tpu.memory_space<vmem>>, vector<16xf32>,
      %get3A_870 = arith.index_cast %add3A_860 : i32 to index
      %get3A_871 = arith.constant 48 : index
      %get3A_872 = tpu.vector_load %arg11[%get3A_870, %get3A_871] {strides = array<i32>} : memref<640x64xf32, #tpu.memory_space<vmem>>, vector<16xf32>,
      %mul3A_873 = arith.mulf %get3A_863, %get3A_719 : vector<16xf32>
      %mul3A_874 = arith.mulf %get3A_866, %get3A_722 : vector<16xf32>
      %add3A_875 = arith.addf %mul3A_873, %mul3A_874 : vector<16xf32>
      %mul3A_876 = arith.mulf %get3A_869, %get3A_725 : vector<16xf32>
      %add3A_877 = arith.addf %add3A_875, %mul3A_876 : vector<16xf32>
      %mul3A_878 = arith.mulf %get3A_872, %get3A_728 : vector<16xf32>
      %add3A_879 = arith.addf %add3A_877, %mul3A_878 : vector<16xf32>
      %eq3A_880 = arith.constant 4 : i32
      %eq3A_881 = vector.broadcast %eq3A_880 : i32 to vector<16xi32>
      %eq3A_882 = arith.cmpi eq, %iota3A, %eq3A_881 : vector<16xi32>
      %reduce_sum3A_883 = arith.constant true
      %reduce_sum3A_884 = vector.broadcast %reduce_sum3A_883 : i1 to vector<16xi1>
      %reduce_sum3A_885 = tpu.scan <sum>, %add3A_879 masked %reduce_sum3A_884 : vector<16xf32>, vector<16xi1> -> vector<16xf32>
      %reduce_sum3A_886 = vector.extract %reduce_sum3A_885[15] : f32 from vector<16xf32>
      %broadcast_in_dim3A_887 = vector.broadcast %reduce_sum3A_886 : f32 to vector<16xf32>
      %select_n3A_888 = arith.select %eq3A_882, %broadcast_in_dim3A_887, %select_n3A_858 : vector<16xi1>, vector<16xf32>
      %add3A_889 = arith.constant 5 : i32
      %add3A_890 = arith.addi %add3A_732, %add3A_889 : i32
      %get3A_891 = arith.index_cast %add3A_890 : i32 to index
      %get3A_892 = arith.constant 0 : index
      %get3A_893 = tpu.vector_load %arg11[%get3A_891, %get3A_892] {strides = array<i32>} : memref<640x64xf32, #tpu.memory_space<vmem>>, vector<16xf32>,
      %get3A_894 = arith.index_cast %add3A_890 : i32 to index
      %get3A_895 = arith.constant 16 : index
      %get3A_896 = tpu.vector_load %arg11[%get3A_894, %get3A_895] {strides = array<i32>} : memref<640x64xf32, #tpu.memory_space<vmem>>, vector<16xf32>,
      %get3A_897 = arith.index_cast %add3A_890 : i32 to index
      %get3A_898 = arith.constant 32 : index
      %get3A_899 = tpu.vector_load %arg11[%get3A_897, %get3A_898] {strides = array<i32>} : memref<640x64xf32, #tpu.memory_space<vmem>>, vector<16xf32>,
      %get3A_900 = arith.index_cast %add3A_890 : i32 to index
      %get3A_901 = arith.constant 48 : index
      %get3A_902 = tpu.vector_load %arg11[%get3A_900, %get3A_901] {strides = array<i32>} : memref<640x64xf32, #tpu.memory_space<vmem>>, vector<16xf32>,
      %mul3A_903 = arith.mulf %get3A_893, %get3A_719 : vector<16xf32>
      %mul3A_904 = arith.mulf %get3A_896, %get3A_722 : vector<16xf32>
      %add3A_905 = arith.addf %mul3A_903, %mul3A_904 : vector<16xf32>
      %mul3A_906 = arith.mulf %get3A_899, %get3A_725 : vector<16xf32>
      %add3A_907 = arith.addf %add3A_905, %mul3A_906 : vector<16xf32>
      %mul3A_908 = arith.mulf %get3A_902, %get3A_728 : vector<16xf32>
      %add3A_909 = arith.addf %add3A_907, %mul3A_908 : vector<16xf32>
      %eq3A_910 = arith.constant 5 : i32
      %eq3A_911 = vector.broadcast %eq3A_910 : i32 to vector<16xi32>
      %eq3A_912 = arith.cmpi eq, %iota3A, %eq3A_911 : vector<16xi32>
      %reduce_sum3A_913 = arith.constant true
      %reduce_sum3A_914 = vector.broadcast %reduce_sum3A_913 : i1 to vector<16xi1>
      %reduce_sum3A_915 = tpu.scan <sum>, %add3A_909 masked %reduce_sum3A_914 : vector<16xf32>, vector<16xi1> -> vector<16xf32>
      %reduce_sum3A_916 = vector.extract %reduce_sum3A_915[15] : f32 from vector<16xf32>
      %broadcast_in_dim3A_917 = vector.broadcast %reduce_sum3A_916 : f32 to vector<16xf32>
      %select_n3A_918 = arith.select %eq3A_912, %broadcast_in_dim3A_917, %select_n3A_888 : vector<16xi1>, vector<16xf32>
      %add3A_919 = arith.constant 6 : i32
      %add3A_920 = arith.addi %add3A_732, %add3A_919 : i32
      %get3A_921 = arith.index_cast %add3A_920 : i32 to index
      %get3A_922 = arith.constant 0 : index
      %get3A_923 = tpu.vector_load %arg11[%get3A_921, %get3A_922] {strides = array<i32>} : memref<640x64xf32, #tpu.memory_space<vmem>>, vector<16xf32>,
      %get3A_924 = arith.index_cast %add3A_920 : i32 to index
      %get3A_925 = arith.constant 16 : index
      %get3A_926 = tpu.vector_load %arg11[%get3A_924, %get3A_925] {strides = array<i32>} : memref<640x64xf32, #tpu.memory_space<vmem>>, vector<16xf32>,
      %get3A_927 = arith.index_cast %add3A_920 : i32 to index
      %get3A_928 = arith.constant 32 : index
      %get3A_929 = tpu.vector_load %arg11[%get3A_927, %get3A_928] {strides = array<i32>} : memref<640x64xf32, #tpu.memory_space<vmem>>, vector<16xf32>,
      %get3A_930 = arith.index_cast %add3A_920 : i32 to index
      %get3A_931 = arith.constant 48 : index
      %get3A_932 = tpu.vector_load %arg11[%get3A_930, %get3A_931] {strides = array<i32>} : memref<640x64xf32, #tpu.memory_space<vmem>>, vector<16xf32>,
      %mul3A_933 = arith.mulf %get3A_923, %get3A_719 : vector<16xf32>
      %mul3A_934 = arith.mulf %get3A_926, %get3A_722 : vector<16xf32>
      %add3A_935 = arith.addf %mul3A_933, %mul3A_934 : vector<16xf32>
      %mul3A_936 = arith.mulf %get3A_929, %get3A_725 : vector<16xf32>
      %add3A_937 = arith.addf %add3A_935, %mul3A_936 : vector<16xf32>
      %mul3A_938 = arith.mulf %get3A_932, %get3A_728 : vector<16xf32>
      %add3A_939 = arith.addf %add3A_937, %mul3A_938 : vector<16xf32>
      %eq3A_940 = arith.constant 6 : i32
      %eq3A_941 = vector.broadcast %eq3A_940 : i32 to vector<16xi32>
      %eq3A_942 = arith.cmpi eq, %iota3A, %eq3A_941 : vector<16xi32>
      %reduce_sum3A_943 = arith.constant true
      %reduce_sum3A_944 = vector.broadcast %reduce_sum3A_943 : i1 to vector<16xi1>
      %reduce_sum3A_945 = tpu.scan <sum>, %add3A_939 masked %reduce_sum3A_944 : vector<16xf32>, vector<16xi1> -> vector<16xf32>
      %reduce_sum3A_946 = vector.extract %reduce_sum3A_945[15] : f32 from vector<16xf32>
      %broadcast_in_dim3A_947 = vector.broadcast %reduce_sum3A_946 : f32 to vector<16xf32>
      %select_n3A_948 = arith.select %eq3A_942, %broadcast_in_dim3A_947, %select_n3A_918 : vector<16xi1>, vector<16xf32>
      %add3A_949 = arith.constant 7 : i32
      %add3A_950 = arith.addi %add3A_732, %add3A_949 : i32
      %get3A_951 = arith.index_cast %add3A_950 : i32 to index
      %get3A_952 = arith.constant 0 : index
      %get3A_953 = tpu.vector_load %arg11[%get3A_951, %get3A_952] {strides = array<i32>} : memref<640x64xf32, #tpu.memory_space<vmem>>, vector<16xf32>,
      %get3A_954 = arith.index_cast %add3A_950 : i32 to index
      %get3A_955 = arith.constant 16 : index
      %get3A_956 = tpu.vector_load %arg11[%get3A_954, %get3A_955] {strides = array<i32>} : memref<640x64xf32, #tpu.memory_space<vmem>>, vector<16xf32>,
      %get3A_957 = arith.index_cast %add3A_950 : i32 to index
      %get3A_958 = arith.constant 32 : index
      %get3A_959 = tpu.vector_load %arg11[%get3A_957, %get3A_958] {strides = array<i32>} : memref<640x64xf32, #tpu.memory_space<vmem>>, vector<16xf32>,
      %get3A_960 = arith.index_cast %add3A_950 : i32 to index
      %get3A_961 = arith.constant 48 : index
      %get3A_962 = tpu.vector_load %arg11[%get3A_960, %get3A_961] {strides = array<i32>} : memref<640x64xf32, #tpu.memory_space<vmem>>, vector<16xf32>,
      %mul3A_963 = arith.mulf %get3A_953, %get3A_719 : vector<16xf32>
      %mul3A_964 = arith.mulf %get3A_956, %get3A_722 : vector<16xf32>
      %add3A_965 = arith.addf %mul3A_963, %mul3A_964 : vector<16xf32>
      %mul3A_966 = arith.mulf %get3A_959, %get3A_725 : vector<16xf32>
      %add3A_967 = arith.addf %add3A_965, %mul3A_966 : vector<16xf32>
      %mul3A_968 = arith.mulf %get3A_962, %get3A_728 : vector<16xf32>
      %add3A_969 = arith.addf %add3A_967, %mul3A_968 : vector<16xf32>
      %eq3A_970 = arith.constant 7 : i32
      %eq3A_971 = vector.broadcast %eq3A_970 : i32 to vector<16xi32>
      %eq3A_972 = arith.cmpi eq, %iota3A, %eq3A_971 : vector<16xi32>
      %reduce_sum3A_973 = arith.constant true
      %reduce_sum3A_974 = vector.broadcast %reduce_sum3A_973 : i1 to vector<16xi1>
      %reduce_sum3A_975 = tpu.scan <sum>, %add3A_969 masked %reduce_sum3A_974 : vector<16xf32>, vector<16xi1> -> vector<16xf32>
      %reduce_sum3A_976 = vector.extract %reduce_sum3A_975[15] : f32 from vector<16xf32>
      %broadcast_in_dim3A_977 = vector.broadcast %reduce_sum3A_976 : f32 to vector<16xf32>
      %select_n3A_978 = arith.select %eq3A_972, %broadcast_in_dim3A_977, %select_n3A_948 : vector<16xi1>, vector<16xf32>
      %add3A_979 = arith.constant 8 : i32
      %add3A_980 = arith.addi %add3A_732, %add3A_979 : i32
      %get3A_981 = arith.index_cast %add3A_980 : i32 to index
      %get3A_982 = arith.constant 0 : index
      %get3A_983 = tpu.vector_load %arg11[%get3A_981, %get3A_982] {strides = array<i32>} : memref<640x64xf32, #tpu.memory_space<vmem>>, vector<16xf32>,
      %get3A_984 = arith.index_cast %add3A_980 : i32 to index
      %get3A_985 = arith.constant 16 : index
      %get3A_986 = tpu.vector_load %arg11[%get3A_984, %get3A_985] {strides = array<i32>} : memref<640x64xf32, #tpu.memory_space<vmem>>, vector<16xf32>,
      %get3A_987 = arith.index_cast %add3A_980 : i32 to index
      %get3A_988 = arith.constant 32 : index
      %get3A_989 = tpu.vector_load %arg11[%get3A_987, %get3A_988] {strides = array<i32>} : memref<640x64xf32, #tpu.memory_space<vmem>>, vector<16xf32>,
      %get3A_990 = arith.index_cast %add3A_980 : i32 to index
      %get3A_991 = arith.constant 48 : index
      %get3A_992 = tpu.vector_load %arg11[%get3A_990, %get3A_991] {strides = array<i32>} : memref<640x64xf32, #tpu.memory_space<vmem>>, vector<16xf32>,
      %mul3A_993 = arith.mulf %get3A_983, %get3A_719 : vector<16xf32>
      %mul3A_994 = arith.mulf %get3A_986, %get3A_722 : vector<16xf32>
      %add3A_995 = arith.addf %mul3A_993, %mul3A_994 : vector<16xf32>
      %mul3A_996 = arith.mulf %get3A_989, %get3A_725 : vector<16xf32>
      %add3A_997 = arith.addf %add3A_995, %mul3A_996 : vector<16xf32>
      %mul3A_998 = arith.mulf %get3A_992, %get3A_728 : vector<16xf32>
      %add3A_999 = arith.addf %add3A_997, %mul3A_998 : vector<16xf32>
      %eq3A_1000 = arith.constant 8 : i32
      %eq3A_1001 = vector.broadcast %eq3A_1000 : i32 to vector<16xi32>
      %eq3A_1002 = arith.cmpi eq, %iota3A, %eq3A_1001 : vector<16xi32>
      %reduce_sum3A_1003 = arith.constant true
      %reduce_sum3A_1004 = vector.broadcast %reduce_sum3A_1003 : i1 to vector<16xi1>
      %reduce_sum3A_1005 = tpu.scan <sum>, %add3A_999 masked %reduce_sum3A_1004 : vector<16xf32>, vector<16xi1> -> vector<16xf32>
      %reduce_sum3A_1006 = vector.extract %reduce_sum3A_1005[15] : f32 from vector<16xf32>
      %broadcast_in_dim3A_1007 = vector.broadcast %reduce_sum3A_1006 : f32 to vector<16xf32>
      %select_n3A_1008 = arith.select %eq3A_1002, %broadcast_in_dim3A_1007, %select_n3A_978 : vector<16xi1>, vector<16xf32>
      %add3A_1009 = arith.constant 9 : i32
      %add3A_1010 = arith.addi %add3A_732, %add3A_1009 : i32
      %get3A_1011 = arith.index_cast %add3A_1010 : i32 to index
      %get3A_1012 = arith.constant 0 : index
      %get3A_1013 = tpu.vector_load %arg11[%get3A_1011, %get3A_1012] {strides = array<i32>} : memref<640x64xf32, #tpu.memory_space<vmem>>, vector<16xf32>,
      %get3A_1014 = arith.index_cast %add3A_1010 : i32 to index
      %get3A_1015 = arith.constant 16 : index
      %get3A_1016 = tpu.vector_load %arg11[%get3A_1014, %get3A_1015] {strides = array<i32>} : memref<640x64xf32, #tpu.memory_space<vmem>>, vector<16xf32>,
      %get3A_1017 = arith.index_cast %add3A_1010 : i32 to index
      %get3A_1018 = arith.constant 32 : index
      %get3A_1019 = tpu.vector_load %arg11[%get3A_1017, %get3A_1018] {strides = array<i32>} : memref<640x64xf32, #tpu.memory_space<vmem>>, vector<16xf32>,
      %get3A_1020 = arith.index_cast %add3A_1010 : i32 to index
      %get3A_1021 = arith.constant 48 : index
      %get3A_1022 = tpu.vector_load %arg11[%get3A_1020, %get3A_1021] {strides = array<i32>} : memref<640x64xf32, #tpu.memory_space<vmem>>, vector<16xf32>,
      %mul3A_1023 = arith.mulf %get3A_1013, %get3A_719 : vector<16xf32>
      %mul3A_1024 = arith.mulf %get3A_1016, %get3A_722 : vector<16xf32>
      %add3A_1025 = arith.addf %mul3A_1023, %mul3A_1024 : vector<16xf32>
      %mul3A_1026 = arith.mulf %get3A_1019, %get3A_725 : vector<16xf32>
      %add3A_1027 = arith.addf %add3A_1025, %mul3A_1026 : vector<16xf32>
      %mul3A_1028 = arith.mulf %get3A_1022, %get3A_728 : vector<16xf32>
      %add3A_1029 = arith.addf %add3A_1027, %mul3A_1028 : vector<16xf32>
      %eq3A_1030 = arith.constant 9 : i32
      %eq3A_1031 = vector.broadcast %eq3A_1030 : i32 to vector<16xi32>
      %eq3A_1032 = arith.cmpi eq, %iota3A, %eq3A_1031 : vector<16xi32>
      %reduce_sum3A_1033 = arith.constant true
      %reduce_sum3A_1034 = vector.broadcast %reduce_sum3A_1033 : i1 to vector<16xi1>
      %reduce_sum3A_1035 = tpu.scan <sum>, %add3A_1029 masked %reduce_sum3A_1034 : vector<16xf32>, vector<16xi1> -> vector<16xf32>
      %reduce_sum3A_1036 = vector.extract %reduce_sum3A_1035[15] : f32 from vector<16xf32>
      %broadcast_in_dim3A_1037 = vector.broadcast %reduce_sum3A_1036 : f32 to vector<16xf32>
      %select_n3A_1038 = arith.select %eq3A_1032, %broadcast_in_dim3A_1037, %select_n3A_1008 : vector<16xi1>, vector<16xf32>
      %add3A_1039 = arith.constant 10 : i32
      %add3A_1040 = arith.addi %add3A_732, %add3A_1039 : i32
      %get3A_1041 = arith.index_cast %add3A_1040 : i32 to index
      %get3A_1042 = arith.constant 0 : index
      %get3A_1043 = tpu.vector_load %arg11[%get3A_1041, %get3A_1042] {strides = array<i32>} : memref<640x64xf32, #tpu.memory_space<vmem>>, vector<16xf32>,
      %get3A_1044 = arith.index_cast %add3A_1040 : i32 to index
      %get3A_1045 = arith.constant 16 : index
      %get3A_1046 = tpu.vector_load %arg11[%get3A_1044, %get3A_1045] {strides = array<i32>} : memref<640x64xf32, #tpu.memory_space<vmem>>, vector<16xf32>,
      %get3A_1047 = arith.index_cast %add3A_1040 : i32 to index
      %get3A_1048 = arith.constant 32 : index
      %get3A_1049 = tpu.vector_load %arg11[%get3A_1047, %get3A_1048] {strides = array<i32>} : memref<640x64xf32, #tpu.memory_space<vmem>>, vector<16xf32>,
      %get3A_1050 = arith.index_cast %add3A_1040 : i32 to index
      %get3A_1051 = arith.constant 48 : index
      %get3A_1052 = tpu.vector_load %arg11[%get3A_1050, %get3A_1051] {strides = array<i32>} : memref<640x64xf32, #tpu.memory_space<vmem>>, vector<16xf32>,
      %mul3A_1053 = arith.mulf %get3A_1043, %get3A_719 : vector<16xf32>
      %mul3A_1054 = arith.mulf %get3A_1046, %get3A_722 : vector<16xf32>
      %add3A_1055 = arith.addf %mul3A_1053, %mul3A_1054 : vector<16xf32>
      %mul3A_1056 = arith.mulf %get3A_1049, %get3A_725 : vector<16xf32>
      %add3A_1057 = arith.addf %add3A_1055, %mul3A_1056 : vector<16xf32>
      %mul3A_1058 = arith.mulf %get3A_1052, %get3A_728 : vector<16xf32>
      %add3A_1059 = arith.addf %add3A_1057, %mul3A_1058 : vector<16xf32>
      %eq3A_1060 = arith.constant 10 : i32
      %eq3A_1061 = vector.broadcast %eq3A_1060 : i32 to vector<16xi32>
      %eq3A_1062 = arith.cmpi eq, %iota3A, %eq3A_1061 : vector<16xi32>
      %reduce_sum3A_1063 = arith.constant true
      %reduce_sum3A_1064 = vector.broadcast %reduce_sum3A_1063 : i1 to vector<16xi1>
      %reduce_sum3A_1065 = tpu.scan <sum>, %add3A_1059 masked %reduce_sum3A_1064 : vector<16xf32>, vector<16xi1> -> vector<16xf32>
      %reduce_sum3A_1066 = vector.extract %reduce_sum3A_1065[15] : f32 from vector<16xf32>
      %broadcast_in_dim3A_1067 = vector.broadcast %reduce_sum3A_1066 : f32 to vector<16xf32>
      %select_n3A_1068 = arith.select %eq3A_1062, %broadcast_in_dim3A_1067, %select_n3A_1038 : vector<16xi1>, vector<16xf32>
      %add3A_1069 = arith.constant 11 : i32
      %add3A_1070 = arith.addi %add3A_732, %add3A_1069 : i32
      %get3A_1071 = arith.index_cast %add3A_1070 : i32 to index
      %get3A_1072 = arith.constant 0 : index
      %get3A_1073 = tpu.vector_load %arg11[%get3A_1071, %get3A_1072] {strides = array<i32>} : memref<640x64xf32, #tpu.memory_space<vmem>>, vector<16xf32>,
      %get3A_1074 = arith.index_cast %add3A_1070 : i32 to index
      %get3A_1075 = arith.constant 16 : index
      %get3A_1076 = tpu.vector_load %arg11[%get3A_1074, %get3A_1075] {strides = array<i32>} : memref<640x64xf32, #tpu.memory_space<vmem>>, vector<16xf32>,
      %get3A_1077 = arith.index_cast %add3A_1070 : i32 to index
      %get3A_1078 = arith.constant 32 : index
      %get3A_1079 = tpu.vector_load %arg11[%get3A_1077, %get3A_1078] {strides = array<i32>} : memref<640x64xf32, #tpu.memory_space<vmem>>, vector<16xf32>,
      %get3A_1080 = arith.index_cast %add3A_1070 : i32 to index
      %get3A_1081 = arith.constant 48 : index
      %get3A_1082 = tpu.vector_load %arg11[%get3A_1080, %get3A_1081] {strides = array<i32>} : memref<640x64xf32, #tpu.memory_space<vmem>>, vector<16xf32>,
      %mul3A_1083 = arith.mulf %get3A_1073, %get3A_719 : vector<16xf32>
      %mul3A_1084 = arith.mulf %get3A_1076, %get3A_722 : vector<16xf32>
      %add3A_1085 = arith.addf %mul3A_1083, %mul3A_1084 : vector<16xf32>
      %mul3A_1086 = arith.mulf %get3A_1079, %get3A_725 : vector<16xf32>
      %add3A_1087 = arith.addf %add3A_1085, %mul3A_1086 : vector<16xf32>
      %mul3A_1088 = arith.mulf %get3A_1082, %get3A_728 : vector<16xf32>
      %add3A_1089 = arith.addf %add3A_1087, %mul3A_1088 : vector<16xf32>
      %eq3A_1090 = arith.constant 11 : i32
      %eq3A_1091 = vector.broadcast %eq3A_1090 : i32 to vector<16xi32>
      %eq3A_1092 = arith.cmpi eq, %iota3A, %eq3A_1091 : vector<16xi32>
      %reduce_sum3A_1093 = arith.constant true
      %reduce_sum3A_1094 = vector.broadcast %reduce_sum3A_1093 : i1 to vector<16xi1>
      %reduce_sum3A_1095 = tpu.scan <sum>, %add3A_1089 masked %reduce_sum3A_1094 : vector<16xf32>, vector<16xi1> -> vector<16xf32>
      %reduce_sum3A_1096 = vector.extract %reduce_sum3A_1095[15] : f32 from vector<16xf32>
      %broadcast_in_dim3A_1097 = vector.broadcast %reduce_sum3A_1096 : f32 to vector<16xf32>
      %select_n3A_1098 = arith.select %eq3A_1092, %broadcast_in_dim3A_1097, %select_n3A_1068 : vector<16xi1>, vector<16xf32>
      %add3A_1099 = arith.constant 12 : i32
      %add3A_1100 = arith.addi %add3A_732, %add3A_1099 : i32
      %get3A_1101 = arith.index_cast %add3A_1100 : i32 to index
      %get3A_1102 = arith.constant 0 : index
      %get3A_1103 = tpu.vector_load %arg11[%get3A_1101, %get3A_1102] {strides = array<i32>} : memref<640x64xf32, #tpu.memory_space<vmem>>, vector<16xf32>,
      %get3A_1104 = arith.index_cast %add3A_1100 : i32 to index
      %get3A_1105 = arith.constant 16 : index
      %get3A_1106 = tpu.vector_load %arg11[%get3A_1104, %get3A_1105] {strides = array<i32>} : memref<640x64xf32, #tpu.memory_space<vmem>>, vector<16xf32>,
      %get3A_1107 = arith.index_cast %add3A_1100 : i32 to index
      %get3A_1108 = arith.constant 32 : index
      %get3A_1109 = tpu.vector_load %arg11[%get3A_1107, %get3A_1108] {strides = array<i32>} : memref<640x64xf32, #tpu.memory_space<vmem>>, vector<16xf32>,
      %get3A_1110 = arith.index_cast %add3A_1100 : i32 to index
      %get3A_1111 = arith.constant 48 : index
      %get3A_1112 = tpu.vector_load %arg11[%get3A_1110, %get3A_1111] {strides = array<i32>} : memref<640x64xf32, #tpu.memory_space<vmem>>, vector<16xf32>,
      %mul3A_1113 = arith.mulf %get3A_1103, %get3A_719 : vector<16xf32>
      %mul3A_1114 = arith.mulf %get3A_1106, %get3A_722 : vector<16xf32>
      %add3A_1115 = arith.addf %mul3A_1113, %mul3A_1114 : vector<16xf32>
      %mul3A_1116 = arith.mulf %get3A_1109, %get3A_725 : vector<16xf32>
      %add3A_1117 = arith.addf %add3A_1115, %mul3A_1116 : vector<16xf32>
      %mul3A_1118 = arith.mulf %get3A_1112, %get3A_728 : vector<16xf32>
      %add3A_1119 = arith.addf %add3A_1117, %mul3A_1118 : vector<16xf32>
      %eq3A_1120 = arith.constant 12 : i32
      %eq3A_1121 = vector.broadcast %eq3A_1120 : i32 to vector<16xi32>
      %eq3A_1122 = arith.cmpi eq, %iota3A, %eq3A_1121 : vector<16xi32>
      %reduce_sum3A_1123 = arith.constant true
      %reduce_sum3A_1124 = vector.broadcast %reduce_sum3A_1123 : i1 to vector<16xi1>
      %reduce_sum3A_1125 = tpu.scan <sum>, %add3A_1119 masked %reduce_sum3A_1124 : vector<16xf32>, vector<16xi1> -> vector<16xf32>
      %reduce_sum3A_1126 = vector.extract %reduce_sum3A_1125[15] : f32 from vector<16xf32>
      %broadcast_in_dim3A_1127 = vector.broadcast %reduce_sum3A_1126 : f32 to vector<16xf32>
      %select_n3A_1128 = arith.select %eq3A_1122, %broadcast_in_dim3A_1127, %select_n3A_1098 : vector<16xi1>, vector<16xf32>
      %add3A_1129 = arith.constant 13 : i32
      %add3A_1130 = arith.addi %add3A_732, %add3A_1129 : i32
      %get3A_1131 = arith.index_cast %add3A_1130 : i32 to index
      %get3A_1132 = arith.constant 0 : index
      %get3A_1133 = tpu.vector_load %arg11[%get3A_1131, %get3A_1132] {strides = array<i32>} : memref<640x64xf32, #tpu.memory_space<vmem>>, vector<16xf32>,
      %get3A_1134 = arith.index_cast %add3A_1130 : i32 to index
      %get3A_1135 = arith.constant 16 : index
      %get3A_1136 = tpu.vector_load %arg11[%get3A_1134, %get3A_1135] {strides = array<i32>} : memref<640x64xf32, #tpu.memory_space<vmem>>, vector<16xf32>,
      %get3A_1137 = arith.index_cast %add3A_1130 : i32 to index
      %get3A_1138 = arith.constant 32 : index
      %get3A_1139 = tpu.vector_load %arg11[%get3A_1137, %get3A_1138] {strides = array<i32>} : memref<640x64xf32, #tpu.memory_space<vmem>>, vector<16xf32>,
      %get3A_1140 = arith.index_cast %add3A_1130 : i32 to index
      %get3A_1141 = arith.constant 48 : index
      %get3A_1142 = tpu.vector_load %arg11[%get3A_1140, %get3A_1141] {strides = array<i32>} : memref<640x64xf32, #tpu.memory_space<vmem>>, vector<16xf32>,
      %mul3A_1143 = arith.mulf %get3A_1133, %get3A_719 : vector<16xf32>
      %mul3A_1144 = arith.mulf %get3A_1136, %get3A_722 : vector<16xf32>
      %add3A_1145 = arith.addf %mul3A_1143, %mul3A_1144 : vector<16xf32>
      %mul3A_1146 = arith.mulf %get3A_1139, %get3A_725 : vector<16xf32>
      %add3A_1147 = arith.addf %add3A_1145, %mul3A_1146 : vector<16xf32>
      %mul3A_1148 = arith.mulf %get3A_1142, %get3A_728 : vector<16xf32>
      %add3A_1149 = arith.addf %add3A_1147, %mul3A_1148 : vector<16xf32>
      %eq3A_1150 = arith.constant 13 : i32
      %eq3A_1151 = vector.broadcast %eq3A_1150 : i32 to vector<16xi32>
      %eq3A_1152 = arith.cmpi eq, %iota3A, %eq3A_1151 : vector<16xi32>
      %reduce_sum3A_1153 = arith.constant true
      %reduce_sum3A_1154 = vector.broadcast %reduce_sum3A_1153 : i1 to vector<16xi1>
      %reduce_sum3A_1155 = tpu.scan <sum>, %add3A_1149 masked %reduce_sum3A_1154 : vector<16xf32>, vector<16xi1> -> vector<16xf32>
      %reduce_sum3A_1156 = vector.extract %reduce_sum3A_1155[15] : f32 from vector<16xf32>
      %broadcast_in_dim3A_1157 = vector.broadcast %reduce_sum3A_1156 : f32 to vector<16xf32>
      %select_n3A_1158 = arith.select %eq3A_1152, %broadcast_in_dim3A_1157, %select_n3A_1128 : vector<16xi1>, vector<16xf32>
      %add3A_1159 = arith.constant 14 : i32
      %add3A_1160 = arith.addi %add3A_732, %add3A_1159 : i32
      %get3A_1161 = arith.index_cast %add3A_1160 : i32 to index
      %get3A_1162 = arith.constant 0 : index
      %get3A_1163 = tpu.vector_load %arg11[%get3A_1161, %get3A_1162] {strides = array<i32>} : memref<640x64xf32, #tpu.memory_space<vmem>>, vector<16xf32>,
      %get3A_1164 = arith.index_cast %add3A_1160 : i32 to index
      %get3A_1165 = arith.constant 16 : index
      %get3A_1166 = tpu.vector_load %arg11[%get3A_1164, %get3A_1165] {strides = array<i32>} : memref<640x64xf32, #tpu.memory_space<vmem>>, vector<16xf32>,
      %get3A_1167 = arith.index_cast %add3A_1160 : i32 to index
      %get3A_1168 = arith.constant 32 : index
      %get3A_1169 = tpu.vector_load %arg11[%get3A_1167, %get3A_1168] {strides = array<i32>} : memref<640x64xf32, #tpu.memory_space<vmem>>, vector<16xf32>,
      %get3A_1170 = arith.index_cast %add3A_1160 : i32 to index
      %get3A_1171 = arith.constant 48 : index
      %get3A_1172 = tpu.vector_load %arg11[%get3A_1170, %get3A_1171] {strides = array<i32>} : memref<640x64xf32, #tpu.memory_space<vmem>>, vector<16xf32>,
      %mul3A_1173 = arith.mulf %get3A_1163, %get3A_719 : vector<16xf32>
      %mul3A_1174 = arith.mulf %get3A_1166, %get3A_722 : vector<16xf32>
      %add3A_1175 = arith.addf %mul3A_1173, %mul3A_1174 : vector<16xf32>
      %mul3A_1176 = arith.mulf %get3A_1169, %get3A_725 : vector<16xf32>
      %add3A_1177 = arith.addf %add3A_1175, %mul3A_1176 : vector<16xf32>
      %mul3A_1178 = arith.mulf %get3A_1172, %get3A_728 : vector<16xf32>
      %add3A_1179 = arith.addf %add3A_1177, %mul3A_1178 : vector<16xf32>
      %eq3A_1180 = arith.constant 14 : i32
      %eq3A_1181 = vector.broadcast %eq3A_1180 : i32 to vector<16xi32>
      %eq3A_1182 = arith.cmpi eq, %iota3A, %eq3A_1181 : vector<16xi32>
      %reduce_sum3A_1183 = arith.constant true
      %reduce_sum3A_1184 = vector.broadcast %reduce_sum3A_1183 : i1 to vector<16xi1>
      %reduce_sum3A_1185 = tpu.scan <sum>, %add3A_1179 masked %reduce_sum3A_1184 : vector<16xf32>, vector<16xi1> -> vector<16xf32>
      %reduce_sum3A_1186 = vector.extract %reduce_sum3A_1185[15] : f32 from vector<16xf32>
      %broadcast_in_dim3A_1187 = vector.broadcast %reduce_sum3A_1186 : f32 to vector<16xf32>
      %select_n3A_1188 = arith.select %eq3A_1182, %broadcast_in_dim3A_1187, %select_n3A_1158 : vector<16xi1>, vector<16xf32>
      %add3A_1189 = arith.constant 15 : i32
      %add3A_1190 = arith.addi %add3A_732, %add3A_1189 : i32
      %get3A_1191 = arith.index_cast %add3A_1190 : i32 to index
      %get3A_1192 = arith.constant 0 : index
      %get3A_1193 = tpu.vector_load %arg11[%get3A_1191, %get3A_1192] {strides = array<i32>} : memref<640x64xf32, #tpu.memory_space<vmem>>, vector<16xf32>,
      %get3A_1194 = arith.index_cast %add3A_1190 : i32 to index
      %get3A_1195 = arith.constant 16 : index
      %get3A_1196 = tpu.vector_load %arg11[%get3A_1194, %get3A_1195] {strides = array<i32>} : memref<640x64xf32, #tpu.memory_space<vmem>>, vector<16xf32>,
      %get3A_1197 = arith.index_cast %add3A_1190 : i32 to index
      %get3A_1198 = arith.constant 32 : index
      %get3A_1199 = tpu.vector_load %arg11[%get3A_1197, %get3A_1198] {strides = array<i32>} : memref<640x64xf32, #tpu.memory_space<vmem>>, vector<16xf32>,
      %get3A_1200 = arith.index_cast %add3A_1190 : i32 to index
      %get3A_1201 = arith.constant 48 : index
      %get3A_1202 = tpu.vector_load %arg11[%get3A_1200, %get3A_1201] {strides = array<i32>} : memref<640x64xf32, #tpu.memory_space<vmem>>, vector<16xf32>,
      %mul3A_1203 = arith.mulf %get3A_1193, %get3A_719 : vector<16xf32>
      %mul3A_1204 = arith.mulf %get3A_1196, %get3A_722 : vector<16xf32>
      %add3A_1205 = arith.addf %mul3A_1203, %mul3A_1204 : vector<16xf32>
      %mul3A_1206 = arith.mulf %get3A_1199, %get3A_725 : vector<16xf32>
      %add3A_1207 = arith.addf %add3A_1205, %mul3A_1206 : vector<16xf32>
      %mul3A_1208 = arith.mulf %get3A_1202, %get3A_728 : vector<16xf32>
      %add3A_1209 = arith.addf %add3A_1207, %mul3A_1208 : vector<16xf32>
      %eq3A_1210 = arith.constant 15 : i32
      %eq3A_1211 = vector.broadcast %eq3A_1210 : i32 to vector<16xi32>
      %eq3A_1212 = arith.cmpi eq, %iota3A, %eq3A_1211 : vector<16xi32>
      %reduce_sum3A_1213 = arith.constant true
      %reduce_sum3A_1214 = vector.broadcast %reduce_sum3A_1213 : i1 to vector<16xi1>
      %reduce_sum3A_1215 = tpu.scan <sum>, %add3A_1209 masked %reduce_sum3A_1214 : vector<16xf32>, vector<16xi1> -> vector<16xf32>
      %reduce_sum3A_1216 = vector.extract %reduce_sum3A_1215[15] : f32 from vector<16xf32>
      %broadcast_in_dim3A_1217 = vector.broadcast %reduce_sum3A_1216 : f32 to vector<16xf32>
      %select_n3A_1218 = arith.select %eq3A_1212, %broadcast_in_dim3A_1217, %select_n3A_1188 : vector<16xi1>, vector<16xf32>
      %swap3A_1219 = arith.index_cast %add3A_736 : i32 to index
      %swap3A_1220 = tpu.vector_load %arg14[%swap3A_1219] {strides = array<i32>} : memref<656xf32, #tpu.memory_space<vmem>>, vector<16xf32>,
      tpu.vector_store %arg14[%swap3A_1219], %select_n3A_1218 {strides = array<i32>} : memref<656xf32, #tpu.memory_space<vmem>>, vector<16xf32>,
      %mul3A_1221 = arith.constant 20 : i32
      %mul3A_1222 = arith.muli %add3A_712, %mul3A_1221 : i32
      %add3A_1223 = arith.constant 16 : i32
      %add3A_1224 = arith.addi %mul3A_1222, %add3A_1223 : i32
      %mul3A_1225 = arith.constant 20 : i32
      %mul3A_1226 = arith.muli %add3A_712, %mul3A_1225 : i32
      %add3A_1227 = arith.constant 16 : i32
      %add3A_1228 = arith.addi %mul3A_1226, %add3A_1227 : i32
      %broadcast_in_dim3A_1229 = arith.constant 0.000000e+00 : f32
      %broadcast_in_dim3A_1230 = vector.broadcast %broadcast_in_dim3A_1229 : f32 to vector<16xf32>
      %add3A_1231 = arith.constant 0 : i32
      %add3A_1232 = arith.addi %add3A_1224, %add3A_1231 : i32
      %get3A_1233 = arith.index_cast %add3A_1232 : i32 to index
      %get3A_1234 = arith.constant 0 : index
      %get3A_1235 = tpu.vector_load %arg11[%get3A_1233, %get3A_1234] {strides = array<i32>} : memref<640x64xf32, #tpu.memory_space<vmem>>, vector<16xf32>,
      %get3A_1236 = arith.index_cast %add3A_1232 : i32 to index
      %get3A_1237 = arith.constant 16 : index
      %get3A_1238 = tpu.vector_load %arg11[%get3A_1236, %get3A_1237] {strides = array<i32>} : memref<640x64xf32, #tpu.memory_space<vmem>>, vector<16xf32>,
      %get3A_1239 = arith.index_cast %add3A_1232 : i32 to index
      %get3A_1240 = arith.constant 32 : index
      %get3A_1241 = tpu.vector_load %arg11[%get3A_1239, %get3A_1240] {strides = array<i32>} : memref<640x64xf32, #tpu.memory_space<vmem>>, vector<16xf32>,
      %get3A_1242 = arith.index_cast %add3A_1232 : i32 to index
      %get3A_1243 = arith.constant 48 : index
      %get3A_1244 = tpu.vector_load %arg11[%get3A_1242, %get3A_1243] {strides = array<i32>} : memref<640x64xf32, #tpu.memory_space<vmem>>, vector<16xf32>,
      %mul3A_1245 = arith.mulf %get3A_1235, %get3A_719 : vector<16xf32>
      %mul3A_1246 = arith.mulf %get3A_1238, %get3A_722 : vector<16xf32>
      %add3A_1247 = arith.addf %mul3A_1245, %mul3A_1246 : vector<16xf32>
      %mul3A_1248 = arith.mulf %get3A_1241, %get3A_725 : vector<16xf32>
      %add3A_1249 = arith.addf %add3A_1247, %mul3A_1248 : vector<16xf32>
      %mul3A_1250 = arith.mulf %get3A_1244, %get3A_728 : vector<16xf32>
      %add3A_1251 = arith.addf %add3A_1249, %mul3A_1250 : vector<16xf32>
      %eq3A_1252 = arith.constant 0 : i32
      %eq3A_1253 = vector.broadcast %eq3A_1252 : i32 to vector<16xi32>
      %eq3A_1254 = arith.cmpi eq, %iota3A, %eq3A_1253 : vector<16xi32>
      %reduce_sum3A_1255 = arith.constant true
      %reduce_sum3A_1256 = vector.broadcast %reduce_sum3A_1255 : i1 to vector<16xi1>
      %reduce_sum3A_1257 = tpu.scan <sum>, %add3A_1251 masked %reduce_sum3A_1256 : vector<16xf32>, vector<16xi1> -> vector<16xf32>
      %reduce_sum3A_1258 = vector.extract %reduce_sum3A_1257[15] : f32 from vector<16xf32>
      %broadcast_in_dim3A_1259 = vector.broadcast %reduce_sum3A_1258 : f32 to vector<16xf32>
      %select_n3A_1260 = arith.select %eq3A_1254, %broadcast_in_dim3A_1259, %broadcast_in_dim3A_1230 : vector<16xi1>, vector<16xf32>
      %add3A_1261 = arith.constant 1 : i32
      %add3A_1262 = arith.addi %add3A_1224, %add3A_1261 : i32
      %get3A_1263 = arith.index_cast %add3A_1262 : i32 to index
      %get3A_1264 = arith.constant 0 : index
      %get3A_1265 = tpu.vector_load %arg11[%get3A_1263, %get3A_1264] {strides = array<i32>} : memref<640x64xf32, #tpu.memory_space<vmem>>, vector<16xf32>,
      %get3A_1266 = arith.index_cast %add3A_1262 : i32 to index
      %get3A_1267 = arith.constant 16 : index
      %get3A_1268 = tpu.vector_load %arg11[%get3A_1266, %get3A_1267] {strides = array<i32>} : memref<640x64xf32, #tpu.memory_space<vmem>>, vector<16xf32>,
      %get3A_1269 = arith.index_cast %add3A_1262 : i32 to index
      %get3A_1270 = arith.constant 32 : index
      %get3A_1271 = tpu.vector_load %arg11[%get3A_1269, %get3A_1270] {strides = array<i32>} : memref<640x64xf32, #tpu.memory_space<vmem>>, vector<16xf32>,
      %get3A_1272 = arith.index_cast %add3A_1262 : i32 to index
      %get3A_1273 = arith.constant 48 : index
      %get3A_1274 = tpu.vector_load %arg11[%get3A_1272, %get3A_1273] {strides = array<i32>} : memref<640x64xf32, #tpu.memory_space<vmem>>, vector<16xf32>,
      %mul3A_1275 = arith.mulf %get3A_1265, %get3A_719 : vector<16xf32>
      %mul3A_1276 = arith.mulf %get3A_1268, %get3A_722 : vector<16xf32>
      %add3A_1277 = arith.addf %mul3A_1275, %mul3A_1276 : vector<16xf32>
      %mul3A_1278 = arith.mulf %get3A_1271, %get3A_725 : vector<16xf32>
      %add3A_1279 = arith.addf %add3A_1277, %mul3A_1278 : vector<16xf32>
      %mul3A_1280 = arith.mulf %get3A_1274, %get3A_728 : vector<16xf32>
      %add3A_1281 = arith.addf %add3A_1279, %mul3A_1280 : vector<16xf32>
      %eq3A_1282 = arith.constant 1 : i32
      %eq3A_1283 = vector.broadcast %eq3A_1282 : i32 to vector<16xi32>
      %eq3A_1284 = arith.cmpi eq, %iota3A, %eq3A_1283 : vector<16xi32>
      %reduce_sum3A_1285 = arith.constant true
      %reduce_sum3A_1286 = vector.broadcast %reduce_sum3A_1285 : i1 to vector<16xi1>
      %reduce_sum3A_1287 = tpu.scan <sum>, %add3A_1281 masked %reduce_sum3A_1286 : vector<16xf32>, vector<16xi1> -> vector<16xf32>
      %reduce_sum3A_1288 = vector.extract %reduce_sum3A_1287[15] : f32 from vector<16xf32>
      %broadcast_in_dim3A_1289 = vector.broadcast %reduce_sum3A_1288 : f32 to vector<16xf32>
      %select_n3A_1290 = arith.select %eq3A_1284, %broadcast_in_dim3A_1289, %select_n3A_1260 : vector<16xi1>, vector<16xf32>
      %add3A_1291 = arith.constant 2 : i32
      %add3A_1292 = arith.addi %add3A_1224, %add3A_1291 : i32
      %get3A_1293 = arith.index_cast %add3A_1292 : i32 to index
      %get3A_1294 = arith.constant 0 : index
      %get3A_1295 = tpu.vector_load %arg11[%get3A_1293, %get3A_1294] {strides = array<i32>} : memref<640x64xf32, #tpu.memory_space<vmem>>, vector<16xf32>,
      %get3A_1296 = arith.index_cast %add3A_1292 : i32 to index
      %get3A_1297 = arith.constant 16 : index
      %get3A_1298 = tpu.vector_load %arg11[%get3A_1296, %get3A_1297] {strides = array<i32>} : memref<640x64xf32, #tpu.memory_space<vmem>>, vector<16xf32>,
      %get3A_1299 = arith.index_cast %add3A_1292 : i32 to index
      %get3A_1300 = arith.constant 32 : index
      %get3A_1301 = tpu.vector_load %arg11[%get3A_1299, %get3A_1300] {strides = array<i32>} : memref<640x64xf32, #tpu.memory_space<vmem>>, vector<16xf32>,
      %get3A_1302 = arith.index_cast %add3A_1292 : i32 to index
      %get3A_1303 = arith.constant 48 : index
      %get3A_1304 = tpu.vector_load %arg11[%get3A_1302, %get3A_1303] {strides = array<i32>} : memref<640x64xf32, #tpu.memory_space<vmem>>, vector<16xf32>,
      %mul3A_1305 = arith.mulf %get3A_1295, %get3A_719 : vector<16xf32>
      %mul3A_1306 = arith.mulf %get3A_1298, %get3A_722 : vector<16xf32>
      %add3A_1307 = arith.addf %mul3A_1305, %mul3A_1306 : vector<16xf32>
      %mul3A_1308 = arith.mulf %get3A_1301, %get3A_725 : vector<16xf32>
      %add3A_1309 = arith.addf %add3A_1307, %mul3A_1308 : vector<16xf32>
      %mul3A_1310 = arith.mulf %get3A_1304, %get3A_728 : vector<16xf32>
      %add3A_1311 = arith.addf %add3A_1309, %mul3A_1310 : vector<16xf32>
      %eq3A_1312 = arith.constant 2 : i32
      %eq3A_1313 = vector.broadcast %eq3A_1312 : i32 to vector<16xi32>
      %eq3A_1314 = arith.cmpi eq, %iota3A, %eq3A_1313 : vector<16xi32>
      %reduce_sum3A_1315 = arith.constant true
      %reduce_sum3A_1316 = vector.broadcast %reduce_sum3A_1315 : i1 to vector<16xi1>
      %reduce_sum3A_1317 = tpu.scan <sum>, %add3A_1311 masked %reduce_sum3A_1316 : vector<16xf32>, vector<16xi1> -> vector<16xf32>
      %reduce_sum3A_1318 = vector.extract %reduce_sum3A_1317[15] : f32 from vector<16xf32>
      %broadcast_in_dim3A_1319 = vector.broadcast %reduce_sum3A_1318 : f32 to vector<16xf32>
      %select_n3A_1320 = arith.select %eq3A_1314, %broadcast_in_dim3A_1319, %select_n3A_1290 : vector<16xi1>, vector<16xf32>
      %add3A_1321 = arith.constant 3 : i32
      %add3A_1322 = arith.addi %add3A_1224, %add3A_1321 : i32
      %get3A_1323 = arith.index_cast %add3A_1322 : i32 to index
      %get3A_1324 = arith.constant 0 : index
      %get3A_1325 = tpu.vector_load %arg11[%get3A_1323, %get3A_1324] {strides = array<i32>} : memref<640x64xf32, #tpu.memory_space<vmem>>, vector<16xf32>,
      %get3A_1326 = arith.index_cast %add3A_1322 : i32 to index
      %get3A_1327 = arith.constant 16 : index
      %get3A_1328 = tpu.vector_load %arg11[%get3A_1326, %get3A_1327] {strides = array<i32>} : memref<640x64xf32, #tpu.memory_space<vmem>>, vector<16xf32>,
      %get3A_1329 = arith.index_cast %add3A_1322 : i32 to index
      %get3A_1330 = arith.constant 32 : index
      %get3A_1331 = tpu.vector_load %arg11[%get3A_1329, %get3A_1330] {strides = array<i32>} : memref<640x64xf32, #tpu.memory_space<vmem>>, vector<16xf32>,
      %get3A_1332 = arith.index_cast %add3A_1322 : i32 to index
      %get3A_1333 = arith.constant 48 : index
      %get3A_1334 = tpu.vector_load %arg11[%get3A_1332, %get3A_1333] {strides = array<i32>} : memref<640x64xf32, #tpu.memory_space<vmem>>, vector<16xf32>,
      %mul3A_1335 = arith.mulf %get3A_1325, %get3A_719 : vector<16xf32>
      %mul3A_1336 = arith.mulf %get3A_1328, %get3A_722 : vector<16xf32>
      %add3A_1337 = arith.addf %mul3A_1335, %mul3A_1336 : vector<16xf32>
      %mul3A_1338 = arith.mulf %get3A_1331, %get3A_725 : vector<16xf32>
      %add3A_1339 = arith.addf %add3A_1337, %mul3A_1338 : vector<16xf32>
      %mul3A_1340 = arith.mulf %get3A_1334, %get3A_728 : vector<16xf32>
      %add3A_1341 = arith.addf %add3A_1339, %mul3A_1340 : vector<16xf32>
      %eq3A_1342 = arith.constant 3 : i32
      %eq3A_1343 = vector.broadcast %eq3A_1342 : i32 to vector<16xi32>
      %eq3A_1344 = arith.cmpi eq, %iota3A, %eq3A_1343 : vector<16xi32>
      %reduce_sum3A_1345 = arith.constant true
      %reduce_sum3A_1346 = vector.broadcast %reduce_sum3A_1345 : i1 to vector<16xi1>
      %reduce_sum3A_1347 = tpu.scan <sum>, %add3A_1341 masked %reduce_sum3A_1346 : vector<16xf32>, vector<16xi1> -> vector<16xf32>
      %reduce_sum3A_1348 = vector.extract %reduce_sum3A_1347[15] : f32 from vector<16xf32>
      %broadcast_in_dim3A_1349 = vector.broadcast %reduce_sum3A_1348 : f32 to vector<16xf32>
      %select_n3A_1350 = arith.select %eq3A_1344, %broadcast_in_dim3A_1349, %select_n3A_1320 : vector<16xi1>, vector<16xf32>
      %swap3A_1351 = arith.index_cast %add3A_1228 : i32 to index
      %swap3A_1352 = tpu.vector_load %arg14[%swap3A_1351] {strides = array<i32>} : memref<656xf32, #tpu.memory_space<vmem>>, vector<16xf32>,
      tpu.vector_store %arg14[%swap3A_1351], %select_n3A_1350 {strides = array<i32>} : memref<656xf32, #tpu.memory_space<vmem>>, vector<16xf32>,
      %dma_wait3A_1353 = arith.constant 0 : i32
      %dma_wait3A_1354 = arith.constant 0 : i32
      %dma_wait3A_1355 = tpu.memref_slice %arg13[%dma_wait3A_1353, %dma_wait3A_1354] : memref<400x64xf32, #tpu.memory_space<vmem>> -> memref<200x64xf32, #tpu.memory_space<vmem>>
      %dma_wait3A_1356 = arith.constant 0 : i32
      %dma_wait3A_1357 = tpu.memref_slice %arg9[%dma_wait3A_1356] : memref<12800xi32, #tpu.memory_space<vmem>> -> memref<200xi32, #tpu.memory_space<vmem>>
      %dma_wait3A_1358 = arith.constant 0 : i32
      %dma_wait3A_1359 = arith.constant 0 : i32
      %dma_wait3A_1360 = tpu.memref_slice %arg3[%dma_wait3A_1358, %dma_wait3A_1359] : memref<100000x64xf32, #tpu.memory_space<hbm>> -> memref<100000x64xf32, #tpu.memory_space<hbm>>
      tpu.wait_indirect_dma semaphore(%arg19 : memref<!tpu.dma_semaphore, #tpu.memory_space<semaphore_mem>>) src(%dma_wait3A_1360 : memref<100000x64xf32, #tpu.memory_space<hbm>>) dst(%dma_wait3A_1355 : memref<200x64xf32, #tpu.memory_space<vmem>>)
      %dma_wait3A_1361 = arith.constant 200 : i32
      %dma_wait3A_1362 = arith.constant 0 : i32
      %dma_wait3A_1363 = tpu.memref_slice %arg13[%dma_wait3A_1361, %dma_wait3A_1362] : memref<400x64xf32, #tpu.memory_space<vmem>> -> memref<200x64xf32, #tpu.memory_space<vmem>>
      %dma_wait3A_1364 = arith.constant 0 : i32
      %dma_wait3A_1365 = tpu.memref_slice %arg9[%dma_wait3A_1364] : memref<12800xi32, #tpu.memory_space<vmem>> -> memref<200xi32, #tpu.memory_space<vmem>>
      %dma_wait3A_1366 = arith.constant 0 : i32
      %dma_wait3A_1367 = arith.constant 0 : i32
      %dma_wait3A_1368 = tpu.memref_slice %arg3[%dma_wait3A_1366, %dma_wait3A_1367] : memref<100000x64xf32, #tpu.memory_space<hbm>> -> memref<100000x64xf32, #tpu.memory_space<hbm>>
      tpu.wait_indirect_dma semaphore(%arg20 : memref<!tpu.dma_semaphore, #tpu.memory_space<semaphore_mem>>) src(%dma_wait3A_1368 : memref<100000x64xf32, #tpu.memory_space<hbm>>) dst(%dma_wait3A_1363 : memref<200x64xf32, #tpu.memory_space<vmem>>)
      %scan3A_1369 = arith.constant 0 : i32
      %scan3A_1370 = arith.constant 0 : i32
      %scan3A_1371 = arith.constant 25 : i32
      %scan3A_1372 = arith.addi %scan3A_1370, %scan3A_1371 : i32
      %scan3A_1373 = arith.constant 1 : i32
      scf.for %scan3A_1375 = %scan3A_1370 to %scan3A_1372 step %scan3A_1373  : i32 {
        %mul3A_1376 = arith.constant 16 : i32
        %mul3A_1377 = arith.muli %scan3A_1375, %mul3A_1376 : i32
        %mul3A_1378 = arith.constant 400 : i32
        %mul3A_1379 = arith.muli %add3A_712, %mul3A_1378 : i32
        %mul3A_1380 = arith.constant 16 : i32
        %mul3A_1381 = arith.muli %scan3A_1375, %mul3A_1380 : i32
        %add3A_1382 = arith.addi %mul3A_1379, %mul3A_1381 : i32
        %broadcast_in_dim3A_1383 = arith.constant 0.000000e+00 : f32
        %broadcast_in_dim3A_1384 = vector.broadcast %broadcast_in_dim3A_1383 : f32 to vector<16xf32>
        %add3A_1385 = arith.constant 0 : i32
        %add3A_1386 = arith.addi %mul3A_1377, %add3A_1385 : i32
        %get3A_1387 = arith.index_cast %add3A_1386 : i32 to index
        %get3A_1388 = arith.constant 0 : index
        %get3A_1389 = tpu.vector_load %arg13[%get3A_1387, %get3A_1388] {strides = array<i32>} : memref<400x64xf32, #tpu.memory_space<vmem>>, vector<16xf32>,
        %get3A_1390 = arith.index_cast %add3A_1386 : i32 to index
        %get3A_1391 = arith.constant 16 : index
        %get3A_1392 = tpu.vector_load %arg13[%get3A_1390, %get3A_1391] {strides = array<i32>} : memref<400x64xf32, #tpu.memory_space<vmem>>, vector<16xf32>,
        %get3A_1393 = arith.index_cast %add3A_1386 : i32 to index
        %get3A_1394 = arith.constant 32 : index
        %get3A_1395 = tpu.vector_load %arg13[%get3A_1393, %get3A_1394] {strides = array<i32>} : memref<400x64xf32, #tpu.memory_space<vmem>>, vector<16xf32>,
        %get3A_1396 = arith.index_cast %add3A_1386 : i32 to index
        %get3A_1397 = arith.constant 48 : index
        %get3A_1398 = tpu.vector_load %arg13[%get3A_1396, %get3A_1397] {strides = array<i32>} : memref<400x64xf32, #tpu.memory_space<vmem>>, vector<16xf32>,
        %mul3A_1399 = arith.mulf %get3A_1389, %get3A_719 : vector<16xf32>
        %mul3A_1400 = arith.mulf %get3A_1392, %get3A_722 : vector<16xf32>
        %add3A_1401 = arith.addf %mul3A_1399, %mul3A_1400 : vector<16xf32>
        %mul3A_1402 = arith.mulf %get3A_1395, %get3A_725 : vector<16xf32>
        %add3A_1403 = arith.addf %add3A_1401, %mul3A_1402 : vector<16xf32>
        %mul3A_1404 = arith.mulf %get3A_1398, %get3A_728 : vector<16xf32>
        %add3A_1405 = arith.addf %add3A_1403, %mul3A_1404 : vector<16xf32>
        %eq3A_1406 = arith.constant 0 : i32
        %eq3A_1407 = vector.broadcast %eq3A_1406 : i32 to vector<16xi32>
        %eq3A_1408 = arith.cmpi eq, %iota3A, %eq3A_1407 : vector<16xi32>
        %reduce_sum3A_1409 = arith.constant true
        %reduce_sum3A_1410 = vector.broadcast %reduce_sum3A_1409 : i1 to vector<16xi1>
        %reduce_sum3A_1411 = tpu.scan <sum>, %add3A_1405 masked %reduce_sum3A_1410 : vector<16xf32>, vector<16xi1> -> vector<16xf32>
        %reduce_sum3A_1412 = vector.extract %reduce_sum3A_1411[15] : f32 from vector<16xf32>
        %broadcast_in_dim3A_1413 = vector.broadcast %reduce_sum3A_1412 : f32 to vector<16xf32>
        %select_n3A_1414 = arith.select %eq3A_1408, %broadcast_in_dim3A_1413, %broadcast_in_dim3A_1384 : vector<16xi1>, vector<16xf32>
        %add3A_1415 = arith.constant 1 : i32
        %add3A_1416 = arith.addi %mul3A_1377, %add3A_1415 : i32
        %get3A_1417 = arith.index_cast %add3A_1416 : i32 to index
        %get3A_1418 = arith.constant 0 : index
        %get3A_1419 = tpu.vector_load %arg13[%get3A_1417, %get3A_1418] {strides = array<i32>} : memref<400x64xf32, #tpu.memory_space<vmem>>, vector<16xf32>,
        %get3A_1420 = arith.index_cast %add3A_1416 : i32 to index
        %get3A_1421 = arith.constant 16 : index
        %get3A_1422 = tpu.vector_load %arg13[%get3A_1420, %get3A_1421] {strides = array<i32>} : memref<400x64xf32, #tpu.memory_space<vmem>>, vector<16xf32>,
        %get3A_1423 = arith.index_cast %add3A_1416 : i32 to index
        %get3A_1424 = arith.constant 32 : index
        %get3A_1425 = tpu.vector_load %arg13[%get3A_1423, %get3A_1424] {strides = array<i32>} : memref<400x64xf32, #tpu.memory_space<vmem>>, vector<16xf32>,
        %get3A_1426 = arith.index_cast %add3A_1416 : i32 to index
        %get3A_1427 = arith.constant 48 : index
        %get3A_1428 = tpu.vector_load %arg13[%get3A_1426, %get3A_1427] {strides = array<i32>} : memref<400x64xf32, #tpu.memory_space<vmem>>, vector<16xf32>,
        %mul3A_1429 = arith.mulf %get3A_1419, %get3A_719 : vector<16xf32>
        %mul3A_1430 = arith.mulf %get3A_1422, %get3A_722 : vector<16xf32>
        %add3A_1431 = arith.addf %mul3A_1429, %mul3A_1430 : vector<16xf32>
        %mul3A_1432 = arith.mulf %get3A_1425, %get3A_725 : vector<16xf32>
        %add3A_1433 = arith.addf %add3A_1431, %mul3A_1432 : vector<16xf32>
        %mul3A_1434 = arith.mulf %get3A_1428, %get3A_728 : vector<16xf32>
        %add3A_1435 = arith.addf %add3A_1433, %mul3A_1434 : vector<16xf32>
        %eq3A_1436 = arith.constant 1 : i32
        %eq3A_1437 = vector.broadcast %eq3A_1436 : i32 to vector<16xi32>
        %eq3A_1438 = arith.cmpi eq, %iota3A, %eq3A_1437 : vector<16xi32>
        %reduce_sum3A_1439 = arith.constant true
        %reduce_sum3A_1440 = vector.broadcast %reduce_sum3A_1439 : i1 to vector<16xi1>
        %reduce_sum3A_1441 = tpu.scan <sum>, %add3A_1435 masked %reduce_sum3A_1440 : vector<16xf32>, vector<16xi1> -> vector<16xf32>
        %reduce_sum3A_1442 = vector.extract %reduce_sum3A_1441[15] : f32 from vector<16xf32>
        %broadcast_in_dim3A_1443 = vector.broadcast %reduce_sum3A_1442 : f32 to vector<16xf32>
        %select_n3A_1444 = arith.select %eq3A_1438, %broadcast_in_dim3A_1443, %select_n3A_1414 : vector<16xi1>, vector<16xf32>
        %add3A_1445 = arith.constant 2 : i32
        %add3A_1446 = arith.addi %mul3A_1377, %add3A_1445 : i32
        %get3A_1447 = arith.index_cast %add3A_1446 : i32 to index
        %get3A_1448 = arith.constant 0 : index
        %get3A_1449 = tpu.vector_load %arg13[%get3A_1447, %get3A_1448] {strides = array<i32>} : memref<400x64xf32, #tpu.memory_space<vmem>>, vector<16xf32>,
        %get3A_1450 = arith.index_cast %add3A_1446 : i32 to index
        %get3A_1451 = arith.constant 16 : index
        %get3A_1452 = tpu.vector_load %arg13[%get3A_1450, %get3A_1451] {strides = array<i32>} : memref<400x64xf32, #tpu.memory_space<vmem>>, vector<16xf32>,
        %get3A_1453 = arith.index_cast %add3A_1446 : i32 to index
        %get3A_1454 = arith.constant 32 : index
        %get3A_1455 = tpu.vector_load %arg13[%get3A_1453, %get3A_1454] {strides = array<i32>} : memref<400x64xf32, #tpu.memory_space<vmem>>, vector<16xf32>,
        %get3A_1456 = arith.index_cast %add3A_1446 : i32 to index
        %get3A_1457 = arith.constant 48 : index
        %get3A_1458 = tpu.vector_load %arg13[%get3A_1456, %get3A_1457] {strides = array<i32>} : memref<400x64xf32, #tpu.memory_space<vmem>>, vector<16xf32>,
        %mul3A_1459 = arith.mulf %get3A_1449, %get3A_719 : vector<16xf32>
        %mul3A_1460 = arith.mulf %get3A_1452, %get3A_722 : vector<16xf32>
        %add3A_1461 = arith.addf %mul3A_1459, %mul3A_1460 : vector<16xf32>
        %mul3A_1462 = arith.mulf %get3A_1455, %get3A_725 : vector<16xf32>
        %add3A_1463 = arith.addf %add3A_1461, %mul3A_1462 : vector<16xf32>
        %mul3A_1464 = arith.mulf %get3A_1458, %get3A_728 : vector<16xf32>
        %add3A_1465 = arith.addf %add3A_1463, %mul3A_1464 : vector<16xf32>
        %eq3A_1466 = arith.constant 2 : i32
        %eq3A_1467 = vector.broadcast %eq3A_1466 : i32 to vector<16xi32>
        %eq3A_1468 = arith.cmpi eq, %iota3A, %eq3A_1467 : vector<16xi32>
        %reduce_sum3A_1469 = arith.constant true
        %reduce_sum3A_1470 = vector.broadcast %reduce_sum3A_1469 : i1 to vector<16xi1>
        %reduce_sum3A_1471 = tpu.scan <sum>, %add3A_1465 masked %reduce_sum3A_1470 : vector<16xf32>, vector<16xi1> -> vector<16xf32>
        %reduce_sum3A_1472 = vector.extract %reduce_sum3A_1471[15] : f32 from vector<16xf32>
        %broadcast_in_dim3A_1473 = vector.broadcast %reduce_sum3A_1472 : f32 to vector<16xf32>
        %select_n3A_1474 = arith.select %eq3A_1468, %broadcast_in_dim3A_1473, %select_n3A_1444 : vector<16xi1>, vector<16xf32>
        %add3A_1475 = arith.constant 3 : i32
        %add3A_1476 = arith.addi %mul3A_1377, %add3A_1475 : i32
        %get3A_1477 = arith.index_cast %add3A_1476 : i32 to index
        %get3A_1478 = arith.constant 0 : index
        %get3A_1479 = tpu.vector_load %arg13[%get3A_1477, %get3A_1478] {strides = array<i32>} : memref<400x64xf32, #tpu.memory_space<vmem>>, vector<16xf32>,
        %get3A_1480 = arith.index_cast %add3A_1476 : i32 to index
        %get3A_1481 = arith.constant 16 : index
        %get3A_1482 = tpu.vector_load %arg13[%get3A_1480, %get3A_1481] {strides = array<i32>} : memref<400x64xf32, #tpu.memory_space<vmem>>, vector<16xf32>,
        %get3A_1483 = arith.index_cast %add3A_1476 : i32 to index
        %get3A_1484 = arith.constant 32 : index
        %get3A_1485 = tpu.vector_load %arg13[%get3A_1483, %get3A_1484] {strides = array<i32>} : memref<400x64xf32, #tpu.memory_space<vmem>>, vector<16xf32>,
        %get3A_1486 = arith.index_cast %add3A_1476 : i32 to index
        %get3A_1487 = arith.constant 48 : index
        %get3A_1488 = tpu.vector_load %arg13[%get3A_1486, %get3A_1487] {strides = array<i32>} : memref<400x64xf32, #tpu.memory_space<vmem>>, vector<16xf32>,
        %mul3A_1489 = arith.mulf %get3A_1479, %get3A_719 : vector<16xf32>
        %mul3A_1490 = arith.mulf %get3A_1482, %get3A_722 : vector<16xf32>
        %add3A_1491 = arith.addf %mul3A_1489, %mul3A_1490 : vector<16xf32>
        %mul3A_1492 = arith.mulf %get3A_1485, %get3A_725 : vector<16xf32>
        %add3A_1493 = arith.addf %add3A_1491, %mul3A_1492 : vector<16xf32>
        %mul3A_1494 = arith.mulf %get3A_1488, %get3A_728 : vector<16xf32>
        %add3A_1495 = arith.addf %add3A_1493, %mul3A_1494 : vector<16xf32>
        %eq3A_1496 = arith.constant 3 : i32
        %eq3A_1497 = vector.broadcast %eq3A_1496 : i32 to vector<16xi32>
        %eq3A_1498 = arith.cmpi eq, %iota3A, %eq3A_1497 : vector<16xi32>
        %reduce_sum3A_1499 = arith.constant true
        %reduce_sum3A_1500 = vector.broadcast %reduce_sum3A_1499 : i1 to vector<16xi1>
        %reduce_sum3A_1501 = tpu.scan <sum>, %add3A_1495 masked %reduce_sum3A_1500 : vector<16xf32>, vector<16xi1> -> vector<16xf32>
        %reduce_sum3A_1502 = vector.extract %reduce_sum3A_1501[15] : f32 from vector<16xf32>
        %broadcast_in_dim3A_1503 = vector.broadcast %reduce_sum3A_1502 : f32 to vector<16xf32>
        %select_n3A_1504 = arith.select %eq3A_1498, %broadcast_in_dim3A_1503, %select_n3A_1474 : vector<16xi1>, vector<16xf32>
        %add3A_1505 = arith.constant 4 : i32
        %add3A_1506 = arith.addi %mul3A_1377, %add3A_1505 : i32
        %get3A_1507 = arith.index_cast %add3A_1506 : i32 to index
        %get3A_1508 = arith.constant 0 : index
        %get3A_1509 = tpu.vector_load %arg13[%get3A_1507, %get3A_1508] {strides = array<i32>} : memref<400x64xf32, #tpu.memory_space<vmem>>, vector<16xf32>,
        %get3A_1510 = arith.index_cast %add3A_1506 : i32 to index
        %get3A_1511 = arith.constant 16 : index
        %get3A_1512 = tpu.vector_load %arg13[%get3A_1510, %get3A_1511] {strides = array<i32>} : memref<400x64xf32, #tpu.memory_space<vmem>>, vector<16xf32>,
        %get3A_1513 = arith.index_cast %add3A_1506 : i32 to index
        %get3A_1514 = arith.constant 32 : index
        %get3A_1515 = tpu.vector_load %arg13[%get3A_1513, %get3A_1514] {strides = array<i32>} : memref<400x64xf32, #tpu.memory_space<vmem>>, vector<16xf32>,
        %get3A_1516 = arith.index_cast %add3A_1506 : i32 to index
        %get3A_1517 = arith.constant 48 : index
        %get3A_1518 = tpu.vector_load %arg13[%get3A_1516, %get3A_1517] {strides = array<i32>} : memref<400x64xf32, #tpu.memory_space<vmem>>, vector<16xf32>,
        %mul3A_1519 = arith.mulf %get3A_1509, %get3A_719 : vector<16xf32>
        %mul3A_1520 = arith.mulf %get3A_1512, %get3A_722 : vector<16xf32>
        %add3A_1521 = arith.addf %mul3A_1519, %mul3A_1520 : vector<16xf32>
        %mul3A_1522 = arith.mulf %get3A_1515, %get3A_725 : vector<16xf32>
        %add3A_1523 = arith.addf %add3A_1521, %mul3A_1522 : vector<16xf32>
        %mul3A_1524 = arith.mulf %get3A_1518, %get3A_728 : vector<16xf32>
        %add3A_1525 = arith.addf %add3A_1523, %mul3A_1524 : vector<16xf32>
        %eq3A_1526 = arith.constant 4 : i32
        %eq3A_1527 = vector.broadcast %eq3A_1526 : i32 to vector<16xi32>
        %eq3A_1528 = arith.cmpi eq, %iota3A, %eq3A_1527 : vector<16xi32>
        %reduce_sum3A_1529 = arith.constant true
        %reduce_sum3A_1530 = vector.broadcast %reduce_sum3A_1529 : i1 to vector<16xi1>
        %reduce_sum3A_1531 = tpu.scan <sum>, %add3A_1525 masked %reduce_sum3A_1530 : vector<16xf32>, vector<16xi1> -> vector<16xf32>
        %reduce_sum3A_1532 = vector.extract %reduce_sum3A_1531[15] : f32 from vector<16xf32>
        %broadcast_in_dim3A_1533 = vector.broadcast %reduce_sum3A_1532 : f32 to vector<16xf32>
        %select_n3A_1534 = arith.select %eq3A_1528, %broadcast_in_dim3A_1533, %select_n3A_1504 : vector<16xi1>, vector<16xf32>
        %add3A_1535 = arith.constant 5 : i32
        %add3A_1536 = arith.addi %mul3A_1377, %add3A_1535 : i32
        %get3A_1537 = arith.index_cast %add3A_1536 : i32 to index
        %get3A_1538 = arith.constant 0 : index
        %get3A_1539 = tpu.vector_load %arg13[%get3A_1537, %get3A_1538] {strides = array<i32>} : memref<400x64xf32, #tpu.memory_space<vmem>>, vector<16xf32>,
        %get3A_1540 = arith.index_cast %add3A_1536 : i32 to index
        %get3A_1541 = arith.constant 16 : index
        %get3A_1542 = tpu.vector_load %arg13[%get3A_1540, %get3A_1541] {strides = array<i32>} : memref<400x64xf32, #tpu.memory_space<vmem>>, vector<16xf32>,
        %get3A_1543 = arith.index_cast %add3A_1536 : i32 to index
        %get3A_1544 = arith.constant 32 : index
        %get3A_1545 = tpu.vector_load %arg13[%get3A_1543, %get3A_1544] {strides = array<i32>} : memref<400x64xf32, #tpu.memory_space<vmem>>, vector<16xf32>,
        %get3A_1546 = arith.index_cast %add3A_1536 : i32 to index
        %get3A_1547 = arith.constant 48 : index
        %get3A_1548 = tpu.vector_load %arg13[%get3A_1546, %get3A_1547] {strides = array<i32>} : memref<400x64xf32, #tpu.memory_space<vmem>>, vector<16xf32>,
        %mul3A_1549 = arith.mulf %get3A_1539, %get3A_719 : vector<16xf32>
        %mul3A_1550 = arith.mulf %get3A_1542, %get3A_722 : vector<16xf32>
        %add3A_1551 = arith.addf %mul3A_1549, %mul3A_1550 : vector<16xf32>
        %mul3A_1552 = arith.mulf %get3A_1545, %get3A_725 : vector<16xf32>
        %add3A_1553 = arith.addf %add3A_1551, %mul3A_1552 : vector<16xf32>
        %mul3A_1554 = arith.mulf %get3A_1548, %get3A_728 : vector<16xf32>
        %add3A_1555 = arith.addf %add3A_1553, %mul3A_1554 : vector<16xf32>
        %eq3A_1556 = arith.constant 5 : i32
        %eq3A_1557 = vector.broadcast %eq3A_1556 : i32 to vector<16xi32>
        %eq3A_1558 = arith.cmpi eq, %iota3A, %eq3A_1557 : vector<16xi32>
        %reduce_sum3A_1559 = arith.constant true
        %reduce_sum3A_1560 = vector.broadcast %reduce_sum3A_1559 : i1 to vector<16xi1>
        %reduce_sum3A_1561 = tpu.scan <sum>, %add3A_1555 masked %reduce_sum3A_1560 : vector<16xf32>, vector<16xi1> -> vector<16xf32>
        %reduce_sum3A_1562 = vector.extract %reduce_sum3A_1561[15] : f32 from vector<16xf32>
        %broadcast_in_dim3A_1563 = vector.broadcast %reduce_sum3A_1562 : f32 to vector<16xf32>
        %select_n3A_1564 = arith.select %eq3A_1558, %broadcast_in_dim3A_1563, %select_n3A_1534 : vector<16xi1>, vector<16xf32>
        %add3A_1565 = arith.constant 6 : i32
        %add3A_1566 = arith.addi %mul3A_1377, %add3A_1565 : i32
        %get3A_1567 = arith.index_cast %add3A_1566 : i32 to index
        %get3A_1568 = arith.constant 0 : index
        %get3A_1569 = tpu.vector_load %arg13[%get3A_1567, %get3A_1568] {strides = array<i32>} : memref<400x64xf32, #tpu.memory_space<vmem>>, vector<16xf32>,
        %get3A_1570 = arith.index_cast %add3A_1566 : i32 to index
        %get3A_1571 = arith.constant 16 : index
        %get3A_1572 = tpu.vector_load %arg13[%get3A_1570, %get3A_1571] {strides = array<i32>} : memref<400x64xf32, #tpu.memory_space<vmem>>, vector<16xf32>,
        %get3A_1573 = arith.index_cast %add3A_1566 : i32 to index
        %get3A_1574 = arith.constant 32 : index
        %get3A_1575 = tpu.vector_load %arg13[%get3A_1573, %get3A_1574] {strides = array<i32>} : memref<400x64xf32, #tpu.memory_space<vmem>>, vector<16xf32>,
        %get3A_1576 = arith.index_cast %add3A_1566 : i32 to index
        %get3A_1577 = arith.constant 48 : index
        %get3A_1578 = tpu.vector_load %arg13[%get3A_1576, %get3A_1577] {strides = array<i32>} : memref<400x64xf32, #tpu.memory_space<vmem>>, vector<16xf32>,
        %mul3A_1579 = arith.mulf %get3A_1569, %get3A_719 : vector<16xf32>
        %mul3A_1580 = arith.mulf %get3A_1572, %get3A_722 : vector<16xf32>
        %add3A_1581 = arith.addf %mul3A_1579, %mul3A_1580 : vector<16xf32>
        %mul3A_1582 = arith.mulf %get3A_1575, %get3A_725 : vector<16xf32>
        %add3A_1583 = arith.addf %add3A_1581, %mul3A_1582 : vector<16xf32>
        %mul3A_1584 = arith.mulf %get3A_1578, %get3A_728 : vector<16xf32>
        %add3A_1585 = arith.addf %add3A_1583, %mul3A_1584 : vector<16xf32>
        %eq3A_1586 = arith.constant 6 : i32
        %eq3A_1587 = vector.broadcast %eq3A_1586 : i32 to vector<16xi32>
        %eq3A_1588 = arith.cmpi eq, %iota3A, %eq3A_1587 : vector<16xi32>
        %reduce_sum3A_1589 = arith.constant true
        %reduce_sum3A_1590 = vector.broadcast %reduce_sum3A_1589 : i1 to vector<16xi1>
        %reduce_sum3A_1591 = tpu.scan <sum>, %add3A_1585 masked %reduce_sum3A_1590 : vector<16xf32>, vector<16xi1> -> vector<16xf32>
        %reduce_sum3A_1592 = vector.extract %reduce_sum3A_1591[15] : f32 from vector<16xf32>
        %broadcast_in_dim3A_1593 = vector.broadcast %reduce_sum3A_1592 : f32 to vector<16xf32>
        %select_n3A_1594 = arith.select %eq3A_1588, %broadcast_in_dim3A_1593, %select_n3A_1564 : vector<16xi1>, vector<16xf32>
        %add3A_1595 = arith.constant 7 : i32
        %add3A_1596 = arith.addi %mul3A_1377, %add3A_1595 : i32
        %get3A_1597 = arith.index_cast %add3A_1596 : i32 to index
        %get3A_1598 = arith.constant 0 : index
        %get3A_1599 = tpu.vector_load %arg13[%get3A_1597, %get3A_1598] {strides = array<i32>} : memref<400x64xf32, #tpu.memory_space<vmem>>, vector<16xf32>,
        %get3A_1600 = arith.index_cast %add3A_1596 : i32 to index
        %get3A_1601 = arith.constant 16 : index
        %get3A_1602 = tpu.vector_load %arg13[%get3A_1600, %get3A_1601] {strides = array<i32>} : memref<400x64xf32, #tpu.memory_space<vmem>>, vector<16xf32>,
        %get3A_1603 = arith.index_cast %add3A_1596 : i32 to index
        %get3A_1604 = arith.constant 32 : index
        %get3A_1605 = tpu.vector_load %arg13[%get3A_1603, %get3A_1604] {strides = array<i32>} : memref<400x64xf32, #tpu.memory_space<vmem>>, vector<16xf32>,
        %get3A_1606 = arith.index_cast %add3A_1596 : i32 to index
        %get3A_1607 = arith.constant 48 : index
        %get3A_1608 = tpu.vector_load %arg13[%get3A_1606, %get3A_1607] {strides = array<i32>} : memref<400x64xf32, #tpu.memory_space<vmem>>, vector<16xf32>,
        %mul3A_1609 = arith.mulf %get3A_1599, %get3A_719 : vector<16xf32>
        %mul3A_1610 = arith.mulf %get3A_1602, %get3A_722 : vector<16xf32>
        %add3A_1611 = arith.addf %mul3A_1609, %mul3A_1610 : vector<16xf32>
        %mul3A_1612 = arith.mulf %get3A_1605, %get3A_725 : vector<16xf32>
        %add3A_1613 = arith.addf %add3A_1611, %mul3A_1612 : vector<16xf32>
        %mul3A_1614 = arith.mulf %get3A_1608, %get3A_728 : vector<16xf32>
        %add3A_1615 = arith.addf %add3A_1613, %mul3A_1614 : vector<16xf32>
        %eq3A_1616 = arith.constant 7 : i32
        %eq3A_1617 = vector.broadcast %eq3A_1616 : i32 to vector<16xi32>
        %eq3A_1618 = arith.cmpi eq, %iota3A, %eq3A_1617 : vector<16xi32>
        %reduce_sum3A_1619 = arith.constant true
        %reduce_sum3A_1620 = vector.broadcast %reduce_sum3A_1619 : i1 to vector<16xi1>
        %reduce_sum3A_1621 = tpu.scan <sum>, %add3A_1615 masked %reduce_sum3A_1620 : vector<16xf32>, vector<16xi1> -> vector<16xf32>
        %reduce_sum3A_1622 = vector.extract %reduce_sum3A_1621[15] : f32 from vector<16xf32>
        %broadcast_in_dim3A_1623 = vector.broadcast %reduce_sum3A_1622 : f32 to vector<16xf32>
        %select_n3A_1624 = arith.select %eq3A_1618, %broadcast_in_dim3A_1623, %select_n3A_1594 : vector<16xi1>, vector<16xf32>
        %add3A_1625 = arith.constant 8 : i32
        %add3A_1626 = arith.addi %mul3A_1377, %add3A_1625 : i32
        %get3A_1627 = arith.index_cast %add3A_1626 : i32 to index
        %get3A_1628 = arith.constant 0 : index
        %get3A_1629 = tpu.vector_load %arg13[%get3A_1627, %get3A_1628] {strides = array<i32>} : memref<400x64xf32, #tpu.memory_space<vmem>>, vector<16xf32>,
        %get3A_1630 = arith.index_cast %add3A_1626 : i32 to index
        %get3A_1631 = arith.constant 16 : index
        %get3A_1632 = tpu.vector_load %arg13[%get3A_1630, %get3A_1631] {strides = array<i32>} : memref<400x64xf32, #tpu.memory_space<vmem>>, vector<16xf32>,
        %get3A_1633 = arith.index_cast %add3A_1626 : i32 to index
        %get3A_1634 = arith.constant 32 : index
        %get3A_1635 = tpu.vector_load %arg13[%get3A_1633, %get3A_1634] {strides = array<i32>} : memref<400x64xf32, #tpu.memory_space<vmem>>, vector<16xf32>,
        %get3A_1636 = arith.index_cast %add3A_1626 : i32 to index
        %get3A_1637 = arith.constant 48 : index
        %get3A_1638 = tpu.vector_load %arg13[%get3A_1636, %get3A_1637] {strides = array<i32>} : memref<400x64xf32, #tpu.memory_space<vmem>>, vector<16xf32>,
        %mul3A_1639 = arith.mulf %get3A_1629, %get3A_719 : vector<16xf32>
        %mul3A_1640 = arith.mulf %get3A_1632, %get3A_722 : vector<16xf32>
        %add3A_1641 = arith.addf %mul3A_1639, %mul3A_1640 : vector<16xf32>
        %mul3A_1642 = arith.mulf %get3A_1635, %get3A_725 : vector<16xf32>
        %add3A_1643 = arith.addf %add3A_1641, %mul3A_1642 : vector<16xf32>
        %mul3A_1644 = arith.mulf %get3A_1638, %get3A_728 : vector<16xf32>
        %add3A_1645 = arith.addf %add3A_1643, %mul3A_1644 : vector<16xf32>
        %eq3A_1646 = arith.constant 8 : i32
        %eq3A_1647 = vector.broadcast %eq3A_1646 : i32 to vector<16xi32>
        %eq3A_1648 = arith.cmpi eq, %iota3A, %eq3A_1647 : vector<16xi32>
        %reduce_sum3A_1649 = arith.constant true
        %reduce_sum3A_1650 = vector.broadcast %reduce_sum3A_1649 : i1 to vector<16xi1>
        %reduce_sum3A_1651 = tpu.scan <sum>, %add3A_1645 masked %reduce_sum3A_1650 : vector<16xf32>, vector<16xi1> -> vector<16xf32>
        %reduce_sum3A_1652 = vector.extract %reduce_sum3A_1651[15] : f32 from vector<16xf32>
        %broadcast_in_dim3A_1653 = vector.broadcast %reduce_sum3A_1652 : f32 to vector<16xf32>
        %select_n3A_1654 = arith.select %eq3A_1648, %broadcast_in_dim3A_1653, %select_n3A_1624 : vector<16xi1>, vector<16xf32>
        %add3A_1655 = arith.constant 9 : i32
        %add3A_1656 = arith.addi %mul3A_1377, %add3A_1655 : i32
        %get3A_1657 = arith.index_cast %add3A_1656 : i32 to index
        %get3A_1658 = arith.constant 0 : index
        %get3A_1659 = tpu.vector_load %arg13[%get3A_1657, %get3A_1658] {strides = array<i32>} : memref<400x64xf32, #tpu.memory_space<vmem>>, vector<16xf32>,
        %get3A_1660 = arith.index_cast %add3A_1656 : i32 to index
        %get3A_1661 = arith.constant 16 : index
        %get3A_1662 = tpu.vector_load %arg13[%get3A_1660, %get3A_1661] {strides = array<i32>} : memref<400x64xf32, #tpu.memory_space<vmem>>, vector<16xf32>,
        %get3A_1663 = arith.index_cast %add3A_1656 : i32 to index
        %get3A_1664 = arith.constant 32 : index
        %get3A_1665 = tpu.vector_load %arg13[%get3A_1663, %get3A_1664] {strides = array<i32>} : memref<400x64xf32, #tpu.memory_space<vmem>>, vector<16xf32>,
        %get3A_1666 = arith.index_cast %add3A_1656 : i32 to index
        %get3A_1667 = arith.constant 48 : index
        %get3A_1668 = tpu.vector_load %arg13[%get3A_1666, %get3A_1667] {strides = array<i32>} : memref<400x64xf32, #tpu.memory_space<vmem>>, vector<16xf32>,
        %mul3A_1669 = arith.mulf %get3A_1659, %get3A_719 : vector<16xf32>
        %mul3A_1670 = arith.mulf %get3A_1662, %get3A_722 : vector<16xf32>
        %add3A_1671 = arith.addf %mul3A_1669, %mul3A_1670 : vector<16xf32>
        %mul3A_1672 = arith.mulf %get3A_1665, %get3A_725 : vector<16xf32>
        %add3A_1673 = arith.addf %add3A_1671, %mul3A_1672 : vector<16xf32>
        %mul3A_1674 = arith.mulf %get3A_1668, %get3A_728 : vector<16xf32>
        %add3A_1675 = arith.addf %add3A_1673, %mul3A_1674 : vector<16xf32>
        %eq3A_1676 = arith.constant 9 : i32
        %eq3A_1677 = vector.broadcast %eq3A_1676 : i32 to vector<16xi32>
        %eq3A_1678 = arith.cmpi eq, %iota3A, %eq3A_1677 : vector<16xi32>
        %reduce_sum3A_1679 = arith.constant true
        %reduce_sum3A_1680 = vector.broadcast %reduce_sum3A_1679 : i1 to vector<16xi1>
        %reduce_sum3A_1681 = tpu.scan <sum>, %add3A_1675 masked %reduce_sum3A_1680 : vector<16xf32>, vector<16xi1> -> vector<16xf32>
        %reduce_sum3A_1682 = vector.extract %reduce_sum3A_1681[15] : f32 from vector<16xf32>
        %broadcast_in_dim3A_1683 = vector.broadcast %reduce_sum3A_1682 : f32 to vector<16xf32>
        %select_n3A_1684 = arith.select %eq3A_1678, %broadcast_in_dim3A_1683, %select_n3A_1654 : vector<16xi1>, vector<16xf32>
        %add3A_1685 = arith.constant 10 : i32
        %add3A_1686 = arith.addi %mul3A_1377, %add3A_1685 : i32
        %get3A_1687 = arith.index_cast %add3A_1686 : i32 to index
        %get3A_1688 = arith.constant 0 : index
        %get3A_1689 = tpu.vector_load %arg13[%get3A_1687, %get3A_1688] {strides = array<i32>} : memref<400x64xf32, #tpu.memory_space<vmem>>, vector<16xf32>,
        %get3A_1690 = arith.index_cast %add3A_1686 : i32 to index
        %get3A_1691 = arith.constant 16 : index
        %get3A_1692 = tpu.vector_load %arg13[%get3A_1690, %get3A_1691] {strides = array<i32>} : memref<400x64xf32, #tpu.memory_space<vmem>>, vector<16xf32>,
        %get3A_1693 = arith.index_cast %add3A_1686 : i32 to index
        %get3A_1694 = arith.constant 32 : index
        %get3A_1695 = tpu.vector_load %arg13[%get3A_1693, %get3A_1694] {strides = array<i32>} : memref<400x64xf32, #tpu.memory_space<vmem>>, vector<16xf32>,
        %get3A_1696 = arith.index_cast %add3A_1686 : i32 to index
        %get3A_1697 = arith.constant 48 : index
        %get3A_1698 = tpu.vector_load %arg13[%get3A_1696, %get3A_1697] {strides = array<i32>} : memref<400x64xf32, #tpu.memory_space<vmem>>, vector<16xf32>,
        %mul3A_1699 = arith.mulf %get3A_1689, %get3A_719 : vector<16xf32>
        %mul3A_1700 = arith.mulf %get3A_1692, %get3A_722 : vector<16xf32>
        %add3A_1701 = arith.addf %mul3A_1699, %mul3A_1700 : vector<16xf32>
        %mul3A_1702 = arith.mulf %get3A_1695, %get3A_725 : vector<16xf32>
        %add3A_1703 = arith.addf %add3A_1701, %mul3A_1702 : vector<16xf32>
        %mul3A_1704 = arith.mulf %get3A_1698, %get3A_728 : vector<16xf32>
        %add3A_1705 = arith.addf %add3A_1703, %mul3A_1704 : vector<16xf32>
        %eq3A_1706 = arith.constant 10 : i32
        %eq3A_1707 = vector.broadcast %eq3A_1706 : i32 to vector<16xi32>
        %eq3A_1708 = arith.cmpi eq, %iota3A, %eq3A_1707 : vector<16xi32>
        %reduce_sum3A_1709 = arith.constant true
        %reduce_sum3A_1710 = vector.broadcast %reduce_sum3A_1709 : i1 to vector<16xi1>
        %reduce_sum3A_1711 = tpu.scan <sum>, %add3A_1705 masked %reduce_sum3A_1710 : vector<16xf32>, vector<16xi1> -> vector<16xf32>
        %reduce_sum3A_1712 = vector.extract %reduce_sum3A_1711[15] : f32 from vector<16xf32>
        %broadcast_in_dim3A_1713 = vector.broadcast %reduce_sum3A_1712 : f32 to vector<16xf32>
        %select_n3A_1714 = arith.select %eq3A_1708, %broadcast_in_dim3A_1713, %select_n3A_1684 : vector<16xi1>, vector<16xf32>
        %add3A_1715 = arith.constant 11 : i32
        %add3A_1716 = arith.addi %mul3A_1377, %add3A_1715 : i32
        %get3A_1717 = arith.index_cast %add3A_1716 : i32 to index
        %get3A_1718 = arith.constant 0 : index
        %get3A_1719 = tpu.vector_load %arg13[%get3A_1717, %get3A_1718] {strides = array<i32>} : memref<400x64xf32, #tpu.memory_space<vmem>>, vector<16xf32>,
        %get3A_1720 = arith.index_cast %add3A_1716 : i32 to index
        %get3A_1721 = arith.constant 16 : index
        %get3A_1722 = tpu.vector_load %arg13[%get3A_1720, %get3A_1721] {strides = array<i32>} : memref<400x64xf32, #tpu.memory_space<vmem>>, vector<16xf32>,
        %get3A_1723 = arith.index_cast %add3A_1716 : i32 to index
        %get3A_1724 = arith.constant 32 : index
        %get3A_1725 = tpu.vector_load %arg13[%get3A_1723, %get3A_1724] {strides = array<i32>} : memref<400x64xf32, #tpu.memory_space<vmem>>, vector<16xf32>,
        %get3A_1726 = arith.index_cast %add3A_1716 : i32 to index
        %get3A_1727 = arith.constant 48 : index
        %get3A_1728 = tpu.vector_load %arg13[%get3A_1726, %get3A_1727] {strides = array<i32>} : memref<400x64xf32, #tpu.memory_space<vmem>>, vector<16xf32>,
        %mul3A_1729 = arith.mulf %get3A_1719, %get3A_719 : vector<16xf32>
        %mul3A_1730 = arith.mulf %get3A_1722, %get3A_722 : vector<16xf32>
        %add3A_1731 = arith.addf %mul3A_1729, %mul3A_1730 : vector<16xf32>
        %mul3A_1732 = arith.mulf %get3A_1725, %get3A_725 : vector<16xf32>
        %add3A_1733 = arith.addf %add3A_1731, %mul3A_1732 : vector<16xf32>
        %mul3A_1734 = arith.mulf %get3A_1728, %get3A_728 : vector<16xf32>
        %add3A_1735 = arith.addf %add3A_1733, %mul3A_1734 : vector<16xf32>
        %eq3A_1736 = arith.constant 11 : i32
        %eq3A_1737 = vector.broadcast %eq3A_1736 : i32 to vector<16xi32>
        %eq3A_1738 = arith.cmpi eq, %iota3A, %eq3A_1737 : vector<16xi32>
        %reduce_sum3A_1739 = arith.constant true
        %reduce_sum3A_1740 = vector.broadcast %reduce_sum3A_1739 : i1 to vector<16xi1>
        %reduce_sum3A_1741 = tpu.scan <sum>, %add3A_1735 masked %reduce_sum3A_1740 : vector<16xf32>, vector<16xi1> -> vector<16xf32>
        %reduce_sum3A_1742 = vector.extract %reduce_sum3A_1741[15] : f32 from vector<16xf32>
        %broadcast_in_dim3A_1743 = vector.broadcast %reduce_sum3A_1742 : f32 to vector<16xf32>
        %select_n3A_1744 = arith.select %eq3A_1738, %broadcast_in_dim3A_1743, %select_n3A_1714 : vector<16xi1>, vector<16xf32>
        %add3A_1745 = arith.constant 12 : i32
        %add3A_1746 = arith.addi %mul3A_1377, %add3A_1745 : i32
        %get3A_1747 = arith.index_cast %add3A_1746 : i32 to index
        %get3A_1748 = arith.constant 0 : index
        %get3A_1749 = tpu.vector_load %arg13[%get3A_1747, %get3A_1748] {strides = array<i32>} : memref<400x64xf32, #tpu.memory_space<vmem>>, vector<16xf32>,
        %get3A_1750 = arith.index_cast %add3A_1746 : i32 to index
        %get3A_1751 = arith.constant 16 : index
        %get3A_1752 = tpu.vector_load %arg13[%get3A_1750, %get3A_1751] {strides = array<i32>} : memref<400x64xf32, #tpu.memory_space<vmem>>, vector<16xf32>,
        %get3A_1753 = arith.index_cast %add3A_1746 : i32 to index
        %get3A_1754 = arith.constant 32 : index
        %get3A_1755 = tpu.vector_load %arg13[%get3A_1753, %get3A_1754] {strides = array<i32>} : memref<400x64xf32, #tpu.memory_space<vmem>>, vector<16xf32>,
        %get3A_1756 = arith.index_cast %add3A_1746 : i32 to index
        %get3A_1757 = arith.constant 48 : index
        %get3A_1758 = tpu.vector_load %arg13[%get3A_1756, %get3A_1757] {strides = array<i32>} : memref<400x64xf32, #tpu.memory_space<vmem>>, vector<16xf32>,
        %mul3A_1759 = arith.mulf %get3A_1749, %get3A_719 : vector<16xf32>
        %mul3A_1760 = arith.mulf %get3A_1752, %get3A_722 : vector<16xf32>
        %add3A_1761 = arith.addf %mul3A_1759, %mul3A_1760 : vector<16xf32>
        %mul3A_1762 = arith.mulf %get3A_1755, %get3A_725 : vector<16xf32>
        %add3A_1763 = arith.addf %add3A_1761, %mul3A_1762 : vector<16xf32>
        %mul3A_1764 = arith.mulf %get3A_1758, %get3A_728 : vector<16xf32>
        %add3A_1765 = arith.addf %add3A_1763, %mul3A_1764 : vector<16xf32>
        %eq3A_1766 = arith.constant 12 : i32
        %eq3A_1767 = vector.broadcast %eq3A_1766 : i32 to vector<16xi32>
        %eq3A_1768 = arith.cmpi eq, %iota3A, %eq3A_1767 : vector<16xi32>
        %reduce_sum3A_1769 = arith.constant true
        %reduce_sum3A_1770 = vector.broadcast %reduce_sum3A_1769 : i1 to vector<16xi1>
        %reduce_sum3A_1771 = tpu.scan <sum>, %add3A_1765 masked %reduce_sum3A_1770 : vector<16xf32>, vector<16xi1> -> vector<16xf32>
        %reduce_sum3A_1772 = vector.extract %reduce_sum3A_1771[15] : f32 from vector<16xf32>
        %broadcast_in_dim3A_1773 = vector.broadcast %reduce_sum3A_1772 : f32 to vector<16xf32>
        %select_n3A_1774 = arith.select %eq3A_1768, %broadcast_in_dim3A_1773, %select_n3A_1744 : vector<16xi1>, vector<16xf32>
        %add3A_1775 = arith.constant 13 : i32
        %add3A_1776 = arith.addi %mul3A_1377, %add3A_1775 : i32
        %get3A_1777 = arith.index_cast %add3A_1776 : i32 to index
        %get3A_1778 = arith.constant 0 : index
        %get3A_1779 = tpu.vector_load %arg13[%get3A_1777, %get3A_1778] {strides = array<i32>} : memref<400x64xf32, #tpu.memory_space<vmem>>, vector<16xf32>,
        %get3A_1780 = arith.index_cast %add3A_1776 : i32 to index
        %get3A_1781 = arith.constant 16 : index
        %get3A_1782 = tpu.vector_load %arg13[%get3A_1780, %get3A_1781] {strides = array<i32>} : memref<400x64xf32, #tpu.memory_space<vmem>>, vector<16xf32>,
        %get3A_1783 = arith.index_cast %add3A_1776 : i32 to index
        %get3A_1784 = arith.constant 32 : index
        %get3A_1785 = tpu.vector_load %arg13[%get3A_1783, %get3A_1784] {strides = array<i32>} : memref<400x64xf32, #tpu.memory_space<vmem>>, vector<16xf32>,
        %get3A_1786 = arith.index_cast %add3A_1776 : i32 to index
        %get3A_1787 = arith.constant 48 : index
        %get3A_1788 = tpu.vector_load %arg13[%get3A_1786, %get3A_1787] {strides = array<i32>} : memref<400x64xf32, #tpu.memory_space<vmem>>, vector<16xf32>,
        %mul3A_1789 = arith.mulf %get3A_1779, %get3A_719 : vector<16xf32>
        %mul3A_1790 = arith.mulf %get3A_1782, %get3A_722 : vector<16xf32>
        %add3A_1791 = arith.addf %mul3A_1789, %mul3A_1790 : vector<16xf32>
        %mul3A_1792 = arith.mulf %get3A_1785, %get3A_725 : vector<16xf32>
        %add3A_1793 = arith.addf %add3A_1791, %mul3A_1792 : vector<16xf32>
        %mul3A_1794 = arith.mulf %get3A_1788, %get3A_728 : vector<16xf32>
        %add3A_1795 = arith.addf %add3A_1793, %mul3A_1794 : vector<16xf32>
        %eq3A_1796 = arith.constant 13 : i32
        %eq3A_1797 = vector.broadcast %eq3A_1796 : i32 to vector<16xi32>
        %eq3A_1798 = arith.cmpi eq, %iota3A, %eq3A_1797 : vector<16xi32>
        %reduce_sum3A_1799 = arith.constant true
        %reduce_sum3A_1800 = vector.broadcast %reduce_sum3A_1799 : i1 to vector<16xi1>
        %reduce_sum3A_1801 = tpu.scan <sum>, %add3A_1795 masked %reduce_sum3A_1800 : vector<16xf32>, vector<16xi1> -> vector<16xf32>
        %reduce_sum3A_1802 = vector.extract %reduce_sum3A_1801[15] : f32 from vector<16xf32>
        %broadcast_in_dim3A_1803 = vector.broadcast %reduce_sum3A_1802 : f32 to vector<16xf32>
        %select_n3A_1804 = arith.select %eq3A_1798, %broadcast_in_dim3A_1803, %select_n3A_1774 : vector<16xi1>, vector<16xf32>
        %add3A_1805 = arith.constant 14 : i32
        %add3A_1806 = arith.addi %mul3A_1377, %add3A_1805 : i32
        %get3A_1807 = arith.index_cast %add3A_1806 : i32 to index
        %get3A_1808 = arith.constant 0 : index
        %get3A_1809 = tpu.vector_load %arg13[%get3A_1807, %get3A_1808] {strides = array<i32>} : memref<400x64xf32, #tpu.memory_space<vmem>>, vector<16xf32>,
        %get3A_1810 = arith.index_cast %add3A_1806 : i32 to index
        %get3A_1811 = arith.constant 16 : index
        %get3A_1812 = tpu.vector_load %arg13[%get3A_1810, %get3A_1811] {strides = array<i32>} : memref<400x64xf32, #tpu.memory_space<vmem>>, vector<16xf32>,
        %get3A_1813 = arith.index_cast %add3A_1806 : i32 to index
        %get3A_1814 = arith.constant 32 : index
        %get3A_1815 = tpu.vector_load %arg13[%get3A_1813, %get3A_1814] {strides = array<i32>} : memref<400x64xf32, #tpu.memory_space<vmem>>, vector<16xf32>,
        %get3A_1816 = arith.index_cast %add3A_1806 : i32 to index
        %get3A_1817 = arith.constant 48 : index
        %get3A_1818 = tpu.vector_load %arg13[%get3A_1816, %get3A_1817] {strides = array<i32>} : memref<400x64xf32, #tpu.memory_space<vmem>>, vector<16xf32>,
        %mul3A_1819 = arith.mulf %get3A_1809, %get3A_719 : vector<16xf32>
        %mul3A_1820 = arith.mulf %get3A_1812, %get3A_722 : vector<16xf32>
        %add3A_1821 = arith.addf %mul3A_1819, %mul3A_1820 : vector<16xf32>
        %mul3A_1822 = arith.mulf %get3A_1815, %get3A_725 : vector<16xf32>
        %add3A_1823 = arith.addf %add3A_1821, %mul3A_1822 : vector<16xf32>
        %mul3A_1824 = arith.mulf %get3A_1818, %get3A_728 : vector<16xf32>
        %add3A_1825 = arith.addf %add3A_1823, %mul3A_1824 : vector<16xf32>
        %eq3A_1826 = arith.constant 14 : i32
        %eq3A_1827 = vector.broadcast %eq3A_1826 : i32 to vector<16xi32>
        %eq3A_1828 = arith.cmpi eq, %iota3A, %eq3A_1827 : vector<16xi32>
        %reduce_sum3A_1829 = arith.constant true
        %reduce_sum3A_1830 = vector.broadcast %reduce_sum3A_1829 : i1 to vector<16xi1>
        %reduce_sum3A_1831 = tpu.scan <sum>, %add3A_1825 masked %reduce_sum3A_1830 : vector<16xf32>, vector<16xi1> -> vector<16xf32>
        %reduce_sum3A_1832 = vector.extract %reduce_sum3A_1831[15] : f32 from vector<16xf32>
        %broadcast_in_dim3A_1833 = vector.broadcast %reduce_sum3A_1832 : f32 to vector<16xf32>
        %select_n3A_1834 = arith.select %eq3A_1828, %broadcast_in_dim3A_1833, %select_n3A_1804 : vector<16xi1>, vector<16xf32>
        %add3A_1835 = arith.constant 15 : i32
        %add3A_1836 = arith.addi %mul3A_1377, %add3A_1835 : i32
        %get3A_1837 = arith.index_cast %add3A_1836 : i32 to index
        %get3A_1838 = arith.constant 0 : index
        %get3A_1839 = tpu.vector_load %arg13[%get3A_1837, %get3A_1838] {strides = array<i32>} : memref<400x64xf32, #tpu.memory_space<vmem>>, vector<16xf32>,
        %get3A_1840 = arith.index_cast %add3A_1836 : i32 to index
        %get3A_1841 = arith.constant 16 : index
        %get3A_1842 = tpu.vector_load %arg13[%get3A_1840, %get3A_1841] {strides = array<i32>} : memref<400x64xf32, #tpu.memory_space<vmem>>, vector<16xf32>,
        %get3A_1843 = arith.index_cast %add3A_1836 : i32 to index
        %get3A_1844 = arith.constant 32 : index
        %get3A_1845 = tpu.vector_load %arg13[%get3A_1843, %get3A_1844] {strides = array<i32>} : memref<400x64xf32, #tpu.memory_space<vmem>>, vector<16xf32>,
        %get3A_1846 = arith.index_cast %add3A_1836 : i32 to index
        %get3A_1847 = arith.constant 48 : index
        %get3A_1848 = tpu.vector_load %arg13[%get3A_1846, %get3A_1847] {strides = array<i32>} : memref<400x64xf32, #tpu.memory_space<vmem>>, vector<16xf32>,
        %mul3A_1849 = arith.mulf %get3A_1839, %get3A_719 : vector<16xf32>
        %mul3A_1850 = arith.mulf %get3A_1842, %get3A_722 : vector<16xf32>
        %add3A_1851 = arith.addf %mul3A_1849, %mul3A_1850 : vector<16xf32>
        %mul3A_1852 = arith.mulf %get3A_1845, %get3A_725 : vector<16xf32>
        %add3A_1853 = arith.addf %add3A_1851, %mul3A_1852 : vector<16xf32>
        %mul3A_1854 = arith.mulf %get3A_1848, %get3A_728 : vector<16xf32>
        %add3A_1855 = arith.addf %add3A_1853, %mul3A_1854 : vector<16xf32>
        %eq3A_1856 = arith.constant 15 : i32
        %eq3A_1857 = vector.broadcast %eq3A_1856 : i32 to vector<16xi32>
        %eq3A_1858 = arith.cmpi eq, %iota3A, %eq3A_1857 : vector<16xi32>
        %reduce_sum3A_1859 = arith.constant true
        %reduce_sum3A_1860 = vector.broadcast %reduce_sum3A_1859 : i1 to vector<16xi1>
        %reduce_sum3A_1861 = tpu.scan <sum>, %add3A_1855 masked %reduce_sum3A_1860 : vector<16xf32>, vector<16xi1> -> vector<16xf32>
        %reduce_sum3A_1862 = vector.extract %reduce_sum3A_1861[15] : f32 from vector<16xf32>
        %broadcast_in_dim3A_1863 = vector.broadcast %reduce_sum3A_1862 : f32 to vector<16xf32>
        %select_n3A_1864 = arith.select %eq3A_1858, %broadcast_in_dim3A_1863, %select_n3A_1834 : vector<16xi1>, vector<16xf32>
        %swap3A_1865 = arith.index_cast %add3A_1382 : i32 to index
        %swap3A_1866 = tpu.vector_load %arg15[%swap3A_1865] {strides = array<i32>} : memref<12816xf32, #tpu.memory_space<vmem>>, vector<16xf32>,
        tpu.vector_store %arg15[%swap3A_1865], %select_n3A_1864 {strides = array<i32>} : memref<12816xf32, #tpu.memory_space<vmem>>, vector<16xf32>,
      }
      %scan3A_1374 = arith.constant 25 : i32
    }
    %scan3A_31 = arith.constant 16 : i32
    %mul3A_32 = arith.constant 640 : i32
    %mul3A_33 = arith.muli %add3A, %mul3A_32 : i32
    "tpu.region"() ({
      %run_scoped3A = tpu.sem_alloc : memref<!tpu.dma_semaphore, #tpu.memory_space<semaphore_mem>>
      %dma_start3A_36 = arith.constant 0 : i32
      %dma_start3A_37 = tpu.memref_slice %arg14[%dma_start3A_36] : memref<656xf32, #tpu.memory_space<vmem>> -> memref<640xf32, #tpu.memory_space<vmem>>
      %dma_start3A_38 = tpu.memref_slice %arg6[%mul3A_33] : memref<20480xf32, #tpu.memory_space<hbm>> -> memref<640xf32, #tpu.memory_space<hbm>>
      %dma_start3A_39 = tpu.memref_slice %arg6[%mul3A_33] : memref<20480xf32, #tpu.memory_space<hbm>> -> memref<640xf32, #tpu.memory_space<hbm>>
      %dma_start3A_40 = arith.constant 0 : i32
      %dma_start3A_41 = tpu.memref_slice %arg14[%dma_start3A_40] : memref<656xf32, #tpu.memory_space<vmem>> -> memref<640xf32, #tpu.memory_space<vmem>>
      tpu.enqueue_dma source(%dma_start3A_41 : memref<640xf32, #tpu.memory_space<vmem>>) target(%dma_start3A_39 : memref<640xf32, #tpu.memory_space<hbm>>) target_semaphore(%run_scoped3A : memref<!tpu.dma_semaphore, #tpu.memory_space<semaphore_mem>>)
      %dma_wait3A_42 = arith.constant 0 : i32
      %dma_wait3A_43 = tpu.memref_slice %arg14[%dma_wait3A_42] : memref<656xf32, #tpu.memory_space<vmem>> -> memref<640xf32, #tpu.memory_space<vmem>>
      %dma_wait3A_44 = tpu.memref_slice %arg6[%mul3A_33] : memref<20480xf32, #tpu.memory_space<hbm>> -> memref<640xf32, #tpu.memory_space<hbm>>
      %dma_wait3A_45 = tpu.memref_slice %arg6[%mul3A_33] : memref<20480xf32, #tpu.memory_space<hbm>> -> memref<640xf32, #tpu.memory_space<hbm>>
      %dma_wait3A_46 = arith.constant 0 : i32
      %dma_wait3A_47 = tpu.memref_slice %arg14[%dma_wait3A_46] : memref<656xf32, #tpu.memory_space<vmem>> -> memref<640xf32, #tpu.memory_space<vmem>>
      tpu.wait_dma2 semaphore(%run_scoped3A : memref<!tpu.dma_semaphore, #tpu.memory_space<semaphore_mem>>) src(%dma_wait3A_47 : memref<640xf32, #tpu.memory_space<vmem>>) dst(%dma_wait3A_45 : memref<640xf32, #tpu.memory_space<hbm>>)
      tpu.yield
    }) : () -> ()
    %mul3A_34 = arith.constant 12800 : i32
    %mul3A_35 = arith.muli %add3A, %mul3A_34 : i32
    "tpu.region"() ({
      %run_scoped3A = tpu.sem_alloc : memref<!tpu.dma_semaphore, #tpu.memory_space<semaphore_mem>>
      %dma_start3A_36 = arith.constant 0 : i32
      %dma_start3A_37 = tpu.memref_slice %arg15[%dma_start3A_36] : memref<12816xf32, #tpu.memory_space<vmem>> -> memref<12800xf32, #tpu.memory_space<vmem>>
      %dma_start3A_38 = tpu.memref_slice %arg7[%mul3A_35] : memref<409600xf32, #tpu.memory_space<hbm>> -> memref<12800xf32, #tpu.memory_space<hbm>>
      %dma_start3A_39 = tpu.memref_slice %arg7[%mul3A_35] : memref<409600xf32, #tpu.memory_space<hbm>> -> memref<12800xf32, #tpu.memory_space<hbm>>
      %dma_start3A_40 = arith.constant 0 : i32
      %dma_start3A_41 = tpu.memref_slice %arg15[%dma_start3A_40] : memref<12816xf32, #tpu.memory_space<vmem>> -> memref<12800xf32, #tpu.memory_space<vmem>>
      tpu.enqueue_dma source(%dma_start3A_41 : memref<12800xf32, #tpu.memory_space<vmem>>) target(%dma_start3A_39 : memref<12800xf32, #tpu.memory_space<hbm>>) target_semaphore(%run_scoped3A : memref<!tpu.dma_semaphore, #tpu.memory_space<semaphore_mem>>)
      %dma_wait3A_42 = arith.constant 0 : i32
      %dma_wait3A_43 = tpu.memref_slice %arg15[%dma_wait3A_42] : memref<12816xf32, #tpu.memory_space<vmem>> -> memref<12800xf32, #tpu.memory_space<vmem>>
      %dma_wait3A_44 = tpu.memref_slice %arg7[%mul3A_35] : memref<409600xf32, #tpu.memory_space<hbm>> -> memref<12800xf32, #tpu.memory_space<hbm>>
      %dma_wait3A_45 = tpu.memref_slice %arg7[%mul3A_35] : memref<409600xf32, #tpu.memory_space<hbm>> -> memref<12800xf32, #tpu.memory_space<hbm>>
      %dma_wait3A_46 = arith.constant 0 : i32
      %dma_wait3A_47 = tpu.memref_slice %arg15[%dma_wait3A_46] : memref<12816xf32, #tpu.memory_space<vmem>> -> memref<12800xf32, #tpu.memory_space<vmem>>
      tpu.wait_dma2 semaphore(%run_scoped3A : memref<!tpu.dma_semaphore, #tpu.memory_space<semaphore_mem>>) src(%dma_wait3A_47 : memref<12800xf32, #tpu.memory_space<vmem>>) dst(%dma_wait3A_45 : memref<12800xf32, #tpu.memory_space<hbm>>)
      tpu.yield
    }) : () -> ()
    return
  }
}

module attributes {stable_mosaic.version = 14 : i64} {
  func.func @body(%arg0: memref<160x128xf32, #tpu.memory_space<vmem>>, %arg1: memref<3200x128xf32, #tpu.memory_space<vmem>>, %arg2: memref<1x1xf32, #tpu.memory_space<vmem>>) attributes {dimension_semantics = [], scalar_prefetch = 0 : i64, scratch_operands = 0 : i64, tpu.core_type = #tpu.core_type<tc>} {
    %get3A = arith.constant 0 : index
    %get3A_0 = arith.constant 0 : index
    %get3A_1 = vector.load %arg0[%get3A, %get3A_0] : memref<160x128xf32, #tpu.memory_space<vmem>>, vector<160x128xf32>
    %min3A = arith.constant 0.000000e+00 : f32
    %min3A_2 = vector.broadcast %min3A : f32 to vector<160x128xf32>
    %min3A_3 = arith.minimumf %get3A_1, %min3A_2 : vector<160x128xf32>
    %abs3A = math.absf %get3A_1 : vector<160x128xf32>
    %neg3A = arith.constant 0.000000e+00 : f32
    %neg3A_4 = vector.broadcast %neg3A : f32 to vector<160x128xf32>
    %neg3A_5 = arith.subf %neg3A_4, %abs3A : vector<160x128xf32>
    %exp3A = math.exp %neg3A_5 : vector<160x128xf32>
    %log1p3A = math.log1p %exp3A : vector<160x128xf32>
    %sub3A = arith.subf %min3A_3, %log1p3A : vector<160x128xf32>
    %reduce_sum3A = vector.shape_cast %sub3A : vector<160x128xf32> to vector<1x160x128xf32>
    %reduce_sum3A_6 = arith.constant dense<0.000000e+00> : vector<1xf32>
    %reduce_sum3A_7 = vector.multi_reduction <add>, %reduce_sum3A, %reduce_sum3A_6 [1, 2] : vector<1x160x128xf32> to vector<1xf32>
    %reduce_sum3A_8 = vector.shape_cast %reduce_sum3A_7 : vector<1xf32> to vector<1x1x1xf32>
    %reduce_sum3A_9 = vector.extract %reduce_sum3A_8[0, 0, 0] : f32 from vector<1x1x1xf32>
    %get3A_10 = arith.constant 0 : index
    %get3A_11 = arith.constant 0 : index
    %get3A_12 = vector.load %arg1[%get3A_10, %get3A_11] : memref<3200x128xf32, #tpu.memory_space<vmem>>, vector<3200x128xf32>
    %neg3A_13 = arith.constant 0.000000e+00 : f32
    %neg3A_14 = vector.broadcast %neg3A_13 : f32 to vector<3200x128xf32>
    %neg3A_15 = arith.subf %neg3A_14, %get3A_12 : vector<3200x128xf32>
    %min3A_16 = arith.constant 0.000000e+00 : f32
    %min3A_17 = vector.broadcast %min3A_16 : f32 to vector<3200x128xf32>
    %min3A_18 = arith.minimumf %neg3A_15, %min3A_17 : vector<3200x128xf32>
    %abs3A_19 = math.absf %neg3A_15 : vector<3200x128xf32>
    %neg3A_20 = arith.constant 0.000000e+00 : f32
    %neg3A_21 = vector.broadcast %neg3A_20 : f32 to vector<3200x128xf32>
    %neg3A_22 = arith.subf %neg3A_21, %abs3A_19 : vector<3200x128xf32>
    %exp3A_23 = math.exp %neg3A_22 : vector<3200x128xf32>
    %log1p3A_24 = math.log1p %exp3A_23 : vector<3200x128xf32>
    %sub3A_25 = arith.subf %min3A_18, %log1p3A_24 : vector<3200x128xf32>
    %reduce_sum3A_26 = vector.shape_cast %sub3A_25 : vector<3200x128xf32> to vector<1x3200x128xf32>
    %reduce_sum3A_27 = arith.constant dense<0.000000e+00> : vector<1xf32>
    %reduce_sum3A_28 = vector.multi_reduction <add>, %reduce_sum3A_26, %reduce_sum3A_27 [1, 2] : vector<1x3200x128xf32> to vector<1xf32>
    %reduce_sum3A_29 = vector.shape_cast %reduce_sum3A_28 : vector<1xf32> to vector<1x1x1xf32>
    %reduce_sum3A_30 = vector.extract %reduce_sum3A_29[0, 0, 0] : f32 from vector<1x1x1xf32>
    %add3A = arith.addf %reduce_sum3A_9, %reduce_sum3A_30 : f32
    %broadcast_in_dim3A = vector.broadcast %add3A : f32 to vector<1x1xf32>
    %mul3A = arith.constant -4.88281257E-5 : f32
    %mul3A_31 = vector.broadcast %mul3A : f32 to vector<1x1xf32>
    %mul3A_32 = arith.mulf %mul3A_31, %broadcast_in_dim3A : vector<1x1xf32>
    %swap3A = arith.constant 0 : index
    %swap3A_33 = arith.constant 0 : index
    %swap3A_34 = vector.load %arg2[%swap3A, %swap3A_33] : memref<1x1xf32, #tpu.memory_space<vmem>>, vector<1x1xf32>
    tpu.vector_store %arg2[%swap3A, %swap3A_33], %mul3A_32 {strides = array<i32>} : memref<1x1xf32, #tpu.memory_space<vmem>>, vector<1x1xf32>,
    return
  }
}

</mosaic_0001>

<sc_bundles>
// kernel: kernel.4.cloned.1.call-start
scs
__scs_entry_jumppad:
0x0: {  	(pc) =	sbr.rel $0x88, $3  }
0x1: {  	(tag) =	ssettag $0x0;
	lr =	simm.s32 $0x1  }
0x2: {  	[smem:$0x3F9C] =	sst lr;
	_ =	strace $0xD0000000  }
0x3: {  	_ = 	snop  }
0x4: {  	_ = 	snop  }
0x5: {  	_ = 	snop  }
0x6: {  	_ = 	snop  }
0x7: {  	_ = 	snop  }
__scs_overlays_trampoline_lowered:
0x8: {  	[smem:$0x3FAB] =	sst s0  }
0x9: {  	[smem:$0x3FAC] =	sst s1  }
0xa: {  	[smem:$0x3FAD] =	sst s2  }
0xb: {  	[smem:$0x3FAE] =	sst s3  }
0xc: {  	[smem:$0x3FAF] =	sst s4  }
0xd: {  	[smem:$0x3FB0] =	sst s5  }
0xe: {  	[smem:$0x3FB1] =	sst s6  }
0xf: {  	[smem:$0x3FB2] =	sst s7  }
0x10: {  	[smem:$0x3FB3] =	sst s8  }
0x11: {  	[smem:$0x3FB4] =	sst s9;
	s0 =	simm.s32 @!p0 $0x0  }
0x12: {  	s1 =	sld [smem:$0x3F9A];
	s0 =	simm.s32 @p0 $0x1  }
0x13: {  	[smem:$0x3FB5] =	sst s0;
	s0 =	simm.s32 @!p1 $0x0  }
0x14: {  	s2 =	sld [smem:$0x3F99];
	s0 =	simm.s32 @p1 $0x1  }
0x15: {  	[smem:$0x3FB6] =	sst s0;
	s0 =	simm.s32 @!p2 $0x0  }
0x16: {  	s3 =	sld [smem:$0x3FDB];
	s0 =	simm.s32 @p2 $0x1  }
0x17: {  	s4 =	simm.s32 $0x1BF5;
	[smem:$0x3FB8] =	sst s0  }
0x18: {  	s0 =	sld [smem:$0x3F9B];
	_ =	swait.ge [sflag:s4], $0x0  }
0x19: {  	s7 =	sld [smem:$0x3F9C]  }
0x1a: {  	s8 =	sadd.s32 $0xFFFFE003, lr  }
0x1b: {  	s9 =	sadd.s32 $0xFFFFFEF7, lr;
	s5 =	simm.s32 $0xFFFFFFFF;
	p2 =	slt.u32 s8, $0xFFFFF086  }
0x1c: {  	p1 =	slt.u32 s9, $0xF7A;
	s5 =	simm.s32 @!p2 $0x0  }
0x1d: {  	s5 =	simm.s32 @p1 $0x1;
	p0 =	seq.s32 s7, s2  }
0x1e: {  	s7 =	smul.u32 @!p0 $0xF7A, s2;
	p2 =	seq.s32 @!p0 s5, $0x0  }
0x1f: {  	s9 =	smul.u32 $0xF7A, s1;
	s8 =	simm.s32 @!p0 $0x1BF5;
	p2 =	por !p2, p0  }
0x20: {  	[sflag:s8] =	ssyncset.s32 @!p0 $0xFFFFF086;
	s6 =	sadd.s32 @!p0 s3, s7;
	s7 =	simm.s32 @!p0 $0x108  }
0x21: {  	s3 =	sadd.s32 s3, s9;
	s6 =	sadd.s32 @!p0 $0x88, s6;
	s7 =	simm.s32 @p2 $0x1082  }
0x22: {  	[simem:s7], [sflag:s8] =	dma.local @!p0 [hbm:s6], $0xF7A  }
0x23: {  	s9 =	sor.u32 $0xD0000000, s2;
	s6 =	simm.s32 $0x108;
	_ =	swait.ge @!p0 [sflag:s8], $0x0  }
0x24: {  	s3 =	sadd.s32 $0x88, s3;
	s6 =	simm.s32 @!p1 $0x1082;
	[sflag:s4] =	ssyncset.s32 $0xFFFFF086  }
0x25: {  	[simem:s6], [sflag:s4] =	dma.local [hbm:s3], $0xF7A  }
0x26: {  	[smem:$0x3F9C] =	sst s1;
	(tag) =	ssettag s2;
	_ =	strace s9  }
0x27: {  	s1 =	sld [smem:$0x3FAC]  }
0x28: {  	s2 =	sld [smem:$0x3FAD]  }
0x29: {  	s4 =	sld [smem:$0x3FAF]  }
0x2a: {  	p0 =	seq.s32 s5, $0x0;
	s5 =	sld [smem:$0x3FB0]  }
0x2b: {  	s6 =	sld [smem:$0x3FB1]  }
0x2c: {  	s7 =	sld [smem:$0x3FB2]  }
0x2d: {  	s3 =	simm.s32 $0x108;
	s8 =	sld [smem:$0x3FB3]  }
0x2e: {  	s3 =	simm.s32 @!p0 $0x1082;
	s9 =	sld [smem:$0x3FB4]  }
0x2f: {  	lr =	sadd.s32 s0, s3;
	s0 =	sld [smem:$0x3FAB]  }
0x30: {  	s3 =	sld [smem:$0x3FAE]  }
0x31: {  	[smem:$0x3FB7] =	sst s10  }
0x32: {  	s10 =	sld [smem:$0x3FB5];
	_ =	sdelay $0x3  }
0x33: {  	p0 =	seq.s32 s10, $0x1;
	s10 =	sld [smem:$0x3FB7];
	_ =	sdelay $0x3  }
0x34: {  	[smem:$0x3FB7] =	sst s10  }
0x35: {  	s10 =	sld [smem:$0x3FB6];
	_ =	sdelay $0x3  }
0x36: {  	p1 =	seq.s32 s10, $0x1;
	s10 =	sld [smem:$0x3FB7];
	_ =	sdelay $0x3  }
0x37: {  	[smem:$0x3FB7] =	sst s10  }
0x38: {  	s10 =	sld [smem:$0x3FB8]  }
0x39: {  	_ = 	snop;
	(pc) =	sbr.ind lr, $3  }
0x3a: {  	_ = 	snop  }
0x3b: {  	_ = 	snop  }
0x3c: {  	p2 =	seq.s32 s10, $0x1;
	s10 =	sld [smem:$0x3FB7]  }
0x3d: {  	_ =	shalt  }
0x3e: {  	_ =	shalt  }
0x3f: {  	_ =	shalt  }
0x40: {  	_ =	shalt  }
0x41: {  	_ =	shalt  }
0x42: {  	_ =	shalt  }
0x43: {  	_ =	shalt  }
0x44: {  	_ =	shalt  }
0x45: {  	_ =	shalt  }
0x46: {  	_ =	shalt  }
0x47: {  	_ =	shalt  }
0x48: {  	_ =	shalt  }
0x49: {  	_ =	shalt  }
0x4a: {  	_ =	shalt  }
0x4b: {  	_ =	shalt  }
0x4c: {  	_ =	shalt  }
0x4d: {  	_ =	shalt  }
0x4e: {  	_ =	shalt  }
0x4f: {  	_ =	shalt  }
0x50: {  	_ =	shalt  }
0x51: {  	_ =	shalt  }
0x52: {  	_ =	shalt  }
0x53: {  	_ =	shalt  }
0x54: {  	_ =	shalt  }
0x55: {  	_ =	shalt  }
0x56: {  	_ =	shalt  }
0x57: {  	_ =	shalt  }
0x58: {  	_ =	shalt  }
0x59: {  	_ =	shalt  }
0x5a: {  	_ =	shalt  }
0x5b: {  	_ =	shalt  }
0x5c: {  	_ =	shalt  }
0x5d: {  	_ =	shalt  }
0x5e: {  	_ =	shalt  }
0x5f: {  	_ =	shalt  }
0x60: {  	_ =	shalt  }
0x61: {  	_ =	shalt  }
0x62: {  	_ =	shalt  }
0x63: {  	_ =	shalt  }
0x64: {  	_ =	shalt  }
0x65: {  	_ =	shalt  }
0x66: {  	_ =	shalt  }
0x67: {  	_ =	shalt  }
0x68: {  	_ =	shalt  }
0x69: {  	_ =	shalt  }
0x6a: {  	_ =	shalt  }
0x6b: {  	_ =	shalt  }
0x6c: {  	_ =	shalt  }
0x6d: {  	_ =	shalt  }
0x6e: {  	_ =	shalt  }
0x6f: {  	_ =	shalt  }
0x70: {  	_ =	shalt  }
0x71: {  	_ =	shalt  }
0x72: {  	_ =	shalt  }
0x73: {  	_ =	shalt  }
0x74: {  	_ =	shalt  }
0x75: {  	_ =	shalt  }
0x76: {  	_ =	shalt  }
0x77: {  	_ =	shalt  }
0x78: {  	_ =	shalt  }
0x79: {  	_ =	shalt  }
0x7a: {  	_ =	shalt  }
0x7b: {  	_ =	shalt  }
0x7c: {  	_ =	shalt  }
0x7d: {  	_ =	shalt  }
0x7e: {  	_ =	shalt  }
0x7f: {  	_ =	shalt  }
0x80: {  	_ =	shalt  }
0x81: {  	_ =	shalt  }
0x82: {  	_ =	shalt  }
0x83: {  	_ =	shalt  }
0x84: {  	_ =	shalt  }
0x85: {  	_ =	shalt  }
0x86: {  	_ =	shalt  }
0x87: {  	_ =	shalt  }
.Lfunc_end0:
.L_simem_size_0:
called_computation_lowered:
.L_overlay_start_0:
0x88: {  	s2 =	sld [smem:$0x3FD9]  }
0x89: {  	s3 =	sld [smem:$0x3FFE];
	_ =	sdelay $0x1  }
0x8a: {  	s1 =	srdreg.scid  }
0x8b: {  	s0 =	sand.u32 $0x1, s1  }
0x8c: {  	s16 =	sshll.u32 s0, $0xA;
	s2 =	sadd.s32 s3, s2  }
0x8d: {  	s2 =	sadd.s32 s2, s16  }
0x8e: {  	[smem:$0x3FC3] =	sst s2  }
0x8f: {  	_ = 	snop  }
0x90: {  	(tm) =	ssettm $0x1  }
0x91: {  	s17 =	sld [smem:$0x3FFB];
	_ =	sdelay $0x3  }
0x92: {  	_ =	strace s17  }
0x93: {  	s2 =	sld [smem:$0x3FFC];
	_ =	sdelay $0x3  }
0x94: {  	_ =	strace s2  }
0x95: {  	s2 =	sld [smem:$0x3FFD];
	_ =	sdelay $0x3  }
0x96: {  	_ =	strace s2  }
0x97: {  	_ =	strace $0x8FFFFFFF  }
0x98: {  	s18 =	sld [smem:$0x3FDB];
	_ =	sdelay $0x1  }
0x99: {  	s19 =	simm.s32 $_scs_section_size  }
0x9a: {  	s4 =	simm.s32 $_size__tile_overlayer_lowered;
	s5 =	simm.s32 $_tile_overlayer_lowered  }
0x9b: {  	s22 =	simm.s32 $0x1BFF;
	s21 =	sshll.u32 s5, $0x1;
	s2 =	sadd.s32 s19, s18  }
0x9c: {  	s6 =	simm.s32 $0x0;
	s20 =	sshll.u32 s4, $0x1;
	s4 =	sadd.s32 s21, s2  }
0x9d: {  	[timem:s6], [sflag:s22] =	dma.local [hbm:s4], s20  }
0x9e: {  	_ =	swait.ge [sflag:s22], s20  }
0x9f: {  	s3 =	ssub.s32 $0x0, s20;
	[sflag:s22] =	ssyncset.done $0x0  }
0xa0: {  	[sflag:s22] =	ssyncadd.s32 s3;
	_ =	sdelay $0x1  }
0xa1: {  	s23 =	simm.s32 $0x1B8B  }
0xa2: {  	_ =	swait.ge [sflag:s23], $0x1  }
0xa3: {  	[sflag:s23] =	ssyncset.done $0x0  }
0xa4: {  	s25 =	simm.s32 $0x1B8E;
	s24 =	sld [smem:$0x3FFE];
	[sflag:s23] =	ssyncadd.s32 $0xFFFFFFFF  }
0xa5: {  	s26 =	simm.s32 $execute0_lowered;
	[smem:$0x3FD2] =	sst s25  }
0xa6: {  	s4 =	sshll.u32 s26, $0x1;
	_ =	strace $0x80000046;
	[dreg:$0x1] =	wrdreg $0xFFFFFFFF  }
0xa7: {  	s28 =	simm.s32 $_size_execute0_lowered;
	s2 =	sadd.s32 s2, s4;
	[dreg:$0x0] =	wrdreg $0x0  }
0xa8: {  	s4 =	sshll.u32 s28, $0x1;
	[dreg:$0x2] =	wrdreg s2  }
0xa9: {  	[dreg:$0x3] =	wrdreg s4  }
0xaa: {  	[dreg:$0x4] =	wrdreg $0xC0  }
0xab: {  	_ =	task [dreg:s6], $0x5FFFF  }
0xac: {  	[dreg:$0x1] =	wrdreg $0xFFFFFFFF  }
0xad: {  	[dreg:$0x0] =	wrdreg $0x60  }
0xae: {  	[dreg:$0x2] =	wrdreg s24  }
0xaf: {  	[dreg:$0x3] =	wrdreg $0x9  }
0xb0: {  	_ =	task.clear_ibuf [dreg:s6], $0x4FFFF;
	_ =	strace $0x90000046  }
0xb1: {  	s29 =	simm.s32 $0x9;
	_ =	strace $0x80000048  }
0xb2: {  	_ =	swait.ge [sflag:s29], $0x1  }
0xb3: {  	[sflag:s29] =	ssyncadd.s32 $0xFFFFFFFF  }
0xb4: {  	_ =	strace $0x90000048  }
0xb5: {  	_ =	sfence  }
0xb6: {  	s30 =	sld [smem:$0x0];
	_ =	sdelay $0x2  }
0xb7: {  	s31 =	sshll.u32 s1, $0xD;
	s1 =	sshrl.u32 s1, $0x2  }
0xb8: {  	s3 =	sand.u32 $0x4000, s31;
	s1 =	sadd.s32 s1, s30  }
0xb9: {  	s0 =	sor.u32 s3, s0;
	s1 =	sshll.u32 s1, $0x11  }
0xba: {  	s0 =	sor.u32 s1, s0  }
0xbb: {  	s0 =	sadd.s32 $0x8F2B, s0  }
0xbc: {  	[sflag:s0] =	ssyncadd.remote.s32 $0x1  }
0xbd: {  	_ =	sfence.sel $0xFFFF  }
0xbe: {  	[dreg:$0x0] =	wrdreg $0xFFFFFFFF;
	(pc) =	sbr.abs _section_cstart, $3  }
0xbf: {  	[dreg:$0x1] =	wrdreg $0xFFFFFFFF  }
0xc0: {  	_ =	task.clear_ibuf [dreg:s6], $0x2FFFF;
	_ =	strace $0x9FFFFFFF  }
0xc1: {  	(tm) =	ssettm $0x7FFFFFFF  }
tec
execute0_lowered:
.L_overlay_start_1:
0x0: {  	(tag) =	ssettag $0x1  }
0x1: {  	s0 =	rddreg [dreg:$0x0]  }
0x2: {  	s1 =	srdreg.scid;
	s3 =	stileid.u32  }
0x3: {  	s2 =	simm.s32 $0x0;
	s10 =	simm.s32 $0x280;
	s11 =	simm.s32 $0x6  }
0x4: {  	s12 =	simm.s32 $0xC8;
	s17 =	simm.s32 $0x3C80;
	s18 =	simm.s32 $0x1  }
0x5: {  	s19 =	simm.s32 $0x14080;
	s20 =	simm.s32 $0x17280;
	s21 =	simm.s32 $0x2  }
0x6: {  	s22 =	simm.s32 $0x3;
	s23 =	simm.s32 $0x4;
	s24 =	simm.s32 $0x5  }
0x7: {  	s25 =	simm.s32 $0x1A480;
	s1 =	sand.u32 $0x1, s1;
	s3 =	sshll.u32 s3, $0x1  }
0x8: {  	s26 =	simm.s32 $0x1A710;
	[smem:$0x7FF] =	sst s2;
	s3 =	sor.u32 s1, s3  }
0x9: {  	s28 =	simm.s32 $0x0;
	_ =	strace $0x80000047;
	s4 =	smul.u32 $0x50, s3  }
0xa: {  	vm0 =	vmmov $0x1;
	vm1 =	vmmov $0x3;
	vm2 =	vmmov $0x7;
	s1 =	ssub.s32 $0x2, s1;
	s5 =	sshll.u32 s3, $0x8;
	s6 =	smul.u32 $0x640, s3  }
0xb: {  	vm3 =	vmmov $0xf;
	vm4 =	vmmov $0x1f;
	vm5 =	vmmov $0x3f;
	s3 =	sadd.s32 $0x189C00, s0;
	s31 =	sshrl.u32 s1, $0x1;
	s7 =	sadd.s32 s5, s0  }
0xc: {  	vm6 =	vmmov $0x7f;
	vm7 =	vmmov $0xff;
	vm8 =	vmmov $0x1ff;
	s1 =	ssub.s32 s1, s31;
	s8 =	sadd.s32 s4, s0;
	s0 =	sadd.s32 s6, s0  }
0xd: {  	vm9 =	vmmov $0x3ff;
	vm10 =	vmmov $0x7ff;
	vm11 =	vmmov $0xfff;
	s6 =	sadd.s32 $0x1200, s7;
	s9 =	smax.u32 s1, $0x1;
	s4 =	sadd.s32 $0x3C00, s0  }
0xe: {  	vm12 =	vmmov $0x1fff;
	vm13 =	vmmov $0x3fff;
	vm14 =	vmmov $0x7fff;
	s5 =	sadd.s32 $0x3200, s8;
	s7 =	sadd.s32 $0x1CC00, s8;
	s8 =	sadd.s32 $0x10400, s0  }
.LBB2_1:
0xf: {  	[tilespmem:s10], [sflag:$0x6] =	stream.linear.gather [hbm4b:s4+s2], $0x3200, $0x38;
	[tilespmem:$0x1D920] =	vst v63  }
0x10: {  	_ =	swait.ge [sflag:s11], $0x3200  }
0x11: {  	[sflag:s11] =	ssyncset.done $0x0  }
0x12: {  	s0 =	simm.s32 $0xDC80;
	[sflag:s11] =	ssyncadd.s32 $0xFFFFCE00  }
0x13: {  	[tilespmem:s0], [sflag:$0x2] =	stream.indirect.gather [hbm4b:s3+s12], $0x40, s10, s12, $0xb8;
	[tilespmem:$0x1D920] =	vst v63  }
0x14: {  	s15 =	simm.s32 $0x348;
	s1 =	simm.s32 $0x10E80  }
0x15: {  	[tilespmem:s1], [sflag:$0x3] =	stream.indirect.gather [hbm4b:s3+s12], $0x40, s15, s12, $0xb8;
	[tilespmem:$0x1D920] =	vst v63  }
0x16: {  	_ = 	snop  }
0x17: {  	[tilespmem:s2], [sflag:$0x6] =	stream.linear.gather [hbm4b:s5+s2], $0x280, $0x38;
	[tilespmem:$0x1D920] =	vst v63  }
0x18: {  	_ =	swait.ge [sflag:s11], $0x280  }
0x19: {  	[sflag:s11] =	ssyncset.done $0x0  }
0x1a: {  	s16 =	simm.s32 $0x3480;
	[sflag:s11] =	ssyncadd.s32 $0xFFFFFD80  }
0x1b: {  	[tilespmem:s16], [sflag:$0x6] =	stream.linear.gather [hbm4b:s6+s2], $0x800, $0x38;
	[tilespmem:$0x1D920] =	vst v63  }
0x1c: {  	_ =	swait.ge [sflag:s11], $0x800  }
0x1d: {  	[sflag:s11] =	ssyncset.done $0x0  }
0x1e: {  	[sflag:s11] =	ssyncadd.s32 $0xFFFFF800  }
0x1f: {  	[tilespmem:s17], [sflag:$0x1] =	stream.indirect.gather [hbm4b:s3+s10], $0x40, s2, s10, $0xb8;
	[tilespmem:$0x1D920] =	vst v63  }
0x20: {  	_ =	swait.ge [sflag:s18], $0xA000  }
0x21: {  	s29 =	simm.s32 $0x1A8A0;
	[sflag:s18] =	ssyncset.done $0x0  }
0x22: {  	s30 =	simm.s32 $0x1A710;
	s31 =	simm.s32 $0x0;
	[sflag:s18] =	ssyncadd.s32 $0xFFFF6000  }
.LBB2_2:
0x23: {  	s0 =	sshllo.u32 s31, $0x1  }
0x24: {  	s1 =	smul.u32 $0x190, s0;
	_ =	sdelay $0x1  }
0x25: {  	s13 =	sadd.s32 $0x280, s1  }
0x26: {  	[tilespmem:s19], [sflag:$0x4] =	stream.indirect.gather [hbm4b:s3+s12], $0x40, s13, s12, $0xb8;
	[tilespmem:$0x1D920] =	vst v63  }
0x27: {  	s1 =	sadd.s32 $0x348, s1;
	s13 =	sshll.u32 s31, $0x7  }
0x28: {  	[tilespmem:s20], [sflag:$0x5] =	stream.indirect.gather [hbm4b:s3+s12], $0x40, s1, s12, $0xb8;
	[tilespmem:$0x1D920] =	vst v63  }
0x29: {  	s1 =	sand.u32 $0x3FFFFF80, s13  }
0x2a: {  	v3 =	vld [tilespmem:s1+$0x3480]  }
0x2b: {  	s14 =	smul.u32 $0x2800, s31;
	v2 =	vld [tilespmem:s1+$0x3490]  }
0x2c: {  	v1 =	vld [tilespmem:s1+$0x34A0]  }
0x2d: {  	s15 =	sshra.s32 s14, $0x2;
	v0 =	vld [tilespmem:s1+$0x34B0]  }
0x2e: {  	v4 =	vld [tilespmem:s15+$0x3C80]  }
0x2f: {  	v5 =	vld [tilespmem:s15+$0x3C90]  }
0x30: {  	v6 =	vld [tilespmem:s15+$0x3CA0]  }
0x31: {  	v7 =	vld [tilespmem:s15+$0x3CB0]  }
0x32: {  	v8 =	vld [tilespmem:s15+$0x3CC0]  }
0x33: {  	v9 =	vld [tilespmem:s15+$0x3CD0]  }
0x34: {  	v10 =	vld [tilespmem:s15+$0x3CE0]  }
0x35: {  	v11 =	vld [tilespmem:s15+$0x3CF0]  }
0x36: {  	v12 =	vld [tilespmem:s15+$0x3D00]  }
0x37: {  	v13 =	vld [tilespmem:s15+$0x3D10]  }
0x38: {  	v14 =	vld [tilespmem:s15+$0x3D20]  }
0x39: {  	v15 =	vld [tilespmem:s15+$0x3D30]  }
0x3a: {  	v16 =	vld [tilespmem:s15+$0x3D40]  }
0x3b: {  	v17 =	vld [tilespmem:s15+$0x3D50]  }
0x3c: {  	v18 =	vld [tilespmem:s15+$0x3D60]  }
0x3d: {  	v19 =	vld [tilespmem:s15+$0x3D70]  }
0x3e: {  	v20 =	vld [tilespmem:s15+$0x3D80]  }
0x3f: {  	v21 =	vld [tilespmem:s15+$0x3D90]  }
0x40: {  	v22 =	vld [tilespmem:s15+$0x3DA0]  }
0x41: {  	v23 =	vld [tilespmem:s15+$0x3DB0]  }
0x42: {  	v24 =	vld [tilespmem:s15+$0x3DC0]  }
0x43: {  	v25 =	vld [tilespmem:s15+$0x3DD0]  }
0x44: {  	v26 =	vld [tilespmem:s15+$0x3DE0]  }
0x45: {  	v27 =	vld [tilespmem:s15+$0x3DF0]  }
0x46: {  	v28 =	vld [tilespmem:s15+$0x3E00]  }
0x47: {  	v29 =	vld [tilespmem:s15+$0x3E10]  }
0x48: {  	v30 =	vld [tilespmem:s15+$0x3E20]  }
0x49: {  	v31 =	vld [tilespmem:s15+$0x3E30]  }
0x4a: {  	v32 =	vld [tilespmem:s15+$0x3E40]  }
0x4b: {  	v33 =	vld [tilespmem:s15+$0x3E50];
	v4 =	vmul.f32 v4, v3;
	v5 =	vmul.f32 v5, v2  }
0x4c: {  	v35 =	vld [tilespmem:s15+$0x3E70];
	v8 =	vmul.f32 v8, v3;
	v9 =	vmul.f32 v9, v2  }
0x4d: {  	v34 =	vld [tilespmem:s15+$0x3E60];
	v7 =	vmul.f32 v7, v0;
	v11 =	vmul.f32 v11, v0  }
0x4e: {  	v36 =	vld [tilespmem:s15+$0x3E90];
	v19 =	vmul.f32 v19, v0;
	v4 =	vadd.f32 v5, v4;
	v5 =	vmul.f32 v6, v1  }
0x4f: {  	v55 =	vld [tilespmem:s15+$0x3F70];
	v23 =	vmul.f32 v23, v0;
	v8 =	vadd.f32 v9, v8;
	v9 =	vmul.f32 v10, v1  }
0x50: {  	v6 =	vld [tilespmem:s15+$0x3E80];
	v4 =	vadd.f32 v5, v4;
	v5 =	vmul.f32 v12, v3;
	v12 =	vmul.f32 v13, v2  }
0x51: {  	v57 =	vmul.f32 v31, v0;
	v59 =	vmul.f32 v35, v0;
	v10 =	vld [tilespmem:s15+$0x3EB0];
	v8 =	vadd.f32 v9, v8  }
0x52: {  	v13 =	vld [tilespmem:s15+$0x3EA0];
	v9 =	vmul.f32 v16, v3;
	v5 =	vadd.f32 v12, v5;
	v12 =	vmul.f32 v14, v1  }
0x53: {  	v16 =	vmul.f32 v17, v2;
	v17 =	vld [tilespmem:s15+$0x3ED0];
	v4 =	vadd.f32 v7, v4;
	v7 =	vmul.f32 v15, v0  }
0x54: {  	v56 =	vld [tilespmem:s15+$0x3F80];
	v8 =	vadd.f32 v11, v8;
	v11 =	vmul.f32 v18, v1;
	v5 =	vadd.f32 v12, v5  }
0x55: {  	v58 =	vld [tilespmem:s15+$0x3F90];
	v9 =	vadd.f32 v16, v9;
	v16 =	vmul.f32 v21, v2;
	v6 =	vmul.f32 v6, v3  }
0x56: {  	v14 =	vld [tilespmem:s15+$0x3EC0];
	v10 =	vmul.f32 v10, v0;
	v5 =	vadd.f32 v7, v5;
	v7 =	vmul.f32 v20, v3  }
0x57: {  	v15 =	vld [tilespmem:s15+$0x3EF0];
	v9 =	vadd.f32 v11, v9;
	v11 =	vmul.f32 v24, v3;
	v13 =	vmul.f32 v13, v1  }
0x58: {  	v12 =	vld [tilespmem:s15+$0x3EE0];
	v17 =	vmul.f32 v17, v2;
	v7 =	vadd.f32 v16, v7;
	v16 =	vmul.f32 v22, v1  }
0x59: {  	v18 =	vld [tilespmem:s15+$0x3F00];
	v20 =	vmul.f32 v25, v2;
	v25 =	vmul.f32 v29, v2  }
0x5a: {  	v21 =	vld [tilespmem:s15+$0x3F10];
	v9 =	vadd.f32 v19, v9;
	v7 =	vadd.f32 v16, v7;
	v16 =	vmul.f32 v28, v3  }
0x5b: {  	v24 =	vld [tilespmem:s15+$0x3F30];
	v14 =	vmul.f32 v14, v3;
	v11 =	vadd.f32 v20, v11;
	v20 =	vmul.f32 v26, v1  }
0x5c: {  	v26 =	vld [tilespmem:s15+$0x3F40];
	v7 =	vadd.f32 v23, v7;
	v16 =	vadd.f32 v25, v16;
	v23 =	vmul.f32 v30, v1  }
0x5d: {  	v19 =	vmul.f32 v27, v0;
	v22 =	vld [tilespmem:s15+$0x3F20];
	v14 =	vadd.f32 v17, v14;
	v12 =	vmul.f32 v12, v1  }
0x5e: {  	v11 =	vadd.f32 v20, v11;
	v20 =	vld [tilespmem:s15+$0x3F50];
	v16 =	vadd.f32 v23, v16;
	v23 =	vmul.f32 v36, v2  }
0x5f: {  	(xrf2) =	vadd.scan.msk.f32 $0xffff, v4;
	v27 =	vmul.f32 v33, v2;
	v4 =	vmul.f32 v15, v0;
	v17 =	vld [tilespmem:s15+$0x3FD0]  }
0x60: {  	(xrf2) =	vadd.scan.msk.f32 $0xffff, v8;
	v8 =	vmul.f32 v24, v0;
	v12 =	vadd.f32 v12, v14;
	v25 =	vld [tilespmem:s15+$0x3F60];
	v6 =	vadd.f32 v23, v6  }
0x61: {  	v24 =	vld [tilespmem:s15+$0x4020];
	v11 =	vadd.f32 v19, v11;
	v19 =	vmul.f32 v32, v3;
	v14 =	vmul.f32 v26, v3  }
0x62: {  	v26 =	vld [tilespmem:s15+$0x3FF0];
	v15 =	vmul.f32 v22, v1;
	v4 =	vadd.f32 v4, v12;
	v6 =	vadd.f32 v13, v6  }
0x63: {  	v22 =	vld [tilespmem:s15+$0x4010];
	v19 =	vadd.f32 v27, v19;
	v27 =	vmul.f32 v34, v1;
	v20 =	vmul.f32 v20, v2  }
0x64: {  	v13 =	vld [tilespmem:s15+$0x3FC0];
	v6 =	vadd.f32 v10, v6;
	v10 =	vmul.f32 v18, v3;
	v18 =	vmul.f32 v21, v2  }
0x65: {  	v23 =	vld [tilespmem:s15+$0x3FA0];
	v19 =	vadd.f32 v27, v19;
	v14 =	vadd.f32 v20, v14;
	v20 =	vmul.f32 v25, v1  }
0x66: {  	(xrf2) =	vadd.scan.msk.f32 $0xffff, v5;
	v16 =	vadd.f32 v57, v16;
	v21 =	vld [tilespmem:s15+$0x3FE0];
	v10 =	vadd.f32 v18, v10  }
0x67: {  	(xrf2) =	vadd.scan.msk.f32 $0xffff, v9;
	v12 =	vmul.f32 v55, v0;
	v19 =	vadd.f32 v59, v19;
	v9 =	vadd.f32 v20, v14;
	v18 =	vld [tilespmem:s15+$0x4000]  }
0x68: {  	(xrf2) =	vadd.scan.msk.f32 $0xffff, v7;
	v27 =	vld [tilespmem:s15+$0x3FB0];
	v5 =	vadd.f32 v15, v10;
	v10 =	vmul.f32 v56, v3;
	v15 =	vmul.f32 v58, v2  }
0x69: {  	(xrf2) =	vadd.scan.msk.f32 $0xffff, v11;
	v14 =	vld [tilespmem:s15+$0x4040];
	v9 =	vadd.f32 v12, v9;
	v12 =	vmul.f32 v17, v2;
	v11 =	vmul.f32 v13, v3  }
0x6a: {  	v13 =	vld [tilespmem:s15+$0x4030];
	v5 =	vadd.f32 v8, v5;
	v7 =	vadd.f32 v15, v10;
	v8 =	vmul.f32 v23, v1  }
0x6b: {  	(xrf2) =	vadd.scan.msk.f32 $0xffff, v16;
	v11 =	vadd.f32 v12, v11;
	v12 =	vmul.f32 v21, v1;
	v10 =	vld [tilespmem:s15+$0x4050]  }
0x6c: {  	(xrf2) =	vadd.scan.msk.f32 $0xffff, v19;
	v15 =	vmul.f32 v22, v2;
	v7 =	vadd.f32 v8, v7;
	v8 =	vmul.f32 v18, v3  }
0x6d: {  	v16 =	vld [tilespmem:s15+$0x4060];
	v17 =	vmul.f32 v27, v0;
	(xrf2) =	vadd.scan.msk.f32 $0xffff, v6  }
0x6e: {  	v6 =	vmul.f32 v26, v0;
	(xrf2) =	vadd.scan.msk.f32 $0xffff, v4;
	v8 =	vadd.f32 v15, v8;
	v15 =	vmul.f32 v24, v1  }
0x6f: {  	v4 =	vadd.f32 v12, v11;
	v11 =	vmul.f32 v14, v3;
	v18 =	vld [tilespmem:s15+$0x4070];
	v12, _, _ =	vpop (xrf2);
	(xrf2) =	vadd.scan.msk.f32 $0xffff, v5;
	v5 =	vadd.f32 v17, v7  }
0x70: {  	v10 =	vmul.f32 v10, v2;
	v7 =	vadd.f32 v15, v8;
	v8 =	vmul.f32 v13, v0  }
0x71: {  	v4 =	vadd.f32 v6, v4  }
0x72: {  	v13, _, _ =	vpop (xrf2);
	(xrf2) =	vadd.scan.msk.f32 $0xffff, v9;
	v9 =	vmul.f32 v16, v1;
	v6 =	vadd.f32 v10, v11;
	v10 =	vbroadcast v12, $0xF  }
0x73: {  	v12, _, _ =	vpop (xrf2);
	(xrf2) =	vadd.scan.msk.f32 $0xffff, v5;
	v5 =	vadd.f32 v8, v7  }
0x74: {  	v11 =	vbroadcast v13, $0xF;
	v8, _, _ =	vpop (xrf2);
	(xrf2) =	vadd.scan.msk.f32 $0xffff, v4;
	v4 =	vadd.f32 v9, v6;
	v6 =	vmul.f32 v18, v0  }
0x75: {  	v7 =	vbroadcast v12, $0xF;
	v8 =	vbroadcast v8, $0xF  }
0x76: {  	v9 =	vsel vm0, v10, v11;
	v10, _, _ =	vpop (xrf2);
	v4 =	vadd.f32 v6, v4  }
0x77: {  	(xrf2) =	vadd.scan.msk.f32 $0xffff, v5;
	v7 =	vsel vm1, v9, v7;
	v5, _, _ =	vpop (xrf2);
	v9 =	vbroadcast v10, $0xF  }
0x78: {  	v7 =	vsel vm2, v7, v8;
	v5 =	vbroadcast v5, $0xF;
	v6, _, _ =	vpop (xrf2)  }
0x79: {  	v7 =	vsel vm3, v7, v9;
	v6 =	vbroadcast v6, $0xF;
	v8, _, _ =	vpop (xrf2)  }
0x7a: {  	(xrf2) =	vadd.scan.msk.f32 $0xffff, v4;
	v5 =	vsel vm4, v7, v5;
	v4, _, _ =	vpop (xrf2);
	v7 =	vbroadcast v8, $0xF  }
0x7b: {  	v8, _, _ =	vpop (xrf2);
	v5 =	vsel vm5, v5, v6  }
0x7c: {  	v5 =	vsel vm6, v5, v7;
	v7 =	vbroadcast v8, $0xF  }
0x7d: {  	v4 =	vbroadcast v4, $0xF  }
0x7e: {  	v6, _, _ =	vpop (xrf2)  }
0x7f: {  	v4 =	vsel vm7, v5, v4;
	v8, _, _ =	vpop (xrf2);
	v5 =	vbroadcast v6, $0xF  }
0x80: {  	v4 =	vsel vm8, v4, v7;
	v6 =	vbroadcast v8, $0xF;
	v7, _, _ =	vpop (xrf2)  }
0x81: {  	v4 =	vsel vm9, v4, v5;
	v5 =	vbroadcast v7, $0xF;
	v7, _, _ =	vpop (xrf2)  }
0x82: {  	v4 =	vsel vm10, v4, v6;
	v6 =	vbroadcast v7, $0xF;
	v7, _, _ =	vpop (xrf2)  }
0x83: {  	v4 =	vsel vm11, v4, v5;
	v5 =	vbroadcast v7, $0xF;
	_ =	sdelay $0x1  }
0x84: {  	s16 =	smul.u32 $0x28, s31  }
0x85: {  	v4 =	vsel vm12, v4, v6  }
0x86: {  	s14 =	sshll.u32 s16, $0x6;
	v4 =	vsel vm13, v4, v5;
	v5, _, _ =	vpop (xrf2)  }
0x87: {  	s14 =	sadd.s32 $0x400, s14;
	v4 =	vsel vm14, v4, v5  }
0x88: {  	s14 =	sand.u32 $0x3FFFFE00, s14;
	[tilespmem:s16+$0x1A480] =	vst v4  }
0x89: {  	v4 =	vld [tilespmem:s14+$0x3C80]  }
0x8a: {  	v5 =	vld [tilespmem:s14+$0x3C90]  }
0x8b: {  	v6 =	vld [tilespmem:s14+$0x3CA0]  }
0x8c: {  	v7 =	vld [tilespmem:s14+$0x3CB0]  }
0x8d: {  	v8 =	vld [tilespmem:s15+$0x40C0]  }
0x8e: {  	v9 =	vld [tilespmem:s15+$0x40D0]  }
0x8f: {  	v10 =	vld [tilespmem:s15+$0x40E0]  }
0x90: {  	v11 =	vld [tilespmem:s15+$0x40F0]  }
0x91: {  	v12 =	vld [tilespmem:s15+$0x4100]  }
0x92: {  	v13 =	vld [tilespmem:s15+$0x4110]  }
0x93: {  	v14 =	vld [tilespmem:s15+$0x4140]  }
0x94: {  	v15 =	vld [tilespmem:s15+$0x4150];
	v4 =	vmul.f32 v4, v3  }
0x95: {  	v16 =	vld [tilespmem:s15+$0x4120];
	v5 =	vmul.f32 v5, v2;
	v6 =	vmul.f32 v6, v1  }
0x96: {  	v17 =	vld [tilespmem:s15+$0x4160];
	v8 =	vmul.f32 v8, v3;
	v9 =	vmul.f32 v9, v2  }
0x97: {  	v4 =	vadd.f32 v5, v4;
	v5 =	vmul.f32 v7, v0;
	v7 =	vmul.f32 v10, v1;
	v10 =	vld [tilespmem:s15+$0x4130]  }
0x98: {  	v8 =	vadd.f32 v9, v8;
	v9 =	vmul.f32 v12, v3;
	v12 =	vmul.f32 v13, v2;
	v13 =	vld [tilespmem:s15+$0x4170]  }
0x99: {  	v4 =	vadd.f32 v6, v4;
	v6 =	vmul.f32 v14, v3;
	v14 =	vmul.f32 v15, v2  }
0x9a: {  	v7 =	vadd.f32 v7, v8;
	v8 =	vadd.f32 v12, v9;
	v9 =	vmul.f32 v16, v1  }
0x9b: {  	v11 =	vmul.f32 v11, v0;
	v12 =	vmul.f32 v17, v1;
	v6 =	vadd.f32 v14, v6  }
0x9c: {  	v4 =	vadd.f32 v5, v4;
	v5 =	vadd.f32 v9, v8;
	v8 =	vmul.f32 v10, v0  }
0x9d: {  	v7 =	vadd.f32 v11, v7;
	v9 =	vmul.f32 v13, v0;
	v6 =	vadd.f32 v12, v6  }
0x9e: {  	(xrf2) =	vadd.scan.msk.f32 $0xffff, v4;
	v4 =	vadd.f32 v8, v5  }
0x9f: {  	(xrf2) =	vadd.scan.msk.f32 $0xffff, v7;
	v5 =	vadd.f32 v9, v6  }
0xa0: {  	(xrf2) =	vadd.scan.msk.f32 $0xffff, v4  }
0xa1: {  	(xrf2) =	vadd.scan.msk.f32 $0xffff, v5;
	_ =	sdelay $0x6  }
0xa2: {  	v4, _, _ =	vpop (xrf2)  }
0xa3: {  	v4 =	vbroadcast v4, $0xF;
	v5, _, _ =	vpop (xrf2)  }
0xa4: {  	v5 =	vbroadcast v5, $0xF;
	v6, _, _ =	vpop (xrf2)  }
0xa5: {  	vm15 =	vcmask $0x310;
	v4 =	vnsel vm0, $0x0, v4;
	v6 =	vbroadcast v6, $0xF;
	v7, _, _ =	vpop (xrf2)  }
0xa6: {  	v4 =	vsel vm15, v4, v5;
	vm15 =	vcmask $0x710;
	v5 =	vbroadcast v7, $0xF  }
0xa7: {  	v4 =	vsel vm15, v4, v6;
	vm15 =	vcmask $0xB10  }
0xa8: {  	v4 =	vsel vm15, v4, v5  }
0xa9: {  	[tilespmem:s16+$0x1A490] =	vst v4  }
0xaa: {  	_ =	swait.ge [sflag:s21], $0x3200  }
0xab: {  	[sflag:s21] =	ssyncset.done $0x0  }
0xac: {  	[sflag:s21] =	ssyncadd.s32 $0xFFFFCE00  }
0xad: {  	_ =	swait.ge [sflag:s22], $0x3200  }
0xae: {  	[sflag:s22] =	ssyncset.done $0x0  }
0xaf: {  	s1 =	simm.s32 $0xDE80;
	[sflag:s22] =	ssyncadd.s32 $0xFFFFCE00  }
0xb0: {  	v4 =	vld [tilespmem:s1+$0x1B0]  }
0xb1: {  	v5 =	vld [tilespmem:s1+$0x1C0]  }
0xb2: {  	v8 =	vld [tilespmem:s1+$0x1A0]  }
0xb3: {  	v9 =	vld [tilespmem:s1+$0x130]  }
0xb4: {  	v10 =	vld [tilespmem:s1+$0x180]  }
0xb5: {  	v11 =	vld [tilespmem:s1+$0x190]  }
0xb6: {  	v12 =	vld [tilespmem:s1+$0xF0]  }
0xb7: {  	v13 =	vld [tilespmem:s1+$0x120]  }
0xb8: {  	v6 =	vld [tilespmem:s1+$0x140]  }
0xb9: {  	v14 =	vld [tilespmem:s1+$0xE0]  }
0xba: {  	v15 =	vld [tilespmem:s1+$0x100]  }
0xbb: {  	v16 =	vld [tilespmem:s1+$0x110]  }
0xbc: {  	v17 =	vld [tilespmem:s1+$0x70]  }
0xbd: {  	v18 =	vld [tilespmem:s1+$0xC0]  }
0xbe: {  	v19 =	vld [tilespmem:s1+$0xD0]  }
0xbf: {  	v20 =	vld [tilespmem:s1+$0x30]  }
0xc0: {  	v21 =	vld [tilespmem:s1+$0x60]  }
0xc1: {  	v7 =	vld [tilespmem:s1+$0x80]  }
0xc2: {  	v22 =	vld [tilespmem:s1+$0x20]  }
0xc3: {  	v23 =	vld [tilespmem:s1+$0x40]  }
0xc4: {  	v24 =	vld [tilespmem:s1+$0x50]  }
0xc5: {  	v25 =	vld [tilespmem:s1+$0xFFFFFFB0]  }
0xc6: {  	v26 =	vld [tilespmem:s1+$0x0];
	v10 =	vmul.f32 v10, v3;
	v11 =	vmul.f32 v11, v2  }
0xc7: {  	v27 =	vld [tilespmem:s1+$0x10];
	v8 =	vmul.f32 v8, v1;
	v15 =	vmul.f32 v15, v3  }
0xc8: {  	v60 =	vld [tilespmem:s1+$0xFFFFFF70];
	v16 =	vmul.f32 v16, v2;
	v18 =	vmul.f32 v18, v3;
	v10 =	vadd.f32 v11, v10  }
0xc9: {  	v61 =	vld [tilespmem:s1+$0xFFFFFFA0];
	v19 =	vmul.f32 v19, v2;
	v13 =	vmul.f32 v13, v1  }
0xca: {  	v62 =	vld [tilespmem:s1+$0xFFFFFF60];
	v4 =	vmul.f32 v4, v0;
	v8 =	vadd.f32 v8, v10;
	v10 =	vadd.f32 v16, v15  }
0xcb: {  	v14 =	vmul.f32 v14, v1;
	v15 =	vld [tilespmem:s1+$0xFFFFFF80];
	v16 =	vadd.f32 v19, v18  }
0xcc: {  	v9 =	vmul.f32 v9, v0;
	v18 =	vld [tilespmem:s1+$0xFFFFFF90];
	v10 =	vadd.f32 v13, v10;
	v4 =	vadd.f32 v4, v8  }
0xcd: {  	v63 =	vld [tilespmem:s1+$0xFFFFFEF0];
	v8 =	vadd.f32 v14, v16;
	v13 =	vmul.f32 v23, v3;
	v16 =	vmul.f32 v24, v2  }
0xce: {  	v12 =	vmul.f32 v12, v0;
	v11 =	vld [tilespmem:s1+$0xFFFFFFC0];
	v9 =	vadd.f32 v9, v10;
	(xrf2) =	vadd.scan.msk.f32 $0xffff, v4  }
0xcf: {  	v17 =	vmul.f32 v17, v0;
	v14 =	vld [tilespmem:s1+$0xFFFFFF40];
	v4 =	vmul.f32 v21, v1;
	v13 =	vadd.f32 v16, v13  }
0xd0: {  	v10 =	vld [tilespmem:s1+$0xFFFFFF50];
	v8 =	vadd.f32 v12, v8;
	v16 =	vmul.f32 v27, v2;
	(xrf2) =	vadd.scan.msk.f32 $0xffff, v9;
	v9 =	vmul.f32 v26, v3  }
0xd1: {  	v19 =	vld [tilespmem:s1+$0xFFFFFEE0];
	v15 =	vmul.f32 v15, v3;
	v18 =	vmul.f32 v18, v2;
	v4 =	vadd.f32 v4, v13  }
0xd2: {  	v12 =	vld [tilespmem:s1+$0xFFFFFEB0];
	v9 =	vadd.f32 v16, v9;
	v16 =	vmul.f32 v22, v1  }
0xd3: {  	(xrf2) =	vadd.scan.msk.f32 $0xffff, v8;
	v8 =	vld [tilespmem:s1+$0xFFFFFEC0];
	v15 =	vadd.f32 v18, v15;
	v4 =	vadd.f32 v17, v4  }
0xd4: {  	v21 =	vld [tilespmem:s1+$0xFFFFFED0];
	v18 =	vmul.f32 v61, v1;
	v9 =	vadd.f32 v16, v9;
	v16 =	vmul.f32 v20, v0  }
0xd5: {  	v13 =	vld [tilespmem:s1+$0xFFFFFF00];
	v17 =	vmul.f32 v14, v3;
	v10 =	vmul.f32 v10, v2;
	(xrf2) =	vadd.scan.msk.f32 $0xffff, v4  }
0xd6: {  	v23 =	vmul.f32 v62, v1;
	v22 =	vld [tilespmem:s1+$0xFFFFFE80];
	v9 =	vadd.f32 v16, v9  }
0xd7: {  	v15 =	vadd.f32 v18, v15;
	v18 =	vmul.f32 v25, v0;
	v20 =	vld [tilespmem:s1+$0xFFFFFE90];
	v10 =	vadd.f32 v10, v17  }
0xd8: {  	v14 =	vld [tilespmem:s1+$0xFFFFFEA0];
	v24 =	vmul.f32 v8, v3;
	v8, _, _ =	vpop (xrf2);
	(xrf2) =	vadd.scan.msk.f32 $0xffff, v9  }
0xd9: {  	v21 =	vmul.f32 v21, v2;
	v25 =	vadd.f32 v18, v15;
	v17 =	vld [tilespmem:s1+$0xFFFFFE10];
	v10 =	vadd.f32 v23, v10  }
0xda: {  	v16 =	vld [tilespmem:s1+$0xFFFFFE00];
	v23 =	vmul.f32 v60, v0  }
0xdb: {  	v26 =	vmul.f32 v19, v1;
	v15 =	vld [tilespmem:s1+$0xFFFFFE20];
	v24 =	vadd.f32 v21, v24;
	v9, _, _ =	vpop (xrf2);
	(xrf2) =	vadd.scan.msk.f32 $0xffff, v25  }
0xdc: {  	v18 =	vld [tilespmem:s1+$0xFFFFFE40];
	v21 =	vmul.f32 v22, v3;
	v22 =	vmul.f32 v20, v2;
	v19 =	vadd.f32 v23, v10  }
0xdd: {  	s13 =	smul.u32 $0xC80, s31;
	s14 =	simm.s32 $0x0;
	s15 =	simm.s32 $0x40;
	v4 =	vmov s30;
	v20 =	vld [tilespmem:s1+$0xFFFFFE50];
	v23 =	vadd.f32 v26, v24;
	v24 =	vmul.f32 v63, v0;
	v10, _, _ =	vpop (xrf2)  }
.LBB2_3:
0xde: {  	p0 =	sne.s32 s15, $0x600;
	v25 =	vld [tilespmem:s1+$0xFFFFFE30];
	v21 =	vadd.f32 v22, v21;
	v22 =	vmul.f32 v14, v1;
	(xrf2) =	vadd.scan.msk.f32 $0xffff, v19  }
0xdf: {  	v16 =	vmul.f32 v16, v3;
	v17 =	vmul.f32 v17, v2;
	v19 =	vld [tilespmem:s1+$0xFFFFFE60];
	v24 =	vadd.f32 v24, v23;
	v14, _, _ =	vpop (xrf2)  }
0xe0: {  	v12 =	vmul.f32 v12, v0;
	v21 =	vadd.f32 v22, v21;
	v22 =	vld [tilespmem:s1+$0xFFFFFF10]  }
0xe1: {  	v15 =	vmul.f32 v15, v1;
	v16 =	vadd.f32 v17, v16;
	v17 =	vld [tilespmem:s1+$0xFFFFFE70];
	(xrf2) =	vadd.scan.msk.f32 $0xffff, v24  }
0xe2: {  	v18 =	vmul.f32 v18, v3;
	v20 =	vmul.f32 v20, v2;
	v12 =	vadd.f32 v12, v21;
	v21 =	vld [tilespmem:s1+$0xFFFFFF20];
	v23, _, _ =	vpop (xrf2)  }
0xe3: {  	v15 =	vadd.f32 v15, v16;
	v16 =	vmul.f32 v25, v0;
	v24 =	vld [tilespmem:s1+$0xFFFFFFD0]  }
0xe4: {  	v18 =	vadd.f32 v20, v18;
	v19 =	vmul.f32 v19, v1;
	v20 =	vld [tilespmem:s1+$0xFFFFFF30];
	(xrf2) =	vadd.scan.msk.f32 $0xffff, v12  }
0xe5: {  	v13 =	vmul.f32 v13, v3;
	v12 =	vadd.f32 v16, v15;
	v15 =	vmul.f32 v22, v2;
	v16 =	vld [tilespmem:s1+$0xFFFFFFE0];
	v22, _, _ =	vpop (xrf2)  }
0xe6: {  	v18 =	vadd.f32 v19, v18;
	v17 =	vmul.f32 v17, v0;
	v19 =	vld [tilespmem:s1+$0x90]  }
0xe7: {  	v13 =	vadd.f32 v15, v13;
	v15 =	vmul.f32 v21, v1;
	v21 =	vld [tilespmem:s1+$0xFFFFFFF0];
	(xrf2) =	vadd.scan.msk.f32 $0xffff, v12  }
0xe8: {  	v11 =	vmul.f32 v11, v3;
	v12 =	vadd.f32 v17, v18;
	v17 =	vmul.f32 v24, v2;
	v18 =	vld [tilespmem:s1+$0xA0];
	v24, _, _ =	vpop (xrf2)  }
0xe9: {  	v13 =	vadd.f32 v15, v13;
	v15 =	vmul.f32 v20, v0;
	v20 =	vld [tilespmem:s1+$0x150]  }
0xea: {  	v11 =	vadd.f32 v17, v11;
	v16 =	vmul.f32 v16, v1;
	v17 =	vld [tilespmem:s1+$0xB0];
	(xrf2) =	vadd.scan.msk.f32 $0xffff, v12  }
0xeb: {  	v7 =	vmul.f32 v7, v3;
	v12 =	vadd.f32 v15, v13;
	v13 =	vmul.f32 v19, v2;
	v15 =	vld [tilespmem:s1+$0x160];
	v19, _, _ =	vpop (xrf2)  }
0xec: {  	v11 =	vadd.f32 v16, v11;
	v25 =	vmul.f32 v21, v0;
	v21 =	vld [tilespmem:s1+$0x1D0]  }
0xed: {  	v7 =	vadd.f32 v13, v7;
	v13 =	vmul.f32 v18, v1;
	v18 =	vld [tilespmem:s1+$0x170];
	(xrf2) =	vadd.scan.msk.f32 $0xffff, v12  }
0xee: {  	v6 =	vmul.f32 v6, v3;
	v11 =	vadd.f32 v25, v11;
	v12 =	vmul.f32 v20, v2;
	v16, _, _ =	vpop (xrf2)  }
0xef: {  	v7 =	vadd.f32 v13, v7;
	v20 =	vmul.f32 v17, v0;
	v17 =	vld [tilespmem:s1+$0x1E0]  }
0xf0: {  	v6 =	vadd.f32 v12, v6;
	v12 =	vmul.f32 v15, v1;
	(xrf2) =	vadd.scan.msk.f32 $0xffff, v11  }
0xf1: {  	v5 =	vmul.f32 v5, v3;
	v7 =	vadd.f32 v20, v7;
	v11 =	vld [tilespmem:s1+$0x1F0];
	v13, _, _ =	vpop (xrf2)  }
0xf2: {  	v15 =	vmul.f32 v21, v2;
	v6 =	vadd.f32 v12, v6;
	v18 =	vmul.f32 v18, v0  }
0xf3: {  	(xrf2) =	vadd.scan.msk.f32 $0xffff, v7  }
0xf4: {  	v5 =	vadd.f32 v15, v5;
	v6 =	vadd.f32 v18, v6;
	v7 =	vmul.f32 v17, v1;
	v12, _, _ =	vpop (xrf2)  }
0xf5: {  	v13 =	vbroadcast v13, $0xF;
	v17 =	vbroadcast v12, $0xF  }
0xf6: {  	v15 =	vbroadcast v16, $0xF;
	v5 =	vadd.f32 v7, v5;
	v7 =	vmul.f32 v11, v0;
	(xrf2) =	vadd.scan.msk.f32 $0xffff, v6  }
0xf7: {  	v11 =	vbroadcast v19, $0xF;
	v6 =	vsel vm0, v13, v17;
	v12, _, _ =	vpop (xrf2)  }
0xf8: {  	v6 =	vsel vm1, v6, v15;
	v13 =	vbroadcast v12, $0xF;
	v5 =	vadd.f32 v7, v5  }
0xf9: {  	v7 =	vbroadcast v24, $0xF;
	v6 =	vsel vm2, v6, v11  }
0xfa: {  	v6 =	vsel vm3, v6, v13;
	v13 =	vbroadcast v22, $0xF;
	v12, _, _ =	vpop (xrf2);
	(xrf2) =	vadd.scan.msk.f32 $0xffff, v5  }
0xfb: {  	v5 =	vsel vm4, v6, v7;
	v6 =	vbroadcast v12, $0xF  }
0xfc: {  	v7 =	vbroadcast v23, $0xF;
	v5 =	vsel vm5, v5, v13  }
0xfd: {  	v5 =	vsel vm6, v5, v6;
	v6 =	vbroadcast v14, $0xF;
	v11, _, _ =	vpop (xrf2)  }
0xfe: {  	v5 =	vsel vm7, v5, v7;
	v7 =	vbroadcast v11, $0xF  }
0xff: {  	v5 =	vsel vm8, v5, v6;
	v6 =	vbroadcast v10, $0xF  }
0x100: {  	v5 =	vsel vm9, v5, v7;
	v7 =	vbroadcast v9, $0xF;
	v9, _, _ =	vpop (xrf2)  }
0x101: {  	v5 =	vsel vm10, v5, v6;
	v9 =	vbroadcast v9, $0xF  }
0x102: {  	v5 =	vsel vm11, v5, v7;
	v7 =	vbroadcast v8, $0xF  }
0x103: {  	v5 =	vsel vm12, v5, v9  }
0x104: {  	v5 =	vsel vm13, v5, v7;
	v6, _, _ =	vpop (xrf2)  }
0x105: {  	s16 =	sshra.s32 s14, $0x2;
	s14 =	smov.u32 s15;
	v5 =	vsel vm14, v5, v6  }
0x106: {  	s1 =	sadd.s32 $0x400, s1;
	[tilespmem:v4+s16+$0x0 ss:$0x1] =	vst.idx.msk $0xffff, v5  }
0x107: {  	v8 =	vld [tilespmem:s1+$0x1B0]  }
0x108: {  	v5 =	vld [tilespmem:s1+$0x1C0]  }
0x109: {  	v9 =	vld [tilespmem:s1+$0x1A0]  }
0x10a: {  	v10 =	vld [tilespmem:s1+$0x130]  }
0x10b: {  	v11 =	vld [tilespmem:s1+$0x180]  }
0x10c: {  	v12 =	vld [tilespmem:s1+$0x190]  }
0x10d: {  	v13 =	vld [tilespmem:s1+$0xF0]  }
0x10e: {  	v14 =	vld [tilespmem:s1+$0x120]  }
0x10f: {  	v6 =	vld [tilespmem:s1+$0x140]  }
0x110: {  	v15 =	vld [tilespmem:s1+$0xE0]  }
0x111: {  	v16 =	vld [tilespmem:s1+$0x100]  }
0x112: {  	v17 =	vld [tilespmem:s1+$0x110]  }
0x113: {  	v18 =	vld [tilespmem:s1+$0x70]  }
0x114: {  	v19 =	vld [tilespmem:s1+$0xC0]  }
0x115: {  	v20 =	vld [tilespmem:s1+$0xD0]  }
0x116: {  	v21 =	vld [tilespmem:s1+$0x30]  }
0x117: {  	v22 =	vld [tilespmem:s1+$0x60]  }
0x118: {  	v7 =	vld [tilespmem:s1+$0x80]  }
0x119: {  	v23 =	vld [tilespmem:s1+$0x20]  }
0x11a: {  	v24 =	vld [tilespmem:s1+$0x40]  }
0x11b: {  	v11 =	vmul.f32 v11, v3;
	v12 =	vmul.f32 v12, v2;
	v25 =	vld [tilespmem:s1+$0x50]  }
0x11c: {  	v26 =	vld [tilespmem:s1+$0xFFFFFFB0]  }
0x11d: {  	v9 =	vmul.f32 v9, v1;
	v11 =	vadd.f32 v12, v11;
	v27 =	vld [tilespmem:s1+$0x0]  }
0x11e: {  	v16 =	vmul.f32 v16, v3;
	v17 =	vmul.f32 v17, v2;
	v12 =	vld [tilespmem:s1+$0x10]  }
0x11f: {  	v8 =	vmul.f32 v8, v0;
	v9 =	vadd.f32 v9, v11;
	v28 =	vld [tilespmem:s1+$0xFFFFFF70]  }
0x120: {  	v14 =	vmul.f32 v14, v1;
	v16 =	vadd.f32 v17, v16;
	v29 =	vld [tilespmem:s1+$0xFFFFFFA0]  }
0x121: {  	v8 =	vadd.f32 v8, v9;
	v17 =	vmul.f32 v19, v3;
	v19 =	vmul.f32 v20, v2;
	v11 =	vld [tilespmem:s1+$0xFFFFFFC0]  }
0x122: {  	v10 =	vmul.f32 v10, v0;
	v14 =	vadd.f32 v14, v16;
	v9 =	vld [tilespmem:s1+$0xFFFFFF60]  }
0x123: {  	v15 =	vmul.f32 v15, v1;
	v17 =	vadd.f32 v19, v17;
	v16 =	vld [tilespmem:s1+$0xFFFFFF80];
	(xrf2) =	vadd.scan.msk.f32 $0xffff, v8  }
0x124: {  	v10 =	vadd.f32 v10, v14;
	v19 =	vmul.f32 v24, v3;
	v20 =	vmul.f32 v25, v2;
	v8 =	vld [tilespmem:s1+$0xFFFFFF90]  }
0x125: {  	v13 =	vmul.f32 v13, v0;
	v14 =	vadd.f32 v15, v17;
	v24 =	vld [tilespmem:s1+$0xFFFFFEF0]  }
0x126: {  	v17 =	vadd.f32 v20, v19;
	v19 =	vmul.f32 v22, v1;
	v15 =	vld [tilespmem:s1+$0xFFFFFF40];
	(xrf2) =	vadd.scan.msk.f32 $0xffff, v10  }
0x127: {  	v13 =	vadd.f32 v13, v14;
	v20 =	vmul.f32 v27, v3;
	v22 =	vmul.f32 v12, v2;
	v10 =	vld [tilespmem:s1+$0xFFFFFF50]  }
0x128: {  	v14 =	vadd.f32 v19, v17;
	v17 =	vmul.f32 v18, v0;
	v12 =	vld [tilespmem:s1+$0xFFFFFEB0]  }
0x129: {  	v19 =	vadd.f32 v22, v20;
	v20 =	vmul.f32 v23, v1;
	v18 =	vld [tilespmem:s1+$0xFFFFFEE0];
	(xrf2) =	vadd.scan.msk.f32 $0xffff, v13  }
0x12a: {  	v14 =	vadd.f32 v17, v14;
	v16 =	vmul.f32 v16, v3;
	v25 =	vmul.f32 v8, v2;
	v22 =	vld [tilespmem:s1+$0xFFFFFEC0]  }
0x12b: {  	v19 =	vadd.f32 v20, v19;
	v20 =	vmul.f32 v21, v0;
	v17 =	vld [tilespmem:s1+$0xFFFFFED0]  }
0x12c: {  	v21 =	vmul.f32 v29, v1;
	v16 =	vadd.f32 v25, v16;
	v13 =	vld [tilespmem:s1+$0xFFFFFF00];
	(xrf2) =	vadd.scan.msk.f32 $0xffff, v14  }
0x12d: {  	v19 =	vadd.f32 v20, v19;
	v15 =	vmul.f32 v15, v3;
	v10 =	vmul.f32 v10, v2;
	v23 =	vld [tilespmem:s1+$0xFFFFFE80];
	v8, _, _ =	vpop (xrf2)  }
0x12e: {  	v25 =	vmul.f32 v26, v0;
	v21 =	vadd.f32 v21, v16;
	v20 =	vld [tilespmem:s1+$0xFFFFFE90]  }
0x12f: {  	v10 =	vadd.f32 v10, v15;
	v15 =	vmul.f32 v9, v1;
	v14 =	vld [tilespmem:s1+$0xFFFFFEA0];
	(xrf2) =	vadd.scan.msk.f32 $0xffff, v19  }
.Ltmp0:
0x130: {  	v19 =	vmul.f32 v22, v3;
	v21 =	vadd.f32 v25, v21;
	v16 =	vld [tilespmem:s1+$0xFFFFFE00];
	v22 =	vmul.f32 v17, v2;
	v9, _, _ =	vpop (xrf2);
	(pc) =	sbr.rel @p0 .LBB2_3-.Ltmp0, $4  }
0x131: {  	v25 =	vmul.f32 v28, v0;
	v29 =	vadd.f32 v15, v10;
	v17 =	vld [tilespmem:s1+$0xFFFFFE10]  }
0x132: {  	v27 =	vmul.f32 v18, v1;
	v15 =	vld [tilespmem:s1+$0xFFFFFE20];
	v26 =	vadd.f32 v22, v19;
	(xrf2) =	vadd.scan.msk.f32 $0xffff, v21  }
0x133: {  	v21 =	vmul.f32 v23, v3;
	v19 =	vadd.f32 v25, v29;
	v18 =	vld [tilespmem:s1+$0xFFFFFE40];
	v22 =	vmul.f32 v20, v2;
	v10, _, _ =	vpop (xrf2)  }
0x134: {  	s15 =	sadd.s32 $0x40, s15;
	v24 =	vmul.f32 v24, v0;
	v20 =	vld [tilespmem:s1+$0xFFFFFE50];
	v23 =	vadd.f32 v27, v26  }
0x135: {  	v25 =	vld [tilespmem:s1+$0xFFFFFE30]  }
0x136: {  	v26 =	vld [tilespmem:s1+$0xFFFFFE60]  }
0x137: {  	v21 =	vadd.f32 v22, v21;
	v14 =	vmul.f32 v14, v1;
	v22 =	vld [tilespmem:s1+$0xFFFFFF10]  }
0x138: {  	v16 =	vmul.f32 v16, v3;
	v17 =	vmul.f32 v17, v2;
	v23 =	vadd.f32 v24, v23;
	v24 =	vld [tilespmem:s1+$0xFFFFFE70]  }
0x139: {  	v14 =	vadd.f32 v14, v21;
	v21 =	vld [tilespmem:s1+$0xFFFFFF20];
	v18 =	vmul.f32 v18, v3;
	v20 =	vmul.f32 v20, v2  }
0x13a: {  	v12 =	vmul.f32 v12, v0;
	v15 =	vmul.f32 v15, v1;
	v16 =	vadd.f32 v17, v16;
	v17 =	vld [tilespmem:s1+$0xFFFFFFD0]  }
0x13b: {  	v13 =	vmul.f32 v13, v3;
	v18 =	vadd.f32 v20, v18;
	v20 =	vmul.f32 v26, v1;
	v26 =	vld [tilespmem:s1+$0xFFFFFF30]  }
0x13c: {  	v25 =	vmul.f32 v25, v0;
	v15 =	vadd.f32 v15, v16;
	v16 =	vmul.f32 v22, v2;
	v22 =	vld [tilespmem:s1+$0xFFFFFFE0]  }
0x13d: {  	(xrf2) =	vadd.scan.msk.f32 $0xffff, v19;
	v19 =	vld [tilespmem:s1+$0x90];
	v12 =	vadd.f32 v12, v14;
	v14 =	vadd.f32 v20, v18;
	v18 =	vmul.f32 v24, v0  }
0x13e: {  	(xrf2) =	vadd.scan.msk.f32 $0xffff, v23;
	v15 =	vadd.f32 v25, v15;
	v13 =	vadd.f32 v16, v13;
	v16 =	vmul.f32 v21, v1;
	v20 =	vld [tilespmem:s1+$0xFFFFFFF0]  }
0x13f: {  	v11 =	vmul.f32 v11, v3;
	(xrf2) =	vadd.scan.msk.f32 $0xffff, v12;
	v12 =	vadd.f32 v18, v14;
	v14 =	vmul.f32 v17, v2;
	v17 =	vld [tilespmem:s1+$0xA0]  }
0x140: {  	(xrf2) =	vadd.scan.msk.f32 $0xffff, v15;
	v13 =	vadd.f32 v16, v13;
	v16 =	vld [tilespmem:s1+$0x150];
	v15 =	vmul.f32 v26, v0  }
0x141: {  	v18 =	vld [tilespmem:s1+$0xB0];
	v11 =	vadd.f32 v14, v11;
	v14 =	vmul.f32 v22, v1  }
0x142: {  	v7 =	vmul.f32 v7, v3;
	(xrf2) =	vadd.scan.msk.f32 $0xffff, v12;
	v12 =	vadd.f32 v15, v13;
	v13 =	vmul.f32 v19, v2;
	v15 =	vld [tilespmem:s1+$0x160]  }
0x143: {  	v11 =	vadd.f32 v14, v11;
	v14 =	vmul.f32 v20, v0  }
0x144: {  	v7 =	vadd.f32 v13, v7;
	v13 =	vmul.f32 v17, v1;
	v17 =	vld [tilespmem:s1+$0x170]  }
0x145: {  	v6 =	vmul.f32 v6, v3;
	v19 =	vld [tilespmem:s1+$0x1D0];
	v20, _, _ =	vpop (xrf2);
	(xrf2) =	vadd.scan.msk.f32 $0xffff, v12;
	v11 =	vadd.f32 v14, v11;
	v14 =	vmul.f32 v16, v2  }
0x146: {  	v12, _, _ =	vpop (xrf2);
	v7 =	vadd.f32 v13, v7  }
0x147: {  	v13 =	vmul.f32 v18, v0;
	v18 =	vld [tilespmem:s1+$0x1E0];
	v16, _, _ =	vpop (xrf2);
	v6 =	vadd.f32 v14, v6;
	v14 =	vmul.f32 v15, v1  }
0x148: {  	v3 =	vmul.f32 v5, v3;
	v21, _, _ =	vpop (xrf2)  }
0x149: {  	(xrf2) =	vadd.scan.msk.f32 $0xffff, v11;
	v11, _, _ =	vpop (xrf2);
	v6 =	vadd.f32 v14, v6;
	v14 =	vmul.f32 v17, v0  }
0x14a: {  	v2 =	vmul.f32 v19, v2;
	v5, _, _ =	vpop (xrf2)  }
0x14b: {  	v7 =	vadd.f32 v13, v7;
	v13 =	vld [tilespmem:s1+$0x1F0];
	v15, _, _ =	vpop (xrf2);
	v6 =	vadd.f32 v14, v6  }
0x14c: {  	v2 =	vadd.f32 v2, v3;
	v1 =	vmul.f32 v18, v1;
	v3, _, _ =	vpop (xrf2)  }
0x14d: {  	(xrf2) =	vadd.scan.msk.f32 $0xffff, v7;
	v7 =	vbroadcast v15, $0xF;
	v3 =	vbroadcast v3, $0xF  }
0x14e: {  	v5 =	vbroadcast v5, $0xF  }
0x14f: {  	v1 =	vadd.f32 v1, v2;
	(xrf2) =	vadd.scan.msk.f32 $0xffff, v6;
	v2 =	vsel vm0, v7, v3;
	v6, _, _ =	vpop (xrf2)  }
0x150: {  	v0 =	vmul.f32 v13, v0;
	v2 =	vsel vm1, v2, v5;
	v5 =	vbroadcast v6, $0xF  }
0x151: {  	v3 =	vbroadcast v11, $0xF  }
0x152: {  	v0 =	vadd.f32 v0, v1  }
0x153: {  	v1 =	vsel vm2, v2, v3;
	v2 =	vbroadcast v21, $0xF;
	v3 =	vbroadcast v16, $0xF  }
0x154: {  	v1 =	vsel vm3, v1, v5;
	v5, _, _ =	vpop (xrf2)  }
0x155: {  	(xrf2) =	vadd.scan.msk.f32 $0xffff, v0;
	v0 =	vsel vm4, v1, v2;
	v1 =	vbroadcast v5, $0xF  }
0x156: {  	v2 =	vbroadcast v12, $0xF;
	v0 =	vsel vm5, v0, v3  }
0x157: {  	v3, _, _ =	vpop (xrf2);
	v0 =	vsel vm6, v0, v1;
	v1 =	vbroadcast v20, $0xF  }
0x158: {  	v0 =	vsel vm7, v0, v2;
	v2 =	vbroadcast v3, $0xF  }
0x159: {  	v0 =	vsel vm8, v0, v1;
	v1 =	vbroadcast v10, $0xF  }
0x15a: {  	v3, _, _ =	vpop (xrf2);
	v0 =	vsel vm9, v0, v2  }
0x15b: {  	v2 =	vbroadcast v9, $0xF;
	v0 =	vsel vm10, v0, v1;
	v1 =	vbroadcast v3, $0xF;
	_ =	sdelay $0x1  }
0x15c: {  	v0 =	vsel vm11, v0, v2;
	v2 =	vbroadcast v8, $0xF  }
0x15d: {  	v0 =	vsel vm12, v0, v1  }
0x15e: {  	p0 =	seq.s32 s31, $0xF;
	v0 =	vsel vm13, v0, v2;
	v1, _, _ =	vpop (xrf2)  }
0x15f: {  	s14 =	sshra.s32 s14, $0x2;
	s13 =	sshra.s32 @!p0 s13, $0x2;
	v0 =	vsel vm14, v0, v1  }
0x160: {  	s15 =	simm.s32 @!p0 $0xDC80;
	s1 =	sadd.s32 @!p0 $0x5A0, s13;
	[tilespmem:v4+s14+$0x0 ss:$0x1] =	vst.idx.msk $0xffff, v0;
	s14 =	simm.s32 @!p0 $0xC8  }
0x161: {  	[tilespmem:s15], [sflag:$0x2] =	stream.indirect.gather @!p0 [hbm4b:s3+s14], $0x40, s1, s14, $0xb8;
	[tilespmem:$0x1D920] =	vst v63  }
0x162: {  	s1 =	sadd.s32 @!p0 $0x668, s13;
	s13 =	simm.s32 @!p0 $0x10E80;
	s15 =	sshll.u32 s0, $0x6  }
0x163: {  	[tilespmem:s13], [sflag:$0x3] =	stream.indirect.gather @!p0 [hbm4b:s3+s14], $0x40, s1, s14, $0xb8;
	[tilespmem:$0x1D920] =	vst v63  }
0x164: {  	s1 =	sand.u32 $0x3FFFFFC0, s15  }
0x165: {  	v3 =	vld [tilespmem:s1+$0x3480]  }
0x166: {  	s16 =	smul.u32 $0x1400, s0;
	v2 =	vld [tilespmem:s1+$0x3490]  }
0x167: {  	v1 =	vld [tilespmem:s1+$0x34A0]  }
0x168: {  	s14 =	sshra.s32 s16, $0x2;
	v0 =	vld [tilespmem:s1+$0x34B0]  }
0x169: {  	v4 =	vld [tilespmem:s14+$0x3C80]  }
0x16a: {  	v5 =	vld [tilespmem:s14+$0x3C90]  }
0x16b: {  	v6 =	vld [tilespmem:s14+$0x3CA0]  }
0x16c: {  	v7 =	vld [tilespmem:s14+$0x3CB0]  }
0x16d: {  	v8 =	vld [tilespmem:s14+$0x3CC0]  }
0x16e: {  	v9 =	vld [tilespmem:s14+$0x3CD0]  }
0x16f: {  	v10 =	vld [tilespmem:s14+$0x3CE0]  }
0x170: {  	v11 =	vld [tilespmem:s14+$0x3CF0]  }
0x171: {  	v12 =	vld [tilespmem:s14+$0x3D00]  }
0x172: {  	v13 =	vld [tilespmem:s14+$0x3D10]  }
0x173: {  	v14 =	vld [tilespmem:s14+$0x3D20]  }
0x174: {  	v15 =	vld [tilespmem:s14+$0x3D30]  }
0x175: {  	v16 =	vld [tilespmem:s14+$0x3D40]  }
0x176: {  	v17 =	vld [tilespmem:s14+$0x3D50]  }
0x177: {  	v18 =	vld [tilespmem:s14+$0x3D60]  }
0x178: {  	v19 =	vld [tilespmem:s14+$0x3D70]  }
0x179: {  	v20 =	vld [tilespmem:s14+$0x3D80]  }
0x17a: {  	v21 =	vld [tilespmem:s14+$0x3D90]  }
0x17b: {  	v22 =	vld [tilespmem:s14+$0x3DA0]  }
0x17c: {  	v23 =	vld [tilespmem:s14+$0x3DB0]  }
0x17d: {  	v24 =	vld [tilespmem:s14+$0x3DC0]  }
0x17e: {  	v25 =	vld [tilespmem:s14+$0x3DD0]  }
0x17f: {  	v26 =	vld [tilespmem:s14+$0x3DE0]  }
0x180: {  	v27 =	vld [tilespmem:s14+$0x3DF0]  }
0x181: {  	v28 =	vld [tilespmem:s14+$0x3E00]  }
0x182: {  	v29 =	vld [tilespmem:s14+$0x3E10]  }
0x183: {  	v30 =	vld [tilespmem:s14+$0x3E20]  }
0x184: {  	v31 =	vld [tilespmem:s14+$0x3E30]  }
0x185: {  	v32 =	vld [tilespmem:s14+$0x3E40]  }
0x186: {  	v33 =	vld [tilespmem:s14+$0x3E50];
	v4 =	vmul.f32 v4, v3;
	v5 =	vmul.f32 v5, v2  }
0x187: {  	v35 =	vld [tilespmem:s14+$0x3E70];
	v8 =	vmul.f32 v8, v3;
	v9 =	vmul.f32 v9, v2  }
0x188: {  	v34 =	vld [tilespmem:s14+$0x3E60];
	v7 =	vmul.f32 v7, v0;
	v11 =	vmul.f32 v11, v0  }
0x189: {  	v36 =	vld [tilespmem:s14+$0x3E90];
	v19 =	vmul.f32 v19, v0;
	v4 =	vadd.f32 v5, v4;
	v5 =	vmul.f32 v6, v1  }
0x18a: {  	v55 =	vld [tilespmem:s14+$0x3F70];
	v23 =	vmul.f32 v23, v0;
	v8 =	vadd.f32 v9, v8;
	v9 =	vmul.f32 v10, v1  }
0x18b: {  	v6 =	vld [tilespmem:s14+$0x3E80];
	v4 =	vadd.f32 v5, v4;
	v5 =	vmul.f32 v12, v3;
	v12 =	vmul.f32 v13, v2  }
0x18c: {  	v57 =	vmul.f32 v31, v0;
	v59 =	vmul.f32 v35, v0;
	v10 =	vld [tilespmem:s14+$0x3EB0];
	v8 =	vadd.f32 v9, v8  }
0x18d: {  	v13 =	vld [tilespmem:s14+$0x3EA0];
	v9 =	vmul.f32 v16, v3;
	v5 =	vadd.f32 v12, v5;
	v12 =	vmul.f32 v14, v1  }
0x18e: {  	v16 =	vmul.f32 v17, v2;
	v17 =	vld [tilespmem:s14+$0x3ED0];
	v4 =	vadd.f32 v7, v4;
	v7 =	vmul.f32 v15, v0  }
0x18f: {  	v56 =	vld [tilespmem:s14+$0x3F80];
	v8 =	vadd.f32 v11, v8;
	v11 =	vmul.f32 v18, v1;
	v5 =	vadd.f32 v12, v5  }
0x190: {  	v58 =	vld [tilespmem:s14+$0x3F90];
	v9 =	vadd.f32 v16, v9;
	v16 =	vmul.f32 v21, v2;
	v6 =	vmul.f32 v6, v3  }
0x191: {  	v14 =	vld [tilespmem:s14+$0x3EC0];
	v10 =	vmul.f32 v10, v0;
	v5 =	vadd.f32 v7, v5;
	v7 =	vmul.f32 v20, v3  }
0x192: {  	v15 =	vld [tilespmem:s14+$0x3EF0];
	v9 =	vadd.f32 v11, v9;
	v11 =	vmul.f32 v24, v3;
	v13 =	vmul.f32 v13, v1  }
0x193: {  	v12 =	vld [tilespmem:s14+$0x3EE0];
	v17 =	vmul.f32 v17, v2;
	v7 =	vadd.f32 v16, v7;
	v16 =	vmul.f32 v22, v1  }
0x194: {  	v18 =	vld [tilespmem:s14+$0x3F00];
	v20 =	vmul.f32 v25, v2;
	v25 =	vmul.f32 v29, v2  }
0x195: {  	v21 =	vld [tilespmem:s14+$0x3F10];
	v9 =	vadd.f32 v19, v9;
	v7 =	vadd.f32 v16, v7;
	v16 =	vmul.f32 v28, v3  }
0x196: {  	v24 =	vld [tilespmem:s14+$0x3F30];
	v14 =	vmul.f32 v14, v3;
	v11 =	vadd.f32 v20, v11;
	v20 =	vmul.f32 v26, v1  }
0x197: {  	v26 =	vld [tilespmem:s14+$0x3F40];
	v7 =	vadd.f32 v23, v7;
	v16 =	vadd.f32 v25, v16;
	v23 =	vmul.f32 v30, v1  }
0x198: {  	v19 =	vmul.f32 v27, v0;
	v22 =	vld [tilespmem:s14+$0x3F20];
	v14 =	vadd.f32 v17, v14;
	v12 =	vmul.f32 v12, v1  }
0x199: {  	v11 =	vadd.f32 v20, v11;
	v20 =	vld [tilespmem:s14+$0x3F50];
	v16 =	vadd.f32 v23, v16;
	v23 =	vmul.f32 v36, v2  }
0x19a: {  	(xrf2) =	vadd.scan.msk.f32 $0xffff, v4;
	v27 =	vmul.f32 v33, v2;
	v4 =	vmul.f32 v15, v0;
	v17 =	vld [tilespmem:s14+$0x3FD0]  }
0x19b: {  	(xrf2) =	vadd.scan.msk.f32 $0xffff, v8;
	v8 =	vmul.f32 v24, v0;
	v12 =	vadd.f32 v12, v14;
	v25 =	vld [tilespmem:s14+$0x3F60];
	v6 =	vadd.f32 v23, v6  }
0x19c: {  	v24 =	vld [tilespmem:s14+$0x4020];
	v11 =	vadd.f32 v19, v11;
	v19 =	vmul.f32 v32, v3;
	v14 =	vmul.f32 v26, v3  }
0x19d: {  	v26 =	vld [tilespmem:s14+$0x3FF0];
	v15 =	vmul.f32 v22, v1;
	v4 =	vadd.f32 v4, v12;
	v6 =	vadd.f32 v13, v6  }
0x19e: {  	v22 =	vld [tilespmem:s14+$0x4010];
	v19 =	vadd.f32 v27, v19;
	v27 =	vmul.f32 v34, v1;
	v20 =	vmul.f32 v20, v2  }
0x19f: {  	v13 =	vld [tilespmem:s14+$0x3FC0];
	v6 =	vadd.f32 v10, v6;
	v10 =	vmul.f32 v18, v3;
	v18 =	vmul.f32 v21, v2  }
0x1a0: {  	v23 =	vld [tilespmem:s14+$0x3FA0];
	v19 =	vadd.f32 v27, v19;
	v14 =	vadd.f32 v20, v14;
	v20 =	vmul.f32 v25, v1  }
0x1a1: {  	(xrf2) =	vadd.scan.msk.f32 $0xffff, v5;
	v16 =	vadd.f32 v57, v16;
	v21 =	vld [tilespmem:s14+$0x3FE0];
	v10 =	vadd.f32 v18, v10  }
0x1a2: {  	(xrf2) =	vadd.scan.msk.f32 $0xffff, v9;
	v12 =	vmul.f32 v55, v0;
	v19 =	vadd.f32 v59, v19;
	v9 =	vadd.f32 v20, v14;
	v18 =	vld [tilespmem:s14+$0x4000]  }
0x1a3: {  	(xrf2) =	vadd.scan.msk.f32 $0xffff, v7;
	v27 =	vld [tilespmem:s14+$0x3FB0];
	v5 =	vadd.f32 v15, v10;
	v10 =	vmul.f32 v56, v3;
	v15 =	vmul.f32 v58, v2  }
0x1a4: {  	(xrf2) =	vadd.scan.msk.f32 $0xffff, v11;
	v14 =	vld [tilespmem:s14+$0x4040];
	v9 =	vadd.f32 v12, v9;
	v12 =	vmul.f32 v17, v2;
	v11 =	vmul.f32 v13, v3  }
0x1a5: {  	v13 =	vld [tilespmem:s14+$0x4030];
	v5 =	vadd.f32 v8, v5;
	v7 =	vadd.f32 v15, v10;
	v8 =	vmul.f32 v23, v1  }
0x1a6: {  	(xrf2) =	vadd.scan.msk.f32 $0xffff, v16;
	v11 =	vadd.f32 v12, v11;
	v12 =	vmul.f32 v21, v1;
	v10 =	vld [tilespmem:s14+$0x4050]  }
0x1a7: {  	(xrf2) =	vadd.scan.msk.f32 $0xffff, v19;
	v15 =	vmul.f32 v22, v2;
	v7 =	vadd.f32 v8, v7;
	v8 =	vmul.f32 v18, v3  }
0x1a8: {  	v16 =	vld [tilespmem:s14+$0x4060];
	v17 =	vmul.f32 v27, v0;
	(xrf2) =	vadd.scan.msk.f32 $0xffff, v6  }
0x1a9: {  	v6 =	vmul.f32 v26, v0;
	(xrf2) =	vadd.scan.msk.f32 $0xffff, v4;
	v8 =	vadd.f32 v15, v8;
	v15 =	vmul.f32 v24, v1  }
0x1aa: {  	v4 =	vadd.f32 v12, v11;
	v11 =	vmul.f32 v14, v3;
	v18 =	vld [tilespmem:s14+$0x4070];
	v12, _, _ =	vpop (xrf2);
	(xrf2) =	vadd.scan.msk.f32 $0xffff, v5;
	v5 =	vadd.f32 v17, v7  }
0x1ab: {  	v10 =	vmul.f32 v10, v2;
	v7 =	vadd.f32 v15, v8;
	v8 =	vmul.f32 v13, v0  }
0x1ac: {  	v4 =	vadd.f32 v6, v4  }
0x1ad: {  	v13, _, _ =	vpop (xrf2);
	(xrf2) =	vadd.scan.msk.f32 $0xffff, v9;
	v9 =	vmul.f32 v16, v1;
	v6 =	vadd.f32 v10, v11;
	v10 =	vbroadcast v12, $0xF  }
0x1ae: {  	v12, _, _ =	vpop (xrf2);
	(xrf2) =	vadd.scan.msk.f32 $0xffff, v5;
	v5 =	vadd.f32 v8, v7  }
0x1af: {  	v11 =	vbroadcast v13, $0xF;
	v8, _, _ =	vpop (xrf2);
	(xrf2) =	vadd.scan.msk.f32 $0xffff, v4;
	v4 =	vadd.f32 v9, v6;
	v6 =	vmul.f32 v18, v0  }
0x1b0: {  	v7 =	vbroadcast v12, $0xF;
	v8 =	vbroadcast v8, $0xF  }
0x1b1: {  	v9 =	vsel vm0, v10, v11;
	v10, _, _ =	vpop (xrf2);
	v4 =	vadd.f32 v6, v4  }
0x1b2: {  	(xrf2) =	vadd.scan.msk.f32 $0xffff, v5;
	v7 =	vsel vm1, v9, v7;
	v5, _, _ =	vpop (xrf2);
	v9 =	vbroadcast v10, $0xF  }
0x1b3: {  	v7 =	vsel vm2, v7, v8;
	v5 =	vbroadcast v5, $0xF;
	v6, _, _ =	vpop (xrf2)  }
0x1b4: {  	v7 =	vsel vm3, v7, v9;
	v6 =	vbroadcast v6, $0xF;
	v8, _, _ =	vpop (xrf2)  }
0x1b5: {  	(xrf2) =	vadd.scan.msk.f32 $0xffff, v4;
	v5 =	vsel vm4, v7, v5;
	v4, _, _ =	vpop (xrf2);
	v7 =	vbroadcast v8, $0xF  }
0x1b6: {  	v8, _, _ =	vpop (xrf2);
	v5 =	vsel vm5, v5, v6  }
0x1b7: {  	v5 =	vsel vm6, v5, v7;
	v7 =	vbroadcast v8, $0xF  }
0x1b8: {  	v4 =	vbroadcast v4, $0xF  }
0x1b9: {  	v6, _, _ =	vpop (xrf2)  }
0x1ba: {  	v4 =	vsel vm7, v5, v4;
	v8, _, _ =	vpop (xrf2);
	v5 =	vbroadcast v6, $0xF  }
0x1bb: {  	v4 =	vsel vm8, v4, v7;
	v6 =	vbroadcast v8, $0xF;
	v7, _, _ =	vpop (xrf2)  }
0x1bc: {  	v4 =	vsel vm9, v4, v5;
	v5 =	vbroadcast v7, $0xF;
	v7, _, _ =	vpop (xrf2)  }
0x1bd: {  	v4 =	vsel vm10, v4, v6;
	v6 =	vbroadcast v7, $0xF;
	v7, _, _ =	vpop (xrf2)  }
0x1be: {  	v4 =	vsel vm11, v4, v5;
	v5 =	vbroadcast v7, $0xF;
	_ =	sdelay $0x1  }
0x1bf: {  	s15 =	smul.u32 $0x14, s0  }
0x1c0: {  	v4 =	vsel vm12, v4, v6  }
0x1c1: {  	s16 =	sshll.u32 s15, $0x6;
	v4 =	vsel vm13, v4, v5;
	v5, _, _ =	vpop (xrf2)  }
0x1c2: {  	s13 =	sadd.s32 $0x400, s16;
	v4 =	vsel vm14, v4, v5  }
0x1c3: {  	s13 =	sand.u32 $0x3FFFFF00, s13;
	[tilespmem:s15+$0x1A480] =	vst v4  }
0x1c4: {  	v4 =	vld [tilespmem:s13+$0x3C80]  }
0x1c5: {  	v5 =	vld [tilespmem:s13+$0x3C90]  }
0x1c6: {  	v6 =	vld [tilespmem:s13+$0x3CA0]  }
0x1c7: {  	v7 =	vld [tilespmem:s13+$0x3CB0]  }
0x1c8: {  	v8 =	vld [tilespmem:s14+$0x40C0]  }
0x1c9: {  	v9 =	vld [tilespmem:s14+$0x40D0]  }
0x1ca: {  	v10 =	vld [tilespmem:s14+$0x40E0]  }
0x1cb: {  	v11 =	vld [tilespmem:s14+$0x40F0]  }
0x1cc: {  	v12 =	vld [tilespmem:s14+$0x4100]  }
0x1cd: {  	v13 =	vld [tilespmem:s14+$0x4110]  }
0x1ce: {  	v14 =	vld [tilespmem:s14+$0x4140]  }
0x1cf: {  	v15 =	vld [tilespmem:s14+$0x4150];
	v4 =	vmul.f32 v4, v3  }
0x1d0: {  	v16 =	vld [tilespmem:s14+$0x4120];
	v5 =	vmul.f32 v5, v2;
	v6 =	vmul.f32 v6, v1  }
0x1d1: {  	v17 =	vld [tilespmem:s14+$0x4160];
	v8 =	vmul.f32 v8, v3;
	v9 =	vmul.f32 v9, v2  }
0x1d2: {  	v4 =	vadd.f32 v5, v4;
	v5 =	vmul.f32 v7, v0;
	v7 =	vmul.f32 v10, v1;
	v10 =	vld [tilespmem:s14+$0x4130]  }
0x1d3: {  	v8 =	vadd.f32 v9, v8;
	v9 =	vmul.f32 v12, v3;
	v12 =	vmul.f32 v13, v2;
	v13 =	vld [tilespmem:s14+$0x4170]  }
0x1d4: {  	v4 =	vadd.f32 v6, v4;
	v6 =	vmul.f32 v14, v3;
	v14 =	vmul.f32 v15, v2  }
0x1d5: {  	v7 =	vadd.f32 v7, v8;
	v8 =	vadd.f32 v12, v9;
	v9 =	vmul.f32 v16, v1  }
0x1d6: {  	v11 =	vmul.f32 v11, v0;
	v12 =	vmul.f32 v17, v1;
	v6 =	vadd.f32 v14, v6  }
0x1d7: {  	v4 =	vadd.f32 v5, v4;
	v5 =	vadd.f32 v9, v8;
	v8 =	vmul.f32 v10, v0  }
0x1d8: {  	v7 =	vadd.f32 v11, v7;
	v9 =	vmul.f32 v13, v0;
	v6 =	vadd.f32 v12, v6  }
0x1d9: {  	(xrf2) =	vadd.scan.msk.f32 $0xffff, v4;
	v4 =	vadd.f32 v8, v5  }
0x1da: {  	(xrf2) =	vadd.scan.msk.f32 $0xffff, v7;
	v5 =	vadd.f32 v9, v6  }
0x1db: {  	(xrf2) =	vadd.scan.msk.f32 $0xffff, v4  }
0x1dc: {  	(xrf2) =	vadd.scan.msk.f32 $0xffff, v5;
	_ =	sdelay $0x6  }
0x1dd: {  	v4, _, _ =	vpop (xrf2)  }
0x1de: {  	v4 =	vbroadcast v4, $0xF;
	v5, _, _ =	vpop (xrf2)  }
0x1df: {  	v5 =	vbroadcast v5, $0xF;
	v6, _, _ =	vpop (xrf2)  }
0x1e0: {  	vm15 =	vcmask $0x310;
	v4 =	vnsel vm0, $0x0, v4;
	v6 =	vbroadcast v6, $0xF;
	v7, _, _ =	vpop (xrf2)  }
0x1e1: {  	v4 =	vsel vm15, v4, v5;
	vm15 =	vcmask $0x710;
	v5 =	vbroadcast v7, $0xF  }
0x1e2: {  	v4 =	vsel vm15, v4, v6;
	vm15 =	vcmask $0xB10  }
0x1e3: {  	v4 =	vsel vm15, v4, v5  }
0x1e4: {  	[tilespmem:s15+$0x1A490] =	vst v4  }
0x1e5: {  	_ =	swait.ge [sflag:s23], $0x3200  }
0x1e6: {  	[sflag:s23] =	ssyncset.done $0x0  }
0x1e7: {  	[sflag:s23] =	ssyncadd.s32 $0xFFFFCE00  }
0x1e8: {  	_ =	swait.ge [sflag:s24], $0x3200  }
0x1e9: {  	[sflag:s24] =	ssyncset.done $0x0  }
0x1ea: {  	s0 =	simm.s32 $0x14280;
	[sflag:s24] =	ssyncadd.s32 $0xFFFFCE00  }
0x1eb: {  	v4 =	vld [tilespmem:s0+$0x1B0]  }
0x1ec: {  	v5 =	vld [tilespmem:s0+$0x1C0]  }
0x1ed: {  	v8 =	vld [tilespmem:s0+$0x1A0]  }
0x1ee: {  	v9 =	vld [tilespmem:s0+$0x130]  }
0x1ef: {  	v10 =	vld [tilespmem:s0+$0x180]  }
0x1f0: {  	v11 =	vld [tilespmem:s0+$0x190]  }
0x1f1: {  	v12 =	vld [tilespmem:s0+$0xF0]  }
0x1f2: {  	v13 =	vld [tilespmem:s0+$0x120]  }
0x1f3: {  	v6 =	vld [tilespmem:s0+$0x140]  }
0x1f4: {  	v14 =	vld [tilespmem:s0+$0xE0]  }
0x1f5: {  	v15 =	vld [tilespmem:s0+$0x100]  }
0x1f6: {  	v16 =	vld [tilespmem:s0+$0x110]  }
0x1f7: {  	v17 =	vld [tilespmem:s0+$0x70]  }
0x1f8: {  	v18 =	vld [tilespmem:s0+$0xC0]  }
0x1f9: {  	v19 =	vld [tilespmem:s0+$0xD0]  }
0x1fa: {  	v20 =	vld [tilespmem:s0+$0x30]  }
0x1fb: {  	v21 =	vld [tilespmem:s0+$0x60]  }
0x1fc: {  	v7 =	vld [tilespmem:s0+$0x80]  }
0x1fd: {  	v22 =	vld [tilespmem:s0+$0x20]  }
0x1fe: {  	v23 =	vld [tilespmem:s0+$0x40]  }
0x1ff: {  	v24 =	vld [tilespmem:s0+$0x50]  }
0x200: {  	v25 =	vld [tilespmem:s0+$0xFFFFFFB0]  }
0x201: {  	v26 =	vld [tilespmem:s0+$0x0];
	v10 =	vmul.f32 v10, v3;
	v11 =	vmul.f32 v11, v2  }
0x202: {  	v27 =	vld [tilespmem:s0+$0x10];
	v8 =	vmul.f32 v8, v1;
	v15 =	vmul.f32 v15, v3  }
0x203: {  	v60 =	vld [tilespmem:s0+$0xFFFFFF70];
	v16 =	vmul.f32 v16, v2;
	v18 =	vmul.f32 v18, v3;
	v10 =	vadd.f32 v11, v10  }
0x204: {  	v61 =	vld [tilespmem:s0+$0xFFFFFFA0];
	v19 =	vmul.f32 v19, v2;
	v13 =	vmul.f32 v13, v1  }
0x205: {  	v62 =	vld [tilespmem:s0+$0xFFFFFF60];
	v4 =	vmul.f32 v4, v0;
	v8 =	vadd.f32 v8, v10;
	v10 =	vadd.f32 v16, v15  }
0x206: {  	v14 =	vmul.f32 v14, v1;
	v15 =	vld [tilespmem:s0+$0xFFFFFF80];
	v16 =	vadd.f32 v19, v18  }
0x207: {  	v9 =	vmul.f32 v9, v0;
	v18 =	vld [tilespmem:s0+$0xFFFFFF90];
	v10 =	vadd.f32 v13, v10;
	v4 =	vadd.f32 v4, v8  }
0x208: {  	v63 =	vld [tilespmem:s0+$0xFFFFFEF0];
	v8 =	vadd.f32 v14, v16;
	v13 =	vmul.f32 v23, v3;
	v16 =	vmul.f32 v24, v2  }
0x209: {  	v12 =	vmul.f32 v12, v0;
	v11 =	vld [tilespmem:s0+$0xFFFFFFC0];
	v9 =	vadd.f32 v9, v10;
	(xrf2) =	vadd.scan.msk.f32 $0xffff, v4  }
0x20a: {  	v17 =	vmul.f32 v17, v0;
	v14 =	vld [tilespmem:s0+$0xFFFFFF40];
	v4 =	vmul.f32 v21, v1;
	v13 =	vadd.f32 v16, v13  }
0x20b: {  	v10 =	vld [tilespmem:s0+$0xFFFFFF50];
	v8 =	vadd.f32 v12, v8;
	v16 =	vmul.f32 v27, v2;
	(xrf2) =	vadd.scan.msk.f32 $0xffff, v9;
	v9 =	vmul.f32 v26, v3  }
0x20c: {  	v19 =	vld [tilespmem:s0+$0xFFFFFEE0];
	v15 =	vmul.f32 v15, v3;
	v18 =	vmul.f32 v18, v2;
	v4 =	vadd.f32 v4, v13  }
0x20d: {  	v12 =	vld [tilespmem:s0+$0xFFFFFEB0];
	v9 =	vadd.f32 v16, v9;
	v16 =	vmul.f32 v22, v1  }
0x20e: {  	(xrf2) =	vadd.scan.msk.f32 $0xffff, v8;
	v8 =	vld [tilespmem:s0+$0xFFFFFEC0];
	v15 =	vadd.f32 v18, v15;
	v4 =	vadd.f32 v17, v4  }
0x20f: {  	v21 =	vld [tilespmem:s0+$0xFFFFFED0];
	v18 =	vmul.f32 v61, v1;
	v9 =	vadd.f32 v16, v9;
	v16 =	vmul.f32 v20, v0  }
0x210: {  	v13 =	vld [tilespmem:s0+$0xFFFFFF00];
	v17 =	vmul.f32 v14, v3;
	v10 =	vmul.f32 v10, v2;
	(xrf2) =	vadd.scan.msk.f32 $0xffff, v4  }
0x211: {  	v23 =	vmul.f32 v62, v1;
	v22 =	vld [tilespmem:s0+$0xFFFFFE80];
	v9 =	vadd.f32 v16, v9  }
0x212: {  	v15 =	vadd.f32 v18, v15;
	v18 =	vmul.f32 v25, v0;
	v20 =	vld [tilespmem:s0+$0xFFFFFE90];
	v10 =	vadd.f32 v10, v17  }
0x213: {  	v14 =	vld [tilespmem:s0+$0xFFFFFEA0];
	v24 =	vmul.f32 v8, v3;
	v8, _, _ =	vpop (xrf2);
	(xrf2) =	vadd.scan.msk.f32 $0xffff, v9  }
0x214: {  	v21 =	vmul.f32 v21, v2;
	v25 =	vadd.f32 v18, v15;
	v17 =	vld [tilespmem:s0+$0xFFFFFE10];
	v10 =	vadd.f32 v23, v10  }
0x215: {  	v26 =	vmul.f32 v60, v0;
	v16 =	vld [tilespmem:s0+$0xFFFFFE00]  }
0x216: {  	v27 =	vmul.f32 v19, v1;
	v15 =	vld [tilespmem:s0+$0xFFFFFE20];
	v24 =	vadd.f32 v21, v24;
	v9, _, _ =	vpop (xrf2);
	(xrf2) =	vadd.scan.msk.f32 $0xffff, v25  }
0x217: {  	v18 =	vld [tilespmem:s0+$0xFFFFFE40];
	v21 =	vmul.f32 v22, v3;
	v23 =	vmul.f32 v20, v2;
	v19 =	vadd.f32 v26, v10  }
0x218: {  	s1 =	simm.s32 $0x0;
	s13 =	simm.s32 $0x40;
	v4 =	vmov s29;
	v20 =	vld [tilespmem:s0+$0xFFFFFE50];
	v22 =	vadd.f32 v27, v24;
	v24 =	vmul.f32 v63, v0;
	v10, _, _ =	vpop (xrf2)  }
.LBB2_5:
0x219: {  	p0 =	sne.s32 s13, $0x600;
	v25 =	vld [tilespmem:s0+$0xFFFFFE30];
	v21 =	vadd.f32 v23, v21;
	v23 =	vmul.f32 v14, v1;
	(xrf2) =	vadd.scan.msk.f32 $0xffff, v19  }
0x21a: {  	v16 =	vmul.f32 v16, v3;
	v17 =	vmul.f32 v17, v2;
	v19 =	vld [tilespmem:s0+$0xFFFFFE60];
	v24 =	vadd.f32 v24, v22;
	v14, _, _ =	vpop (xrf2)  }
0x21b: {  	v12 =	vmul.f32 v12, v0;
	v21 =	vadd.f32 v23, v21;
	v23 =	vld [tilespmem:s0+$0xFFFFFF10]  }
0x21c: {  	v15 =	vmul.f32 v15, v1;
	v16 =	vadd.f32 v17, v16;
	v17 =	vld [tilespmem:s0+$0xFFFFFE70];
	(xrf2) =	vadd.scan.msk.f32 $0xffff, v24  }
0x21d: {  	v18 =	vmul.f32 v18, v3;
	v20 =	vmul.f32 v20, v2;
	v12 =	vadd.f32 v12, v21;
	v21 =	vld [tilespmem:s0+$0xFFFFFF20];
	v22, _, _ =	vpop (xrf2)  }
0x21e: {  	v15 =	vadd.f32 v15, v16;
	v16 =	vmul.f32 v25, v0;
	v24 =	vld [tilespmem:s0+$0xFFFFFFD0]  }
0x21f: {  	v18 =	vadd.f32 v20, v18;
	v19 =	vmul.f32 v19, v1;
	v20 =	vld [tilespmem:s0+$0xFFFFFF30];
	(xrf2) =	vadd.scan.msk.f32 $0xffff, v12  }
0x220: {  	v13 =	vmul.f32 v13, v3;
	v12 =	vadd.f32 v16, v15;
	v15 =	vmul.f32 v23, v2;
	v16 =	vld [tilespmem:s0+$0xFFFFFFE0];
	v23, _, _ =	vpop (xrf2)  }
0x221: {  	v18 =	vadd.f32 v19, v18;
	v17 =	vmul.f32 v17, v0;
	v19 =	vld [tilespmem:s0+$0x90]  }
0x222: {  	v13 =	vadd.f32 v15, v13;
	v15 =	vmul.f32 v21, v1;
	v21 =	vld [tilespmem:s0+$0xFFFFFFF0];
	(xrf2) =	vadd.scan.msk.f32 $0xffff, v12  }
0x223: {  	v11 =	vmul.f32 v11, v3;
	v12 =	vadd.f32 v17, v18;
	v17 =	vmul.f32 v24, v2;
	v18 =	vld [tilespmem:s0+$0xA0];
	v24, _, _ =	vpop (xrf2)  }
0x224: {  	v13 =	vadd.f32 v15, v13;
	v15 =	vmul.f32 v20, v0;
	v20 =	vld [tilespmem:s0+$0x150]  }
0x225: {  	v11 =	vadd.f32 v17, v11;
	v16 =	vmul.f32 v16, v1;
	v17 =	vld [tilespmem:s0+$0xB0];
	(xrf2) =	vadd.scan.msk.f32 $0xffff, v12  }
0x226: {  	v7 =	vmul.f32 v7, v3;
	v12 =	vadd.f32 v15, v13;
	v13 =	vmul.f32 v19, v2;
	v15 =	vld [tilespmem:s0+$0x160];
	v19, _, _ =	vpop (xrf2)  }
0x227: {  	v11 =	vadd.f32 v16, v11;
	v25 =	vmul.f32 v21, v0;
	v21 =	vld [tilespmem:s0+$0x1D0]  }
0x228: {  	v7 =	vadd.f32 v13, v7;
	v13 =	vmul.f32 v18, v1;
	v18 =	vld [tilespmem:s0+$0x170];
	(xrf2) =	vadd.scan.msk.f32 $0xffff, v12  }
0x229: {  	v6 =	vmul.f32 v6, v3;
	v11 =	vadd.f32 v25, v11;
	v12 =	vmul.f32 v20, v2;
	v16, _, _ =	vpop (xrf2)  }
0x22a: {  	v7 =	vadd.f32 v13, v7;
	v20 =	vmul.f32 v17, v0;
	v17 =	vld [tilespmem:s0+$0x1E0]  }
0x22b: {  	v6 =	vadd.f32 v12, v6;
	v12 =	vmul.f32 v15, v1;
	(xrf2) =	vadd.scan.msk.f32 $0xffff, v11  }
0x22c: {  	v5 =	vmul.f32 v5, v3;
	v7 =	vadd.f32 v20, v7;
	v11 =	vld [tilespmem:s0+$0x1F0];
	v13, _, _ =	vpop (xrf2)  }
0x22d: {  	v15 =	vmul.f32 v21, v2;
	v6 =	vadd.f32 v12, v6;
	v18 =	vmul.f32 v18, v0  }
0x22e: {  	(xrf2) =	vadd.scan.msk.f32 $0xffff, v7  }
0x22f: {  	v5 =	vadd.f32 v15, v5;
	v6 =	vadd.f32 v18, v6;
	v7 =	vmul.f32 v17, v1;
	v12, _, _ =	vpop (xrf2)  }
0x230: {  	v13 =	vbroadcast v13, $0xF;
	v17 =	vbroadcast v12, $0xF  }
0x231: {  	v15 =	vbroadcast v16, $0xF;
	v5 =	vadd.f32 v7, v5;
	v7 =	vmul.f32 v11, v0;
	(xrf2) =	vadd.scan.msk.f32 $0xffff, v6  }
0x232: {  	v11 =	vbroadcast v19, $0xF;
	v6 =	vsel vm0, v13, v17;
	v12, _, _ =	vpop (xrf2)  }
0x233: {  	v6 =	vsel vm1, v6, v15;
	v13 =	vbroadcast v12, $0xF;
	v5 =	vadd.f32 v7, v5  }
0x234: {  	v7 =	vbroadcast v24, $0xF;
	v6 =	vsel vm2, v6, v11  }
0x235: {  	v6 =	vsel vm3, v6, v13;
	v13 =	vbroadcast v23, $0xF;
	v12, _, _ =	vpop (xrf2);
	(xrf2) =	vadd.scan.msk.f32 $0xffff, v5  }
0x236: {  	v5 =	vsel vm4, v6, v7;
	v6 =	vbroadcast v12, $0xF  }
0x237: {  	v7 =	vbroadcast v22, $0xF;
	v5 =	vsel vm5, v5, v13  }
0x238: {  	v5 =	vsel vm6, v5, v6;
	v6 =	vbroadcast v14, $0xF;
	v11, _, _ =	vpop (xrf2)  }
0x239: {  	v5 =	vsel vm7, v5, v7;
	v7 =	vbroadcast v11, $0xF  }
0x23a: {  	v5 =	vsel vm8, v5, v6;
	v6 =	vbroadcast v10, $0xF  }
0x23b: {  	v5 =	vsel vm9, v5, v7;
	v7 =	vbroadcast v9, $0xF;
	v9, _, _ =	vpop (xrf2)  }
0x23c: {  	v5 =	vsel vm10, v5, v6;
	v9 =	vbroadcast v9, $0xF  }
0x23d: {  	v5 =	vsel vm11, v5, v7;
	v7 =	vbroadcast v8, $0xF  }
0x23e: {  	v5 =	vsel vm12, v5, v9  }
0x23f: {  	v5 =	vsel vm13, v5, v7;
	v6, _, _ =	vpop (xrf2)  }
0x240: {  	s14 =	sshra.s32 s1, $0x2;
	s1 =	smov.u32 s13;
	v5 =	vsel vm14, v5, v6  }
0x241: {  	s0 =	sadd.s32 $0x400, s0;
	[tilespmem:v4+s14+$0x0 ss:$0x1] =	vst.idx.msk $0xffff, v5  }
0x242: {  	v8 =	vld [tilespmem:s0+$0x1B0]  }
0x243: {  	v5 =	vld [tilespmem:s0+$0x1C0]  }
0x244: {  	v9 =	vld [tilespmem:s0+$0x1A0]  }
0x245: {  	v10 =	vld [tilespmem:s0+$0x130]  }
0x246: {  	v11 =	vld [tilespmem:s0+$0x180]  }
0x247: {  	v12 =	vld [tilespmem:s0+$0x190]  }
0x248: {  	v13 =	vld [tilespmem:s0+$0xF0]  }
0x249: {  	v14 =	vld [tilespmem:s0+$0x120]  }
0x24a: {  	v6 =	vld [tilespmem:s0+$0x140]  }
0x24b: {  	v15 =	vld [tilespmem:s0+$0xE0]  }
0x24c: {  	v16 =	vld [tilespmem:s0+$0x100]  }
0x24d: {  	v17 =	vld [tilespmem:s0+$0x110]  }
0x24e: {  	v18 =	vld [tilespmem:s0+$0x70]  }
0x24f: {  	v19 =	vld [tilespmem:s0+$0xC0]  }
0x250: {  	v20 =	vld [tilespmem:s0+$0xD0]  }
0x251: {  	v21 =	vld [tilespmem:s0+$0x30]  }
0x252: {  	v22 =	vld [tilespmem:s0+$0x60]  }
0x253: {  	v7 =	vld [tilespmem:s0+$0x80]  }
0x254: {  	v23 =	vld [tilespmem:s0+$0x20]  }
0x255: {  	v24 =	vld [tilespmem:s0+$0x40]  }
0x256: {  	v11 =	vmul.f32 v11, v3;
	v12 =	vmul.f32 v12, v2;
	v25 =	vld [tilespmem:s0+$0x50]  }
0x257: {  	v26 =	vld [tilespmem:s0+$0xFFFFFFB0]  }
0x258: {  	v9 =	vmul.f32 v9, v1;
	v11 =	vadd.f32 v12, v11;
	v27 =	vld [tilespmem:s0+$0x0]  }
0x259: {  	v16 =	vmul.f32 v16, v3;
	v17 =	vmul.f32 v17, v2;
	v12 =	vld [tilespmem:s0+$0x10]  }
0x25a: {  	v8 =	vmul.f32 v8, v0;
	v9 =	vadd.f32 v9, v11;
	v28 =	vld [tilespmem:s0+$0xFFFFFF70]  }
0x25b: {  	v14 =	vmul.f32 v14, v1;
	v16 =	vadd.f32 v17, v16;
	v29 =	vld [tilespmem:s0+$0xFFFFFFA0]  }
0x25c: {  	v8 =	vadd.f32 v8, v9;
	v17 =	vmul.f32 v19, v3;
	v19 =	vmul.f32 v20, v2;
	v11 =	vld [tilespmem:s0+$0xFFFFFFC0]  }
0x25d: {  	v10 =	vmul.f32 v10, v0;
	v14 =	vadd.f32 v14, v16;
	v9 =	vld [tilespmem:s0+$0xFFFFFF60]  }
0x25e: {  	v15 =	vmul.f32 v15, v1;
	v17 =	vadd.f32 v19, v17;
	v16 =	vld [tilespmem:s0+$0xFFFFFF80];
	(xrf2) =	vadd.scan.msk.f32 $0xffff, v8  }
0x25f: {  	v10 =	vadd.f32 v10, v14;
	v19 =	vmul.f32 v24, v3;
	v20 =	vmul.f32 v25, v2;
	v8 =	vld [tilespmem:s0+$0xFFFFFF90]  }
0x260: {  	v13 =	vmul.f32 v13, v0;
	v14 =	vadd.f32 v15, v17;
	v24 =	vld [tilespmem:s0+$0xFFFFFEF0]  }
0x261: {  	v17 =	vadd.f32 v20, v19;
	v19 =	vmul.f32 v22, v1;
	v15 =	vld [tilespmem:s0+$0xFFFFFF40];
	(xrf2) =	vadd.scan.msk.f32 $0xffff, v10  }
0x262: {  	v13 =	vadd.f32 v13, v14;
	v20 =	vmul.f32 v27, v3;
	v22 =	vmul.f32 v12, v2;
	v10 =	vld [tilespmem:s0+$0xFFFFFF50]  }
0x263: {  	v14 =	vadd.f32 v19, v17;
	v17 =	vmul.f32 v18, v0;
	v12 =	vld [tilespmem:s0+$0xFFFFFEB0]  }
0x264: {  	v19 =	vadd.f32 v22, v20;
	v20 =	vmul.f32 v23, v1;
	v18 =	vld [tilespmem:s0+$0xFFFFFEE0];
	(xrf2) =	vadd.scan.msk.f32 $0xffff, v13  }
0x265: {  	v14 =	vadd.f32 v17, v14;
	v16 =	vmul.f32 v16, v3;
	v25 =	vmul.f32 v8, v2;
	v22 =	vld [tilespmem:s0+$0xFFFFFEC0]  }
0x266: {  	v19 =	vadd.f32 v20, v19;
	v20 =	vmul.f32 v21, v0;
	v17 =	vld [tilespmem:s0+$0xFFFFFED0]  }
0x267: {  	v21 =	vmul.f32 v29, v1;
	v16 =	vadd.f32 v25, v16;
	v13 =	vld [tilespmem:s0+$0xFFFFFF00];
	(xrf2) =	vadd.scan.msk.f32 $0xffff, v14  }
0x268: {  	v19 =	vadd.f32 v20, v19;
	v15 =	vmul.f32 v15, v3;
	v10 =	vmul.f32 v10, v2;
	v23 =	vld [tilespmem:s0+$0xFFFFFE80];
	v8, _, _ =	vpop (xrf2)  }
0x269: {  	v25 =	vmul.f32 v26, v0;
	v21 =	vadd.f32 v21, v16;
	v20 =	vld [tilespmem:s0+$0xFFFFFE90]  }
0x26a: {  	v10 =	vadd.f32 v10, v15;
	v15 =	vmul.f32 v9, v1;
	v14 =	vld [tilespmem:s0+$0xFFFFFEA0];
	(xrf2) =	vadd.scan.msk.f32 $0xffff, v19  }
.Ltmp1:
0x26b: {  	v19 =	vmul.f32 v22, v3;
	v21 =	vadd.f32 v25, v21;
	v16 =	vld [tilespmem:s0+$0xFFFFFE00];
	v22 =	vmul.f32 v17, v2;
	v9, _, _ =	vpop (xrf2);
	(pc) =	sbr.rel @p0 .LBB2_5-.Ltmp1, $4  }
0x26c: {  	v25 =	vmul.f32 v28, v0;
	v27 =	vadd.f32 v15, v10;
	v17 =	vld [tilespmem:s0+$0xFFFFFE10]  }
0x26d: {  	v26 =	vmul.f32 v18, v1;
	v15 =	vld [tilespmem:s0+$0xFFFFFE20];
	v22 =	vadd.f32 v22, v19;
	(xrf2) =	vadd.scan.msk.f32 $0xffff, v21  }
0x26e: {  	v21 =	vmul.f32 v23, v3;
	v19 =	vadd.f32 v25, v27;
	v18 =	vld [tilespmem:s0+$0xFFFFFE40];
	v23 =	vmul.f32 v20, v2;
	v10, _, _ =	vpop (xrf2)  }
0x26f: {  	s13 =	sadd.s32 $0x40, s13;
	v24 =	vmul.f32 v24, v0;
	v20 =	vld [tilespmem:s0+$0xFFFFFE50];
	v22 =	vadd.f32 v26, v22  }
0x270: {  	v25 =	vld [tilespmem:s0+$0xFFFFFE30]  }
0x271: {  	v26 =	vld [tilespmem:s0+$0xFFFFFE60];
	v14 =	vmul.f32 v14, v1  }
0x272: {  	v38 =	vld [tilespmem:s0+$0xFFFFFF10];
	v16 =	vmul.f32 v16, v3;
	v12 =	vmul.f32 v12, v0  }
0x273: {  	v39 =	vld [tilespmem:s0+$0xFFFFFE70];
	v13 =	vmul.f32 v13, v3;
	v17 =	vmul.f32 v17, v2  }
0x274: {  	v21 =	vadd.f32 v23, v21;
	v40 =	vld [tilespmem:s0+$0xFFFFFF20];
	v18 =	vmul.f32 v18, v3;
	v20 =	vmul.f32 v20, v2  }
0x275: {  	v41 =	vld [tilespmem:s0+$0xFFFFFFD0];
	v22 =	vadd.f32 v24, v22;
	v15 =	vmul.f32 v15, v1;
	v16 =	vadd.f32 v17, v16  }
0x276: {  	v43 =	vld [tilespmem:s0+$0xFFFFFF30];
	v14 =	vadd.f32 v14, v21;
	v42 =	vmul.f32 v26, v1;
	v18 =	vadd.f32 v20, v18  }
0x277: {  	v45 =	vld [tilespmem:s0+$0xFFFFFFE0];
	v25 =	vmul.f32 v25, v0;
	v15 =	vadd.f32 v15, v16;
	v44 =	vmul.f32 v38, v2  }
0x278: {  	(xrf2) =	vadd.scan.msk.f32 $0xffff, v19;
	v48 =	vld [tilespmem:s0+$0x90];
	v12 =	vadd.f32 v12, v14;
	v47 =	vmul.f32 v39, v0;
	v46 =	vadd.f32 v42, v18  }
0x279: {  	v50 =	vld [tilespmem:s0+$0xFFFFFFF0];
	(xrf2) =	vadd.scan.msk.f32 $0xffff, v22;
	v49 =	vmul.f32 v40, v1;
	v15 =	vadd.f32 v25, v15;
	v13 =	vadd.f32 v44, v13  }
0x27a: {  	v11 =	vmul.f32 v11, v3;
	v53 =	vld [tilespmem:s0+$0xA0];
	v52 =	vmul.f32 v41, v2;
	(xrf2) =	vadd.scan.msk.f32 $0xffff, v12;
	v51 =	vadd.f32 v47, v46  }
0x27b: {  	v55 =	vld [tilespmem:s0+$0x150];
	v54 =	vmul.f32 v43, v0;
	(xrf2) =	vadd.scan.msk.f32 $0xffff, v15;
	v13 =	vadd.f32 v49, v13  }
0x27c: {  	v57 =	vld [tilespmem:s0+$0xB0];
	v56 =	vmul.f32 v45, v1;
	v11 =	vadd.f32 v52, v11;
	(xrf2) =	vadd.scan.msk.f32 $0xffff, v51  }
0x27d: {  	v7 =	vmul.f32 v7, v3;
	v60 =	vld [tilespmem:s0+$0x160];
	v59 =	vmul.f32 v48, v2;
	v58 =	vadd.f32 v54, v13  }
0x27e: {  	v62 =	vld [tilespmem:s0+$0x1D0];
	v61 =	vmul.f32 v50, v0;
	v11 =	vadd.f32 v56, v11  }
0x27f: {  	v63, _, _ =	vpop (xrf2);
	v24 =	vmul.f32 v53, v1;
	v7 =	vadd.f32 v59, v7;
	v25 =	vld [tilespmem:s0+$0x170];
	(xrf2) =	vadd.scan.msk.f32 $0xffff, v58  }
0x280: {  	v6 =	vmul.f32 v6, v3;
	v26, _, _ =	vpop (xrf2);
	v27 =	vmul.f32 v55, v2;
	v11 =	vadd.f32 v61, v11  }
0x281: {  	v30 =	vld [tilespmem:s0+$0x1E0];
	v29 =	vmul.f32 v57, v0;
	v28, _, _ =	vpop (xrf2);
	v7 =	vadd.f32 v24, v7  }
0x282: {  	v32 =	vmul.f32 v60, v1;
	v6 =	vadd.f32 v27, v6;
	v31, _, _ =	vpop (xrf2);
	(xrf2) =	vadd.scan.msk.f32 $0xffff, v11  }
0x283: {  	v34 =	vld [tilespmem:s0+$0x1F0];
	v35 =	vmul.f32 v5, v3;
	v7 =	vadd.f32 v29, v7;
	v33, _, _ =	vpop (xrf2)  }
0x284: {  	v38 =	vmul.f32 v62, v2;
	v6 =	vadd.f32 v32, v6;
	v37 =	vmul.f32 v25, v0;
	v36, _, _ =	vpop (xrf2)  }
0x285: {  	(xrf2) =	vadd.scan.msk.f32 $0xffff, v7;
	v39, _, _ =	vpop (xrf2)  }
0x286: {  	v40 =	vmul.f32 v30, v1;
	v2 =	vadd.f32 v38, v35;
	v6 =	vadd.f32 v37, v6;
	v41, _, _ =	vpop (xrf2)  }
0x287: {  	v42 =	vbroadcast v39, $0xF;
	v3 =	vbroadcast v41, $0xF  }
0x288: {  	v43 =	vmul.f32 v34, v0;
	v1 =	vadd.f32 v40, v2;
	(xrf2) =	vadd.scan.msk.f32 $0xffff, v6;
	v5 =	vbroadcast v36, $0xF  }
0x289: {  	v45 =	vbroadcast v33, $0xF;
	v46, _, _ =	vpop (xrf2);
	v44 =	vsel vm0, v42, v3  }
0x28a: {  	v0 =	vadd.f32 v43, v1;
	v47 =	vbroadcast v46, $0xF;
	v2 =	vsel vm1, v44, v5  }
0x28b: {  	v49 =	vbroadcast v31, $0xF;
	v48 =	vsel vm2, v2, v45  }
0x28c: {  	v50 =	vbroadcast v28, $0xF;
	(xrf2) =	vadd.scan.msk.f32 $0xffff, v0;
	v51, _, _ =	vpop (xrf2);
	v1 =	vsel vm3, v48, v47  }
0x28d: {  	v53 =	vbroadcast v51, $0xF;
	v52 =	vsel vm4, v1, v49  }
0x28e: {  	v54 =	vbroadcast v26, $0xF;
	v0 =	vsel vm5, v52, v50  }
0x28f: {  	v55 =	vbroadcast v63, $0xF;
	v56, _, _ =	vpop (xrf2);
	v0 =	vsel vm6, v0, v53  }
0x290: {  	v57 =	vbroadcast v56, $0xF;
	v0 =	vsel vm7, v0, v54  }
0x291: {  	v58 =	vbroadcast v10, $0xF;
	v0 =	vsel vm8, v0, v55  }
0x292: {  	s31 =	sadd.s32 $0x1, s31;
	v59 =	vbroadcast v9, $0xF;
	v60, _, _ =	vpop (xrf2);
	v0 =	vsel vm9, v0, v57  }
0x293: {  	p0 =	sne.s32 s31, $0x10;
	v61 =	vbroadcast v60, $0xF;
	v0 =	vsel vm10, v0, v58  }
.Ltmp2:
0x294: {  	v62 =	vbroadcast v8, $0xF;
	v0 =	vsel vm11, v0, v59;
	(pc) =	sbr.rel @p0 .LBB2_2-.Ltmp2, $4  }
0x295: {  	v0 =	vsel vm12, v0, v61  }
0x296: {  	v63, _, _ =	vpop (xrf2);
	v0 =	vsel vm13, v0, v62  }
0x297: {  	s16 =	sshra.s32 s1, $0x2;
	v0 =	vsel vm14, v0, v63  }
0x298: {  	s30 =	sadd.s32 $0x320, s30;
	s29 =	sadd.s32 $0x320, s29;
	[tilespmem:v4+s16+$0x0 ss:$0x1] =	vst.idx.msk $0xffff, v0  }
0x299: {  	[hbm4b:s7+s2] =	stream.linear.scatter [tilespmem:s25], [sflag:$0x6], $0x280, $0x38;
	[tilespmem:$0x1D920] =	vst v63  }
0x29a: {  	s28 =	sadd.s32 $0x1, s28;
	_ =	swait.ge [sflag:s11], $0x280  }
0x29b: {  	p0 =	sne.s32 s28, s9;
	[sflag:s11] =	ssyncset.done $0x0  }
.Ltmp3:
0x29c: {  	[sflag:s11] =	ssyncadd.s32 $0xFFFFFD80;
	(pc) =	sbr.rel @p0 .LBB2_1-.Ltmp3, $4  }
0x29d: {  	[hbm4b:s8+s2] =	stream.linear.scatter [tilespmem:s26], [sflag:$0x6], $0x3200, $0x38;
	[tilespmem:$0x1D920] =	vst v63  }
0x29e: {  	_ =	swait.ge [sflag:s11], $0x3200  }
0x29f: {  	[sflag:s11] =	ssyncset.done $0x0  }
0x2a0: {  	[sflag:s11] =	ssyncadd.s32 $0xFFFFCE00  }
0x2a1: {  	_ =	sfence.sel $0x180000  }
0x2a2: {  	[bflag:$0x0] =	sbarrier.arrive $0xFFFF  }
0x2a3: {  	_ =	strace $0x90000047  }
0x2a4: {  	s0 =	stileid.u32;
	[bflag:$0x2] =	sbarrier.arrive $0xFFFF  }
0x2a5: {  	p0 =	sne.s32 s0, $0x0;
	s0 =	rddreg [dreg:$0x1]  }
0x2a6: {  	s0 =	sadd.s32 @!p0 $0x100000, s0  }
0x2a7: {  	[sflag:s0] =	ssyncadd.tile.s32 @!p0 $0x1;
	_ =	shalt  }
.Lfunc_end2:
_tile_overlayer_lowered:
.L_overlay_start_2:
0x2a8: {  	(tag) =	ssettag $0x2  }
0x2a9: {  	s0 =	rddreg [dreg:$0x0];
	s2 =	stileid.u32  }
0x2aa: {  	s1 =	rddreg [dreg:$0x1];
	p0 =	sne.s32 s2, $0x0  }
0x2ab: {  	s3 =	rddreg [dreg:$0x2];
	[bflag:$0x3] =	sbarrier.arrive $0xFFFF;
	s2 =	simm.s32 @!p0 $0x1C06  }
0x2ac: {  	[timem:s3], [sflag:s2] =	dma.local @!p0 [hbm:s0], s1  }
0x2ad: {  	s0 =	simm.s32 @!p0 $0x6  }
0x2ae: {  	_ =	swait.ge @!p0 [sflag:s0], s1  }
0x2af: {  	s1 =	ssub.s32 @!p0 $0x0, s1;
	[sflag:s0] =	ssyncset.done @!p0 $0x0  }
0x2b0: {  	[sflag:s0] =	ssyncadd.s32 @!p0 s1  }
0x2b1: {  	[bflag:$0x3] =	sbarrier.arrive $0xFFFF  }
0x2b2: {  	_ =	shalt  }

</sc_bundles>
